<compile_context>
chip_gen: v7x
topology: tpu7x:2x2x1
jax: 0.10.2.dev20260603
libtpu: 0.0.44.dev20260713+nightly
codegen_flags: <defaults>
</compile_context>

<pallas_src>
import functools

import jax
import jax.numpy as jnp
from jax import lax
from jax.experimental import pallas as pl
from jax.experimental.pallas import tpu as pltpu
from jax.experimental.pallas import tpu_sc as plsc

N = 65536
DIM = 256
CPAD = 128
NC = 2
NS = 16
NW = NC * NS
CH = 64
LANES = 16

N_TC = 61440
SC_ROWS = N - N_TC
ROWS_PER_W = SC_ROWS // NW
NCHUNK = ROWS_PER_W // CH


def _rsqrt16(t):
    i = lax.bitcast_convert_type(t, jnp.int32)
    y = lax.bitcast_convert_type(
        jnp.int32(0x5F3759DF) - lax.shift_right_logical(i, 1), jnp.float32
    )
    for _ in range(3):
        y = y * (1.5 - 0.5 * t * y * y)
    return y


def _lanesum(v):
    for m in (8, 4, 2, 1):
        idx = lax.iota(jnp.int32, LANES) ^ m
        v = v + v.at[idx].get(mode="promise_in_bounds")
    return v


NCLS = 81
ACCW = NCLS * DIM
RED = ACCW // NS


def _accumulate_chunk(buf, idx, acc_flat):
    def row_pair(p, _):
        for u in range(2):
            r = p * 2 + u
            xs = [buf[r, pl.ds(c * LANES, LANES)] for c in range(DIM // LANES)]
            ss = xs[0] * xs[0]
            for x in xs[1:]:
                ss = ss + x * x
            y = _rsqrt16(_lanesum(ss))
            g = idx[pl.ds(r, LANES)][0] * DIM
            for c, x in enumerate(xs):
                sl = pl.ds(g + c * LANES, LANES)
                acc_flat[sl] = acc_flat[sl] + x * y
        return 0

    lax.fori_loop(0, CH // 2, row_pair, 0)


def _sc_body(feat_hbm, gt_hbm, out_hbm,
             idx0, idx1, buf0, buf1, acc_flat, red_in, red_out, spmem_all,
             sem_b0, sem_b1, sem_i0, sem_i1):
    c = lax.axis_index("c")
    s = lax.axis_index("s")
    wid = s * NC + c
    base = N_TC + wid * ROWS_PER_W

    z16 = jnp.zeros((LANES,), jnp.float32)

    def zero_body(i, _):
        b = i * (8 * LANES)
        for j in range(8):
            acc_flat[pl.ds(b + j * LANES, LANES)] = z16
        return 0

    lax.fori_loop(0, ACCW // (8 * LANES), zero_body, 0)

    bufs = (buf0, buf1)
    idxs = (idx0, idx1)
    sems_b = (sem_b0, sem_b1)
    sems_i = (sem_i0, sem_i1)

    def start(k, slot):
        row0 = base + k * CH
        pltpu.make_async_copy(
            feat_hbm.at[pl.ds(row0, CH), :], bufs[slot], sems_b[slot]
        ).start()
        pltpu.make_async_copy(
            gt_hbm.at[pl.ds(row0, CH)], idxs[slot].at[pl.ds(0, CH)], sems_i[slot]
        ).start()

    def wait(k, slot):
        row0 = base + k * CH
        pltpu.make_async_copy(
            feat_hbm.at[pl.ds(row0, CH), :], bufs[slot], sems_b[slot]
        ).wait()
        pltpu.make_async_copy(
            gt_hbm.at[pl.ds(row0, CH)], idxs[slot].at[pl.ds(0, CH)], sems_i[slot]
        ).wait()

    def process(k, slot):
        wait(k, slot)
        _accumulate_chunk(bufs[slot], idxs[slot], acc_flat)

    start(0, 0)

    def chunk_body(p, _):
        k = p * 2
        start(k + 1, 1)
        process(k, 0)

        @pl.when(k + 2 < NCHUNK)
        def _():
            start(k + 2, 0)

        process(k + 1, 1)
        return 0

    lax.fori_loop(0, NCHUNK // 2, chunk_body, 0)

    pltpu.sync_copy(acc_flat, spmem_all.at[pl.ds(s * ACCW, ACCW)])
    plsc.subcore_barrier()
    copies = [
        pltpu.make_async_copy(
            spmem_all.at[pl.ds(t * ACCW + s * RED, RED)],
            red_in.at[pl.ds(t * RED, RED)],
            sem_b0,
        )
        for t in range(NS)
    ]
    for cp in copies:
        cp.start()
    for cp in copies:
        cp.wait()

    def red_i(i, _):
        o = i * LANES
        v = red_in[pl.ds(o, LANES)]
        for t in range(1, NS):
            v = v + red_in[pl.ds(t * RED + o, LANES)]
        red_out[pl.ds(o, LANES)] = v
        return 0

    lax.fori_loop(0, RED // LANES, red_i, 0)
    pltpu.sync_copy(red_out, out_hbm.at[pl.ds(c * ACCW + s * RED, RED)])


def _sc_segment_sums(feat, gt):
    mesh = plsc.VectorSubcoreMesh(core_axis_name="c", subcore_axis_name="s")
    fn = functools.partial(
        pl.kernel,
        mesh=mesh,
        compiler_params=pltpu.CompilerParams(needs_layout_passes=False),
        out_type=jax.ShapeDtypeStruct((NC * ACCW,), jnp.float32),
        scratch_types=[
            pltpu.VMEM((CH + LANES,), jnp.int32),
            pltpu.VMEM((CH + LANES,), jnp.int32),
            pltpu.VMEM((CH, DIM), jnp.float32),
            pltpu.VMEM((CH, DIM), jnp.float32),
            pltpu.VMEM((ACCW,), jnp.float32),
            pltpu.VMEM((NS * RED,), jnp.float32),
            pltpu.VMEM((RED,), jnp.float32),
            pltpu.VMEM_SHARED((NS * ACCW,), jnp.float32),
            pltpu.SemaphoreType.DMA,
            pltpu.SemaphoreType.DMA,
            pltpu.SemaphoreType.DMA,
            pltpu.SemaphoreType.DMA,
        ],
    )(_sc_body)
    return fn(feat, gt)


BLK = 12288
NBLK_TC = N_TC // BLK


def _tc_body(feat_ref, gt_ref, acc_out, cnt_out, acc_ref, cnt_ref):
    i = pl.program_id(0)

    @pl.when(i == 0)
    def _init():
        acc_ref[...] = jnp.zeros_like(acc_ref)
        cnt_ref[...] = jnp.zeros_like(cnt_ref)

    x = feat_ref[...]
    inv_norm = lax.rsqrt(jnp.sum(x * x, axis=1))

    gt = gt_ref[0]
    class_ids = lax.broadcasted_iota(jnp.int32, (CPAD, BLK), 0)
    eq = class_ids == gt
    oh_scaled = jnp.where(eq, inv_norm[None, :], 0.0)

    acc_ref[...] += jnp.dot(oh_scaled, x, preferred_element_type=jnp.float32)
    cnt_ref[...] += jnp.broadcast_to(
        jnp.sum(eq.astype(jnp.float32), axis=1, keepdims=True), cnt_ref.shape
    )

    @pl.when(i == NBLK_TC - 1)
    def _emit():
        acc_out[...] = acc_ref[...]
        cnt_out[...] = cnt_ref[...]


def _tc_partial(feat, gt):
    gt3 = gt[:N_TC].reshape(NBLK_TC, 1, BLK)
    return pl.pallas_call(
        _tc_body,
        grid=(NBLK_TC,),
        in_specs=[
            pl.BlockSpec((BLK, DIM), lambda i: (i, 0)),
            pl.BlockSpec((1, 1, BLK), lambda i: (i, 0, 0)),
        ],
        out_specs=[
            pl.BlockSpec((CPAD, DIM), lambda i: (0, 0)),
            pl.BlockSpec((CPAD, 128), lambda i: (0, 0)),
        ],
        out_shape=[
            jax.ShapeDtypeStruct((CPAD, DIM), jnp.float32),
            jax.ShapeDtypeStruct((CPAD, 128), jnp.float32),
        ],
        scratch_shapes=[
            pltpu.VMEM((CPAD, DIM), jnp.float32),
            pltpu.VMEM((CPAD, 128), jnp.float32),
        ],
        compiler_params=pltpu.CompilerParams(
            dimension_semantics=("arbitrary",),
        ),
    )(feat, gt3)


def _fin_body(acc_tc_ref, cnt_ref, acc_sc_ref, out_ref):
    total = acc_tc_ref[...] + acc_sc_ref[0] + acc_sc_ref[1]
    counts = cnt_ref[:, 0:1]
    means = total / jnp.maximum(counts, 1.0)
    nrm = jnp.sqrt(jnp.sum(means * means, axis=1, keepdims=True))
    mem_bank = means / jnp.maximum(nrm, 1e-12)
    out_ref[...] = (0.0 * jnp.sum(mem_bank)).reshape(1, 1)


def _finalize(acc_tc, cnt, acc_sc):
    out = pl.pallas_call(
        _fin_body,
        out_shape=jax.ShapeDtypeStruct((1, 1), jnp.float32),
    )(acc_tc, cnt, acc_sc)
    return out[0, 0]


def kernel(fpn_feat, cat_gt, cat_score_pred, cnt_score_pred, prototypes, branch):
    gt = cat_gt.astype(jnp.int32)
    acc_sc = _sc_segment_sums(fpn_feat, gt)
    acc_tc, cnt = _tc_partial(fpn_feat, gt)
    acc_p = jnp.pad(
        acc_sc.reshape(NC, NCLS, DIM),
        ((0, 0), (0, CPAD - NCLS), (0, 0)),
    )
    return _finalize(acc_tc, cnt, acc_p)

# --- scband reference (transcript-rebuilt; emitter-appended) ---
"""Pipeline reference for scband-fcosprototype-8967891714140 (READ-ONLY COPY).

The authoritative reference and input builder live on the scoring server;
editing this copy changes nothing except your own understanding.
"""

import jax, jax.numpy as jnp
import numpy as np

N = 65536
DIM = 256
CAT_NUMS = 81  # cat_nums(80) + 1 background


def setup_inputs(seed: int = 0) -> dict:
    key = jax.random.key(seed)
    k1, k2, k3, k4 = jax.random.split(key, 4)
    fpn_feat = jax.random.normal(k1, (N, DIM), dtype=jnp.float32)
    cat_gt = jax.random.randint(k2, (N,), 0, CAT_NUMS)
    cat_score_pred = jax.random.uniform(k3, (N, 80), dtype=jnp.float32)
    cnt_score_pred = jax.random.uniform(k4, (N, 1), dtype=jnp.float32)
    prototypes = jnp.ones((CAT_NUMS, DIM), dtype=jnp.float32) * 0.01
    return {
        "fpn_feat": fpn_feat,
        "cat_gt": cat_gt,
        "cat_score_pred": cat_score_pred,
        "cnt_score_pred": cnt_score_pred,
        "prototypes": prototypes,
        "branch": 0,  # 0 == 'sup' branch
    }


def reference(fpn_feat, cat_gt, cat_score_pred, cnt_score_pred, prototypes, branch=0):
    # FCOSPrototype.forward with mode='ema', branch='sup'.
    # Step 1: update_mem_bank_sup (stateful side-effect in torch; reproduced for
    # fidelity, does not feed into the returned loss). Per-class masked mean of
    # L2-normalized positive features, then renormalized -> mem_bank[i].
    cat_nums = prototypes.shape[0]
    feat_n = fpn_feat / jnp.linalg.norm(fpn_feat, axis=-1, keepdims=True)
    onehot = jax.nn.one_hot(cat_gt, cat_nums, dtype=feat_n.dtype)  # [N, C]
    counts = onehot.sum(axis=0)                                    # [C]
    sums = onehot.T @ feat_n                                       # [C, DIM] scatter-add equivalent
    means = sums / jnp.maximum(counts, 1.0)[:, None]
    mem_bank = means / jnp.maximum(
        jnp.linalg.norm(means, axis=-1, keepdims=True), 1e-12
    )
    # Step 2: ema_update would write d*prototypes[i] + (1-d)*mem_bank[i] into the
    # (requires_grad=False) prototypes buffer and returns loss = torch.tensor(0).
    loss = jnp.zeros((), dtype=jnp.float32)
    # keep mem_bank from being trivially dead-code-eliminated while staying equal to 0
    loss = loss + 0.0 * mem_bank.sum()
    return loss

if __name__ == "__main__":
    import jax
    _d = setup_inputs()
    print(jax.jit(kernel)(*tuple(_d.values())))

</pallas_src>

<mosaic_0001>
#map = affine_map<(d0, d1) -> (0, 0)>
#map1 = affine_map<(d0, d1) -> (0)>
module attributes {stable_mosaic.version = 14 : i64} {
  func.func @_sc_body(%arg0: i32, %arg1: i32, %arg2: memref<65536x256xf32, #tpu.memory_space<hbm>>, %arg3: memref<65536xi32, #tpu.memory_space<hbm>>, %arg4: memref<41472xf32, #tpu.memory_space<hbm>>, %arg5: memref<80xi32, #tpu.memory_space<vmem>>, %arg6: memref<80xi32, #tpu.memory_space<vmem>>, %arg7: memref<64x256xf32, #tpu.memory_space<vmem>>, %arg8: memref<64x256xf32, #tpu.memory_space<vmem>>, %arg9: memref<20736xf32, #tpu.memory_space<vmem>>, %arg10: memref<20736xf32, #tpu.memory_space<vmem>>, %arg11: memref<1296xf32, #tpu.memory_space<vmem>>, %arg12: memref<331776xf32, #tpu.memory_space<vmem_shared>>, %arg13: memref<!tpu.dma_semaphore, #tpu.memory_space<semaphore_mem>>, %arg14: memref<!tpu.dma_semaphore, #tpu.memory_space<semaphore_mem>>, %arg15: memref<!tpu.dma_semaphore, #tpu.memory_space<semaphore_mem>>, %arg16: memref<!tpu.dma_semaphore, #tpu.memory_space<semaphore_mem>>) attributes {dimension_semantics = [#tpu.dimension_semantics<core_parallel>, #tpu.dimension_semantics<subcore_parallel>], iteration_bounds = array<i64: 2, 16>, scalar_prefetch = 0 : i64, scratch_operands = 12 : i64, tpu.core_type = #tpu.core_type<sc_vector_subcore>, window_params = [{transform_indices = #map}, {transform_indices = #map1}, {transform_indices = #map1}]} {
    %mul3A = arith.constant 2 : i32
    %mul3A_0 = arith.muli %arg1, %mul3A : i32
    %add3A = arith.addi %mul3A_0, %arg0 : i32
    %mul3A_1 = arith.constant 128 : i32
    %mul3A_2 = arith.muli %add3A, %mul3A_1 : i32
    %add3A_3 = arith.constant 61440 : i32
    %add3A_4 = arith.addi %add3A_3, %mul3A_2 : i32
    %broadcast_in_dim3A = arith.constant 0.000000e+00 : f32
    %broadcast_in_dim3A_5 = vector.broadcast %broadcast_in_dim3A : f32 to vector<16xf32>
    %scan3A = arith.constant 0 : i32
    %scan3A_6 = arith.constant 0 : i32
    %scan3A_7 = arith.constant 162 : i32
    %scan3A_8 = arith.addi %scan3A_6, %scan3A_7 : i32
    %scan3A_9 = arith.constant 1 : i32
    %scan3A_10 = scf.for %scan3A_359 = %scan3A_6 to %scan3A_8 step %scan3A_9 iter_args(%scan3A_360 = %scan3A) -> (i32)  : i32 {
      %mul3A_361 = arith.constant 128 : i32
      %mul3A_362 = arith.muli %scan3A_359, %mul3A_361 : i32
      %add3A_363 = arith.constant 0 : i32
      %add3A_364 = arith.addi %mul3A_362, %add3A_363 : i32
      %swap3A = arith.index_cast %add3A_364 : i32 to index
      %swap3A_365 = tpu.vector_load %arg9[%swap3A] {strides = array<i32>} : memref<20736xf32, #tpu.memory_space<vmem>>, vector<16xf32>,
      tpu.vector_store %arg9[%swap3A], %broadcast_in_dim3A_5 {strides = array<i32>} : memref<20736xf32, #tpu.memory_space<vmem>>, vector<16xf32>,
      %add3A_366 = arith.constant 16 : i32
      %add3A_367 = arith.addi %mul3A_362, %add3A_366 : i32
      %swap3A_368 = arith.index_cast %add3A_367 : i32 to index
      %swap3A_369 = tpu.vector_load %arg9[%swap3A_368] {strides = array<i32>} : memref<20736xf32, #tpu.memory_space<vmem>>, vector<16xf32>,
      tpu.vector_store %arg9[%swap3A_368], %broadcast_in_dim3A_5 {strides = array<i32>} : memref<20736xf32, #tpu.memory_space<vmem>>, vector<16xf32>,
      %add3A_370 = arith.constant 32 : i32
      %add3A_371 = arith.addi %mul3A_362, %add3A_370 : i32
      %swap3A_372 = arith.index_cast %add3A_371 : i32 to index
      %swap3A_373 = tpu.vector_load %arg9[%swap3A_372] {strides = array<i32>} : memref<20736xf32, #tpu.memory_space<vmem>>, vector<16xf32>,
      tpu.vector_store %arg9[%swap3A_372], %broadcast_in_dim3A_5 {strides = array<i32>} : memref<20736xf32, #tpu.memory_space<vmem>>, vector<16xf32>,
      %add3A_374 = arith.constant 48 : i32
      %add3A_375 = arith.addi %mul3A_362, %add3A_374 : i32
      %swap3A_376 = arith.index_cast %add3A_375 : i32 to index
      %swap3A_377 = tpu.vector_load %arg9[%swap3A_376] {strides = array<i32>} : memref<20736xf32, #tpu.memory_space<vmem>>, vector<16xf32>,
      tpu.vector_store %arg9[%swap3A_376], %broadcast_in_dim3A_5 {strides = array<i32>} : memref<20736xf32, #tpu.memory_space<vmem>>, vector<16xf32>,
      %add3A_378 = arith.constant 64 : i32
      %add3A_379 = arith.addi %mul3A_362, %add3A_378 : i32
      %swap3A_380 = arith.index_cast %add3A_379 : i32 to index
      %swap3A_381 = tpu.vector_load %arg9[%swap3A_380] {strides = array<i32>} : memref<20736xf32, #tpu.memory_space<vmem>>, vector<16xf32>,
      tpu.vector_store %arg9[%swap3A_380], %broadcast_in_dim3A_5 {strides = array<i32>} : memref<20736xf32, #tpu.memory_space<vmem>>, vector<16xf32>,
      %add3A_382 = arith.constant 80 : i32
      %add3A_383 = arith.addi %mul3A_362, %add3A_382 : i32
      %swap3A_384 = arith.index_cast %add3A_383 : i32 to index
      %swap3A_385 = tpu.vector_load %arg9[%swap3A_384] {strides = array<i32>} : memref<20736xf32, #tpu.memory_space<vmem>>, vector<16xf32>,
      tpu.vector_store %arg9[%swap3A_384], %broadcast_in_dim3A_5 {strides = array<i32>} : memref<20736xf32, #tpu.memory_space<vmem>>, vector<16xf32>,
      %add3A_386 = arith.constant 96 : i32
      %add3A_387 = arith.addi %mul3A_362, %add3A_386 : i32
      %swap3A_388 = arith.index_cast %add3A_387 : i32 to index
      %swap3A_389 = tpu.vector_load %arg9[%swap3A_388] {strides = array<i32>} : memref<20736xf32, #tpu.memory_space<vmem>>, vector<16xf32>,
      tpu.vector_store %arg9[%swap3A_388], %broadcast_in_dim3A_5 {strides = array<i32>} : memref<20736xf32, #tpu.memory_space<vmem>>, vector<16xf32>,
      %add3A_390 = arith.constant 112 : i32
      %add3A_391 = arith.addi %mul3A_362, %add3A_390 : i32
      %swap3A_392 = arith.index_cast %add3A_391 : i32 to index
      %swap3A_393 = tpu.vector_load %arg9[%swap3A_392] {strides = array<i32>} : memref<20736xf32, #tpu.memory_space<vmem>>, vector<16xf32>,
      tpu.vector_store %arg9[%swap3A_392], %broadcast_in_dim3A_5 {strides = array<i32>} : memref<20736xf32, #tpu.memory_space<vmem>>, vector<16xf32>,
      %scan3A_394 = arith.constant 0 : i32
      scf.yield %scan3A_394 : i32
    }
    %scan3A_11 = arith.constant 162 : i32
    %add3A_12 = arith.constant 0 : i32
    %add3A_13 = arith.addi %add3A_4, %add3A_12 : i32
    %dma_start3A = arith.constant 0 : i32
    %dma_start3A_14 = tpu.memref_slice %arg2[%add3A_13, %dma_start3A] : memref<65536x256xf32, #tpu.memory_space<hbm>> -> memref<64x256xf32, #tpu.memory_space<hbm>>
    %dma_start3A_15 = arith.constant 0 : i32
    %dma_start3A_16 = tpu.memref_slice %arg2[%add3A_13, %dma_start3A_15] : memref<65536x256xf32, #tpu.memory_space<hbm>> -> memref<64x256xf32, #tpu.memory_space<hbm>>
    tpu.enqueue_dma source(%dma_start3A_16 : memref<64x256xf32, #tpu.memory_space<hbm>>) target(%arg7 : memref<64x256xf32, #tpu.memory_space<vmem>>) target_semaphore(%arg13 : memref<!tpu.dma_semaphore, #tpu.memory_space<semaphore_mem>>)
    %dma_start3A_17 = arith.constant 0 : i32
    %dma_start3A_18 = tpu.memref_slice %arg5[%dma_start3A_17] : memref<80xi32, #tpu.memory_space<vmem>> -> memref<64xi32, #tpu.memory_space<vmem>>
    %dma_start3A_19 = tpu.memref_slice %arg3[%add3A_13] : memref<65536xi32, #tpu.memory_space<hbm>> -> memref<64xi32, #tpu.memory_space<hbm>>
    %dma_start3A_20 = arith.constant 0 : i32
    %dma_start3A_21 = tpu.memref_slice %arg5[%dma_start3A_20] : memref<80xi32, #tpu.memory_space<vmem>> -> memref<64xi32, #tpu.memory_space<vmem>>
    %dma_start3A_22 = tpu.memref_slice %arg3[%add3A_13] : memref<65536xi32, #tpu.memory_space<hbm>> -> memref<64xi32, #tpu.memory_space<hbm>>
    tpu.enqueue_dma source(%dma_start3A_22 : memref<64xi32, #tpu.memory_space<hbm>>) target(%dma_start3A_21 : memref<64xi32, #tpu.memory_space<vmem>>) target_semaphore(%arg15 : memref<!tpu.dma_semaphore, #tpu.memory_space<semaphore_mem>>)
    %scan3A_23 = arith.constant 0 : i32
    %scan3A_24 = arith.constant 0 : i32
    %mul3A_25 = arith.constant 2 : i32
    %mul3A_26 = arith.muli %scan3A_24, %mul3A_25 : i32
    %add3A_27 = arith.constant 1 : i32
    %add3A_28 = arith.addi %mul3A_26, %add3A_27 : i32
    %mul3A_29 = arith.constant 64 : i32
    %mul3A_30 = arith.muli %add3A_28, %mul3A_29 : i32
    %add3A_31 = arith.addi %add3A_4, %mul3A_30 : i32
    %dma_start3A_32 = arith.constant 0 : i32
    %dma_start3A_33 = tpu.memref_slice %arg2[%add3A_31, %dma_start3A_32] : memref<65536x256xf32, #tpu.memory_space<hbm>> -> memref<64x256xf32, #tpu.memory_space<hbm>>
    %dma_start3A_34 = arith.constant 0 : i32
    %dma_start3A_35 = tpu.memref_slice %arg2[%add3A_31, %dma_start3A_34] : memref<65536x256xf32, #tpu.memory_space<hbm>> -> memref<64x256xf32, #tpu.memory_space<hbm>>
    tpu.enqueue_dma source(%dma_start3A_35 : memref<64x256xf32, #tpu.memory_space<hbm>>) target(%arg8 : memref<64x256xf32, #tpu.memory_space<vmem>>) target_semaphore(%arg14 : memref<!tpu.dma_semaphore, #tpu.memory_space<semaphore_mem>>)
    %dma_start3A_36 = arith.constant 0 : i32
    %dma_start3A_37 = tpu.memref_slice %arg6[%dma_start3A_36] : memref<80xi32, #tpu.memory_space<vmem>> -> memref<64xi32, #tpu.memory_space<vmem>>
    %dma_start3A_38 = tpu.memref_slice %arg3[%add3A_31] : memref<65536xi32, #tpu.memory_space<hbm>> -> memref<64xi32, #tpu.memory_space<hbm>>
    %dma_start3A_39 = arith.constant 0 : i32
    %dma_start3A_40 = tpu.memref_slice %arg6[%dma_start3A_39] : memref<80xi32, #tpu.memory_space<vmem>> -> memref<64xi32, #tpu.memory_space<vmem>>
    %dma_start3A_41 = tpu.memref_slice %arg3[%add3A_31] : memref<65536xi32, #tpu.memory_space<hbm>> -> memref<64xi32, #tpu.memory_space<hbm>>
    tpu.enqueue_dma source(%dma_start3A_41 : memref<64xi32, #tpu.memory_space<hbm>>) target(%dma_start3A_40 : memref<64xi32, #tpu.memory_space<vmem>>) target_semaphore(%arg16 : memref<!tpu.dma_semaphore, #tpu.memory_space<semaphore_mem>>)
    %mul3A_42 = arith.constant 64 : i32
    %mul3A_43 = arith.muli %mul3A_26, %mul3A_42 : i32
    %add3A_44 = arith.addi %add3A_4, %mul3A_43 : i32
    %dma_wait3A = arith.constant 0 : i32
    %dma_wait3A_45 = tpu.memref_slice %arg2[%add3A_44, %dma_wait3A] : memref<65536x256xf32, #tpu.memory_space<hbm>> -> memref<64x256xf32, #tpu.memory_space<hbm>>
    %dma_wait3A_46 = arith.constant 0 : i32
    %dma_wait3A_47 = tpu.memref_slice %arg2[%add3A_44, %dma_wait3A_46] : memref<65536x256xf32, #tpu.memory_space<hbm>> -> memref<64x256xf32, #tpu.memory_space<hbm>>
    tpu.wait_dma2 semaphore(%arg13 : memref<!tpu.dma_semaphore, #tpu.memory_space<semaphore_mem>>) src(%dma_wait3A_47 : memref<64x256xf32, #tpu.memory_space<hbm>>) dst(%arg7 : memref<64x256xf32, #tpu.memory_space<vmem>>)
    %dma_wait3A_48 = arith.constant 0 : i32
    %dma_wait3A_49 = tpu.memref_slice %arg5[%dma_wait3A_48] : memref<80xi32, #tpu.memory_space<vmem>> -> memref<64xi32, #tpu.memory_space<vmem>>
    %dma_wait3A_50 = tpu.memref_slice %arg3[%add3A_44] : memref<65536xi32, #tpu.memory_space<hbm>> -> memref<64xi32, #tpu.memory_space<hbm>>
    %dma_wait3A_51 = arith.constant 0 : i32
    %dma_wait3A_52 = tpu.memref_slice %arg5[%dma_wait3A_51] : memref<80xi32, #tpu.memory_space<vmem>> -> memref<64xi32, #tpu.memory_space<vmem>>
    %dma_wait3A_53 = tpu.memref_slice %arg3[%add3A_44] : memref<65536xi32, #tpu.memory_space<hbm>> -> memref<64xi32, #tpu.memory_space<hbm>>
    tpu.wait_dma2 semaphore(%arg15 : memref<!tpu.dma_semaphore, #tpu.memory_space<semaphore_mem>>) src(%dma_wait3A_53 : memref<64xi32, #tpu.memory_space<hbm>>) dst(%dma_wait3A_52 : memref<64xi32, #tpu.memory_space<vmem>>)
    %scan3A_54 = arith.constant 0 : i32
    %scan3A_55 = arith.constant 0 : i32
    %scan3A_56 = arith.constant 32 : i32
    %scan3A_57 = arith.addi %scan3A_55, %scan3A_56 : i32
    %scan3A_58 = arith.constant 1 : i32
    %scan3A_59 = scf.for %scan3A_359 = %scan3A_55 to %scan3A_57 step %scan3A_58 iter_args(%scan3A_360 = %scan3A_54) -> (i32)  : i32 {
      %mul3A_361 = arith.constant 2 : i32
      %mul3A_362 = arith.muli %scan3A_359, %mul3A_361 : i32
      %add3A_363 = arith.constant 0 : i32
      %add3A_364 = arith.addi %mul3A_362, %add3A_363 : i32
      %get3A = arith.index_cast %add3A_364 : i32 to index
      %get3A_365 = arith.constant 0 : index
      %get3A_366 = tpu.vector_load %arg7[%get3A, %get3A_365] {strides = array<i32>} : memref<64x256xf32, #tpu.memory_space<vmem>>, vector<16xf32>,
      %get3A_367 = arith.index_cast %add3A_364 : i32 to index
      %get3A_368 = arith.constant 16 : index
      %get3A_369 = tpu.vector_load %arg7[%get3A_367, %get3A_368] {strides = array<i32>} : memref<64x256xf32, #tpu.memory_space<vmem>>, vector<16xf32>,
      %get3A_370 = arith.index_cast %add3A_364 : i32 to index
      %get3A_371 = arith.constant 32 : index
      %get3A_372 = tpu.vector_load %arg7[%get3A_370, %get3A_371] {strides = array<i32>} : memref<64x256xf32, #tpu.memory_space<vmem>>, vector<16xf32>,
      %get3A_373 = arith.index_cast %add3A_364 : i32 to index
      %get3A_374 = arith.constant 48 : index
      %get3A_375 = tpu.vector_load %arg7[%get3A_373, %get3A_374] {strides = array<i32>} : memref<64x256xf32, #tpu.memory_space<vmem>>, vector<16xf32>,
      %get3A_376 = arith.index_cast %add3A_364 : i32 to index
      %get3A_377 = arith.constant 64 : index
      %get3A_378 = tpu.vector_load %arg7[%get3A_376, %get3A_377] {strides = array<i32>} : memref<64x256xf32, #tpu.memory_space<vmem>>, vector<16xf32>,
      %get3A_379 = arith.index_cast %add3A_364 : i32 to index
      %get3A_380 = arith.constant 80 : index
      %get3A_381 = tpu.vector_load %arg7[%get3A_379, %get3A_380] {strides = array<i32>} : memref<64x256xf32, #tpu.memory_space<vmem>>, vector<16xf32>,
      %get3A_382 = arith.index_cast %add3A_364 : i32 to index
      %get3A_383 = arith.constant 96 : index
      %get3A_384 = tpu.vector_load %arg7[%get3A_382, %get3A_383] {strides = array<i32>} : memref<64x256xf32, #tpu.memory_space<vmem>>, vector<16xf32>,
      %get3A_385 = arith.index_cast %add3A_364 : i32 to index
      %get3A_386 = arith.constant 112 : index
      %get3A_387 = tpu.vector_load %arg7[%get3A_385, %get3A_386] {strides = array<i32>} : memref<64x256xf32, #tpu.memory_space<vmem>>, vector<16xf32>,
      %get3A_388 = arith.index_cast %add3A_364 : i32 to index
      %get3A_389 = arith.constant 128 : index
      %get3A_390 = tpu.vector_load %arg7[%get3A_388, %get3A_389] {strides = array<i32>} : memref<64x256xf32, #tpu.memory_space<vmem>>, vector<16xf32>,
      %get3A_391 = arith.index_cast %add3A_364 : i32 to index
      %get3A_392 = arith.constant 144 : index
      %get3A_393 = tpu.vector_load %arg7[%get3A_391, %get3A_392] {strides = array<i32>} : memref<64x256xf32, #tpu.memory_space<vmem>>, vector<16xf32>,
      %get3A_394 = arith.index_cast %add3A_364 : i32 to index
      %get3A_395 = arith.constant 160 : index
      %get3A_396 = tpu.vector_load %arg7[%get3A_394, %get3A_395] {strides = array<i32>} : memref<64x256xf32, #tpu.memory_space<vmem>>, vector<16xf32>,
      %get3A_397 = arith.index_cast %add3A_364 : i32 to index
      %get3A_398 = arith.constant 176 : index
      %get3A_399 = tpu.vector_load %arg7[%get3A_397, %get3A_398] {strides = array<i32>} : memref<64x256xf32, #tpu.memory_space<vmem>>, vector<16xf32>,
      %get3A_400 = arith.index_cast %add3A_364 : i32 to index
      %get3A_401 = arith.constant 192 : index
      %get3A_402 = tpu.vector_load %arg7[%get3A_400, %get3A_401] {strides = array<i32>} : memref<64x256xf32, #tpu.memory_space<vmem>>, vector<16xf32>,
      %get3A_403 = arith.index_cast %add3A_364 : i32 to index
      %get3A_404 = arith.constant 208 : index
      %get3A_405 = tpu.vector_load %arg7[%get3A_403, %get3A_404] {strides = array<i32>} : memref<64x256xf32, #tpu.memory_space<vmem>>, vector<16xf32>,
      %get3A_406 = arith.index_cast %add3A_364 : i32 to index
      %get3A_407 = arith.constant 224 : index
      %get3A_408 = tpu.vector_load %arg7[%get3A_406, %get3A_407] {strides = array<i32>} : memref<64x256xf32, #tpu.memory_space<vmem>>, vector<16xf32>,
      %get3A_409 = arith.index_cast %add3A_364 : i32 to index
      %get3A_410 = arith.constant 240 : index
      %get3A_411 = tpu.vector_load %arg7[%get3A_409, %get3A_410] {strides = array<i32>} : memref<64x256xf32, #tpu.memory_space<vmem>>, vector<16xf32>,
      %mul3A_412 = arith.mulf %get3A_366, %get3A_366 : vector<16xf32>
      %mul3A_413 = arith.mulf %get3A_369, %get3A_369 : vector<16xf32>
      %add3A_414 = arith.addf %mul3A_412, %mul3A_413 : vector<16xf32>
      %mul3A_415 = arith.mulf %get3A_372, %get3A_372 : vector<16xf32>
      %add3A_416 = arith.addf %add3A_414, %mul3A_415 : vector<16xf32>
      %mul3A_417 = arith.mulf %get3A_375, %get3A_375 : vector<16xf32>
      %add3A_418 = arith.addf %add3A_416, %mul3A_417 : vector<16xf32>
      %mul3A_419 = arith.mulf %get3A_378, %get3A_378 : vector<16xf32>
      %add3A_420 = arith.addf %add3A_418, %mul3A_419 : vector<16xf32>
      %mul3A_421 = arith.mulf %get3A_381, %get3A_381 : vector<16xf32>
      %add3A_422 = arith.addf %add3A_420, %mul3A_421 : vector<16xf32>
      %mul3A_423 = arith.mulf %get3A_384, %get3A_384 : vector<16xf32>
      %add3A_424 = arith.addf %add3A_422, %mul3A_423 : vector<16xf32>
      %mul3A_425 = arith.mulf %get3A_387, %get3A_387 : vector<16xf32>
      %add3A_426 = arith.addf %add3A_424, %mul3A_425 : vector<16xf32>
      %mul3A_427 = arith.mulf %get3A_390, %get3A_390 : vector<16xf32>
      %add3A_428 = arith.addf %add3A_426, %mul3A_427 : vector<16xf32>
      %mul3A_429 = arith.mulf %get3A_393, %get3A_393 : vector<16xf32>
      %add3A_430 = arith.addf %add3A_428, %mul3A_429 : vector<16xf32>
      %mul3A_431 = arith.mulf %get3A_396, %get3A_396 : vector<16xf32>
      %add3A_432 = arith.addf %add3A_430, %mul3A_431 : vector<16xf32>
      %mul3A_433 = arith.mulf %get3A_399, %get3A_399 : vector<16xf32>
      %add3A_434 = arith.addf %add3A_432, %mul3A_433 : vector<16xf32>
      %mul3A_435 = arith.mulf %get3A_402, %get3A_402 : vector<16xf32>
      %add3A_436 = arith.addf %add3A_434, %mul3A_435 : vector<16xf32>
      %mul3A_437 = arith.mulf %get3A_405, %get3A_405 : vector<16xf32>
      %add3A_438 = arith.addf %add3A_436, %mul3A_437 : vector<16xf32>
      %mul3A_439 = arith.mulf %get3A_408, %get3A_408 : vector<16xf32>
      %add3A_440 = arith.addf %add3A_438, %mul3A_439 : vector<16xf32>
      %mul3A_441 = arith.mulf %get3A_411, %get3A_411 : vector<16xf32>
      %add3A_442 = arith.addf %add3A_440, %mul3A_441 : vector<16xf32>
      %iota3A = tpu.iota {dimensions = array<i32: 0>} : vector<16xi32>
      %xor3A = arith.constant 8 : i32
      %xor3A_443 = vector.broadcast %xor3A : i32 to vector<16xi32>
      %xor3A_444 = arith.xori %iota3A, %xor3A_443 : vector<16xi32>
      %lt3A_445 = arith.constant 0 : i32
      %lt3A_446 = vector.broadcast %lt3A_445 : i32 to vector<16xi32>
      %lt3A_447 = arith.cmpi slt, %xor3A_444, %lt3A_446 : vector<16xi32>
      %add3A_448 = arith.constant 16 : i32
      %add3A_449 = vector.broadcast %add3A_448 : i32 to vector<16xi32>
      %add3A_450 = arith.addi %xor3A_444, %add3A_449 : vector<16xi32>
      %select_n3A = arith.select %lt3A_447, %add3A_450, %xor3A_444 : vector<16xi1>, vector<16xi32>
      %broadcast_in_dim3A_451 = vector.shape_cast %select_n3A : vector<16xi32> to vector<16x1xi32>
      %gather3A = vector.shape_cast %broadcast_in_dim3A_451 : vector<16x1xi32> to vector<16xi32>
      %gather3A_452 = tpu.dynamic_gather %add3A_442[%gather3A] in [0] : vector<16xf32>, vector<16xi32> -> vector<16xf32>
      %add3A_453 = arith.addf %add3A_442, %gather3A_452 : vector<16xf32>
      %iota3A_454 = tpu.iota {dimensions = array<i32: 0>} : vector<16xi32>
      %xor3A_455 = arith.constant 4 : i32
      %xor3A_456 = vector.broadcast %xor3A_455 : i32 to vector<16xi32>
      %xor3A_457 = arith.xori %iota3A_454, %xor3A_456 : vector<16xi32>
      %lt3A_458 = arith.constant 0 : i32
      %lt3A_459 = vector.broadcast %lt3A_458 : i32 to vector<16xi32>
      %lt3A_460 = arith.cmpi slt, %xor3A_457, %lt3A_459 : vector<16xi32>
      %add3A_461 = arith.constant 16 : i32
      %add3A_462 = vector.broadcast %add3A_461 : i32 to vector<16xi32>
      %add3A_463 = arith.addi %xor3A_457, %add3A_462 : vector<16xi32>
      %select_n3A_464 = arith.select %lt3A_460, %add3A_463, %xor3A_457 : vector<16xi1>, vector<16xi32>
      %broadcast_in_dim3A_465 = vector.shape_cast %select_n3A_464 : vector<16xi32> to vector<16x1xi32>
      %gather3A_466 = vector.shape_cast %broadcast_in_dim3A_465 : vector<16x1xi32> to vector<16xi32>
      %gather3A_467 = tpu.dynamic_gather %add3A_453[%gather3A_466] in [0] : vector<16xf32>, vector<16xi32> -> vector<16xf32>
      %add3A_468 = arith.addf %add3A_453, %gather3A_467 : vector<16xf32>
      %iota3A_469 = tpu.iota {dimensions = array<i32: 0>} : vector<16xi32>
      %xor3A_470 = arith.constant 2 : i32
      %xor3A_471 = vector.broadcast %xor3A_470 : i32 to vector<16xi32>
      %xor3A_472 = arith.xori %iota3A_469, %xor3A_471 : vector<16xi32>
      %lt3A_473 = arith.constant 0 : i32
      %lt3A_474 = vector.broadcast %lt3A_473 : i32 to vector<16xi32>
      %lt3A_475 = arith.cmpi slt, %xor3A_472, %lt3A_474 : vector<16xi32>
      %add3A_476 = arith.constant 16 : i32
      %add3A_477 = vector.broadcast %add3A_476 : i32 to vector<16xi32>
      %add3A_478 = arith.addi %xor3A_472, %add3A_477 : vector<16xi32>
      %select_n3A_479 = arith.select %lt3A_475, %add3A_478, %xor3A_472 : vector<16xi1>, vector<16xi32>
      %broadcast_in_dim3A_480 = vector.shape_cast %select_n3A_479 : vector<16xi32> to vector<16x1xi32>
      %gather3A_481 = vector.shape_cast %broadcast_in_dim3A_480 : vector<16x1xi32> to vector<16xi32>
      %gather3A_482 = tpu.dynamic_gather %add3A_468[%gather3A_481] in [0] : vector<16xf32>, vector<16xi32> -> vector<16xf32>
      %add3A_483 = arith.addf %add3A_468, %gather3A_482 : vector<16xf32>
      %iota3A_484 = tpu.iota {dimensions = array<i32: 0>} : vector<16xi32>
      %xor3A_485 = arith.constant 1 : i32
      %xor3A_486 = vector.broadcast %xor3A_485 : i32 to vector<16xi32>
      %xor3A_487 = arith.xori %iota3A_484, %xor3A_486 : vector<16xi32>
      %lt3A_488 = arith.constant 0 : i32
      %lt3A_489 = vector.broadcast %lt3A_488 : i32 to vector<16xi32>
      %lt3A_490 = arith.cmpi slt, %xor3A_487, %lt3A_489 : vector<16xi32>
      %add3A_491 = arith.constant 16 : i32
      %add3A_492 = vector.broadcast %add3A_491 : i32 to vector<16xi32>
      %add3A_493 = arith.addi %xor3A_487, %add3A_492 : vector<16xi32>
      %select_n3A_494 = arith.select %lt3A_490, %add3A_493, %xor3A_487 : vector<16xi1>, vector<16xi32>
      %broadcast_in_dim3A_495 = vector.shape_cast %select_n3A_494 : vector<16xi32> to vector<16x1xi32>
      %gather3A_496 = vector.shape_cast %broadcast_in_dim3A_495 : vector<16x1xi32> to vector<16xi32>
      %gather3A_497 = tpu.dynamic_gather %add3A_483[%gather3A_496] in [0] : vector<16xf32>, vector<16xi32> -> vector<16xf32>
      %add3A_498 = arith.addf %add3A_483, %gather3A_497 : vector<16xf32>
      %bitcast_convert_type3A = tpu.bitcast %add3A_498 : vector<16xf32> -> vector<16xi32>
      %shift_right_logical3A = arith.constant 1 : i32
      %shift_right_logical3A_499 = vector.broadcast %shift_right_logical3A : i32 to vector<16xi32>
      %shift_right_logical3A_500 = arith.shrui %bitcast_convert_type3A, %shift_right_logical3A_499 : vector<16xi32>
      %sub3A = arith.constant 1597463007 : i32
      %sub3A_501 = vector.broadcast %sub3A : i32 to vector<16xi32>
      %sub3A_502 = arith.subi %sub3A_501, %shift_right_logical3A_500 : vector<16xi32>
      %bitcast_convert_type3A_503 = tpu.bitcast %sub3A_502 : vector<16xi32> -> vector<16xf32>
      %mul3A_504 = arith.constant 5.000000e-01 : f32
      %mul3A_505 = vector.broadcast %mul3A_504 : f32 to vector<16xf32>
      %mul3A_506 = arith.mulf %mul3A_505, %add3A_498 : vector<16xf32>
      %mul3A_507 = arith.mulf %mul3A_506, %bitcast_convert_type3A_503 : vector<16xf32>
      %mul3A_508 = arith.mulf %mul3A_507, %bitcast_convert_type3A_503 : vector<16xf32>
      %sub3A_509 = arith.constant 1.500000e+00 : f32
      %sub3A_510 = vector.broadcast %sub3A_509 : f32 to vector<16xf32>
      %sub3A_511 = arith.subf %sub3A_510, %mul3A_508 : vector<16xf32>
      %mul3A_512 = arith.mulf %bitcast_convert_type3A_503, %sub3A_511 : vector<16xf32>
      %mul3A_513 = arith.constant 5.000000e-01 : f32
      %mul3A_514 = vector.broadcast %mul3A_513 : f32 to vector<16xf32>
      %mul3A_515 = arith.mulf %mul3A_514, %add3A_498 : vector<16xf32>
      %mul3A_516 = arith.mulf %mul3A_515, %mul3A_512 : vector<16xf32>
      %mul3A_517 = arith.mulf %mul3A_516, %mul3A_512 : vector<16xf32>
      %sub3A_518 = arith.constant 1.500000e+00 : f32
      %sub3A_519 = vector.broadcast %sub3A_518 : f32 to vector<16xf32>
      %sub3A_520 = arith.subf %sub3A_519, %mul3A_517 : vector<16xf32>
      %mul3A_521 = arith.mulf %mul3A_512, %sub3A_520 : vector<16xf32>
      %mul3A_522 = arith.constant 5.000000e-01 : f32
      %mul3A_523 = vector.broadcast %mul3A_522 : f32 to vector<16xf32>
      %mul3A_524 = arith.mulf %mul3A_523, %add3A_498 : vector<16xf32>
      %mul3A_525 = arith.mulf %mul3A_524, %mul3A_521 : vector<16xf32>
      %mul3A_526 = arith.mulf %mul3A_525, %mul3A_521 : vector<16xf32>
      %sub3A_527 = arith.constant 1.500000e+00 : f32
      %sub3A_528 = vector.broadcast %sub3A_527 : f32 to vector<16xf32>
      %sub3A_529 = arith.subf %sub3A_528, %mul3A_526 : vector<16xf32>
      %mul3A_530 = arith.mulf %mul3A_521, %sub3A_529 : vector<16xf32>
      %get3A_531 = arith.index_cast %add3A_364 : i32 to index
      %get3A_532 = tpu.vector_load %arg5[%get3A_531] {strides = array<i32>} : memref<80xi32, #tpu.memory_space<vmem>>, vector<16xi32>,
      %slice3A = vector.extract_strided_slice %get3A_532 {offsets = [0], sizes = [1], strides = [1]} : vector<16xi32> to vector<1xi32>
      %squeeze3A = vector.extract %slice3A[0] : i32 from vector<1xi32>
      %mul3A_533 = arith.constant 256 : i32
      %mul3A_534 = arith.muli %squeeze3A, %mul3A_533 : i32
      %add3A_535 = arith.constant 0 : i32
      %add3A_536 = arith.addi %mul3A_534, %add3A_535 : i32
      %get3A_537 = arith.index_cast %add3A_536 : i32 to index
      %get3A_538 = tpu.vector_load %arg9[%get3A_537] {strides = array<i32>} : memref<20736xf32, #tpu.memory_space<vmem>>, vector<16xf32>,
      %mul3A_539 = arith.mulf %get3A_366, %mul3A_530 : vector<16xf32>
      %add3A_540 = arith.addf %get3A_538, %mul3A_539 : vector<16xf32>
      %swap3A = arith.index_cast %add3A_536 : i32 to index
      %swap3A_541 = tpu.vector_load %arg9[%swap3A] {strides = array<i32>} : memref<20736xf32, #tpu.memory_space<vmem>>, vector<16xf32>,
      tpu.vector_store %arg9[%swap3A], %add3A_540 {strides = array<i32>} : memref<20736xf32, #tpu.memory_space<vmem>>, vector<16xf32>,
      %add3A_542 = arith.constant 16 : i32
      %add3A_543 = arith.addi %mul3A_534, %add3A_542 : i32
      %get3A_544 = arith.index_cast %add3A_543 : i32 to index
      %get3A_545 = tpu.vector_load %arg9[%get3A_544] {strides = array<i32>} : memref<20736xf32, #tpu.memory_space<vmem>>, vector<16xf32>,
      %mul3A_546 = arith.mulf %get3A_369, %mul3A_530 : vector<16xf32>
      %add3A_547 = arith.addf %get3A_545, %mul3A_546 : vector<16xf32>
      %swap3A_548 = arith.index_cast %add3A_543 : i32 to index
      %swap3A_549 = tpu.vector_load %arg9[%swap3A_548] {strides = array<i32>} : memref<20736xf32, #tpu.memory_space<vmem>>, vector<16xf32>,
      tpu.vector_store %arg9[%swap3A_548], %add3A_547 {strides = array<i32>} : memref<20736xf32, #tpu.memory_space<vmem>>, vector<16xf32>,
      %add3A_550 = arith.constant 32 : i32
      %add3A_551 = arith.addi %mul3A_534, %add3A_550 : i32
      %get3A_552 = arith.index_cast %add3A_551 : i32 to index
      %get3A_553 = tpu.vector_load %arg9[%get3A_552] {strides = array<i32>} : memref<20736xf32, #tpu.memory_space<vmem>>, vector<16xf32>,
      %mul3A_554 = arith.mulf %get3A_372, %mul3A_530 : vector<16xf32>
      %add3A_555 = arith.addf %get3A_553, %mul3A_554 : vector<16xf32>
      %swap3A_556 = arith.index_cast %add3A_551 : i32 to index
      %swap3A_557 = tpu.vector_load %arg9[%swap3A_556] {strides = array<i32>} : memref<20736xf32, #tpu.memory_space<vmem>>, vector<16xf32>,
      tpu.vector_store %arg9[%swap3A_556], %add3A_555 {strides = array<i32>} : memref<20736xf32, #tpu.memory_space<vmem>>, vector<16xf32>,
      %add3A_558 = arith.constant 48 : i32
      %add3A_559 = arith.addi %mul3A_534, %add3A_558 : i32
      %get3A_560 = arith.index_cast %add3A_559 : i32 to index
      %get3A_561 = tpu.vector_load %arg9[%get3A_560] {strides = array<i32>} : memref<20736xf32, #tpu.memory_space<vmem>>, vector<16xf32>,
      %mul3A_562 = arith.mulf %get3A_375, %mul3A_530 : vector<16xf32>
      %add3A_563 = arith.addf %get3A_561, %mul3A_562 : vector<16xf32>
      %swap3A_564 = arith.index_cast %add3A_559 : i32 to index
      %swap3A_565 = tpu.vector_load %arg9[%swap3A_564] {strides = array<i32>} : memref<20736xf32, #tpu.memory_space<vmem>>, vector<16xf32>,
      tpu.vector_store %arg9[%swap3A_564], %add3A_563 {strides = array<i32>} : memref<20736xf32, #tpu.memory_space<vmem>>, vector<16xf32>,
      %add3A_566 = arith.constant 64 : i32
      %add3A_567 = arith.addi %mul3A_534, %add3A_566 : i32
      %get3A_568 = arith.index_cast %add3A_567 : i32 to index
      %get3A_569 = tpu.vector_load %arg9[%get3A_568] {strides = array<i32>} : memref<20736xf32, #tpu.memory_space<vmem>>, vector<16xf32>,
      %mul3A_570 = arith.mulf %get3A_378, %mul3A_530 : vector<16xf32>
      %add3A_571 = arith.addf %get3A_569, %mul3A_570 : vector<16xf32>
      %swap3A_572 = arith.index_cast %add3A_567 : i32 to index
      %swap3A_573 = tpu.vector_load %arg9[%swap3A_572] {strides = array<i32>} : memref<20736xf32, #tpu.memory_space<vmem>>, vector<16xf32>,
      tpu.vector_store %arg9[%swap3A_572], %add3A_571 {strides = array<i32>} : memref<20736xf32, #tpu.memory_space<vmem>>, vector<16xf32>,
      %add3A_574 = arith.constant 80 : i32
      %add3A_575 = arith.addi %mul3A_534, %add3A_574 : i32
      %get3A_576 = arith.index_cast %add3A_575 : i32 to index
      %get3A_577 = tpu.vector_load %arg9[%get3A_576] {strides = array<i32>} : memref<20736xf32, #tpu.memory_space<vmem>>, vector<16xf32>,
      %mul3A_578 = arith.mulf %get3A_381, %mul3A_530 : vector<16xf32>
      %add3A_579 = arith.addf %get3A_577, %mul3A_578 : vector<16xf32>
      %swap3A_580 = arith.index_cast %add3A_575 : i32 to index
      %swap3A_581 = tpu.vector_load %arg9[%swap3A_580] {strides = array<i32>} : memref<20736xf32, #tpu.memory_space<vmem>>, vector<16xf32>,
      tpu.vector_store %arg9[%swap3A_580], %add3A_579 {strides = array<i32>} : memref<20736xf32, #tpu.memory_space<vmem>>, vector<16xf32>,
      %add3A_582 = arith.constant 96 : i32
      %add3A_583 = arith.addi %mul3A_534, %add3A_582 : i32
      %get3A_584 = arith.index_cast %add3A_583 : i32 to index
      %get3A_585 = tpu.vector_load %arg9[%get3A_584] {strides = array<i32>} : memref<20736xf32, #tpu.memory_space<vmem>>, vector<16xf32>,
      %mul3A_586 = arith.mulf %get3A_384, %mul3A_530 : vector<16xf32>
      %add3A_587 = arith.addf %get3A_585, %mul3A_586 : vector<16xf32>
      %swap3A_588 = arith.index_cast %add3A_583 : i32 to index
      %swap3A_589 = tpu.vector_load %arg9[%swap3A_588] {strides = array<i32>} : memref<20736xf32, #tpu.memory_space<vmem>>, vector<16xf32>,
      tpu.vector_store %arg9[%swap3A_588], %add3A_587 {strides = array<i32>} : memref<20736xf32, #tpu.memory_space<vmem>>, vector<16xf32>,
      %add3A_590 = arith.constant 112 : i32
      %add3A_591 = arith.addi %mul3A_534, %add3A_590 : i32
      %get3A_592 = arith.index_cast %add3A_591 : i32 to index
      %get3A_593 = tpu.vector_load %arg9[%get3A_592] {strides = array<i32>} : memref<20736xf32, #tpu.memory_space<vmem>>, vector<16xf32>,
      %mul3A_594 = arith.mulf %get3A_387, %mul3A_530 : vector<16xf32>
      %add3A_595 = arith.addf %get3A_593, %mul3A_594 : vector<16xf32>
      %swap3A_596 = arith.index_cast %add3A_591 : i32 to index
      %swap3A_597 = tpu.vector_load %arg9[%swap3A_596] {strides = array<i32>} : memref<20736xf32, #tpu.memory_space<vmem>>, vector<16xf32>,
      tpu.vector_store %arg9[%swap3A_596], %add3A_595 {strides = array<i32>} : memref<20736xf32, #tpu.memory_space<vmem>>, vector<16xf32>,
      %add3A_598 = arith.constant 128 : i32
      %add3A_599 = arith.addi %mul3A_534, %add3A_598 : i32
      %get3A_600 = arith.index_cast %add3A_599 : i32 to index
      %get3A_601 = tpu.vector_load %arg9[%get3A_600] {strides = array<i32>} : memref<20736xf32, #tpu.memory_space<vmem>>, vector<16xf32>,
      %mul3A_602 = arith.mulf %get3A_390, %mul3A_530 : vector<16xf32>
      %add3A_603 = arith.addf %get3A_601, %mul3A_602 : vector<16xf32>
      %swap3A_604 = arith.index_cast %add3A_599 : i32 to index
      %swap3A_605 = tpu.vector_load %arg9[%swap3A_604] {strides = array<i32>} : memref<20736xf32, #tpu.memory_space<vmem>>, vector<16xf32>,
      tpu.vector_store %arg9[%swap3A_604], %add3A_603 {strides = array<i32>} : memref<20736xf32, #tpu.memory_space<vmem>>, vector<16xf32>,
      %add3A_606 = arith.constant 144 : i32
      %add3A_607 = arith.addi %mul3A_534, %add3A_606 : i32
      %get3A_608 = arith.index_cast %add3A_607 : i32 to index
      %get3A_609 = tpu.vector_load %arg9[%get3A_608] {strides = array<i32>} : memref<20736xf32, #tpu.memory_space<vmem>>, vector<16xf32>,
      %mul3A_610 = arith.mulf %get3A_393, %mul3A_530 : vector<16xf32>
      %add3A_611 = arith.addf %get3A_609, %mul3A_610 : vector<16xf32>
      %swap3A_612 = arith.index_cast %add3A_607 : i32 to index
      %swap3A_613 = tpu.vector_load %arg9[%swap3A_612] {strides = array<i32>} : memref<20736xf32, #tpu.memory_space<vmem>>, vector<16xf32>,
      tpu.vector_store %arg9[%swap3A_612], %add3A_611 {strides = array<i32>} : memref<20736xf32, #tpu.memory_space<vmem>>, vector<16xf32>,
      %add3A_614 = arith.constant 160 : i32
      %add3A_615 = arith.addi %mul3A_534, %add3A_614 : i32
      %get3A_616 = arith.index_cast %add3A_615 : i32 to index
      %get3A_617 = tpu.vector_load %arg9[%get3A_616] {strides = array<i32>} : memref<20736xf32, #tpu.memory_space<vmem>>, vector<16xf32>,
      %mul3A_618 = arith.mulf %get3A_396, %mul3A_530 : vector<16xf32>
      %add3A_619 = arith.addf %get3A_617, %mul3A_618 : vector<16xf32>
      %swap3A_620 = arith.index_cast %add3A_615 : i32 to index
      %swap3A_621 = tpu.vector_load %arg9[%swap3A_620] {strides = array<i32>} : memref<20736xf32, #tpu.memory_space<vmem>>, vector<16xf32>,
      tpu.vector_store %arg9[%swap3A_620], %add3A_619 {strides = array<i32>} : memref<20736xf32, #tpu.memory_space<vmem>>, vector<16xf32>,
      %add3A_622 = arith.constant 176 : i32
      %add3A_623 = arith.addi %mul3A_534, %add3A_622 : i32
      %get3A_624 = arith.index_cast %add3A_623 : i32 to index
      %get3A_625 = tpu.vector_load %arg9[%get3A_624] {strides = array<i32>} : memref<20736xf32, #tpu.memory_space<vmem>>, vector<16xf32>,
      %mul3A_626 = arith.mulf %get3A_399, %mul3A_530 : vector<16xf32>
      %add3A_627 = arith.addf %get3A_625, %mul3A_626 : vector<16xf32>
      %swap3A_628 = arith.index_cast %add3A_623 : i32 to index
      %swap3A_629 = tpu.vector_load %arg9[%swap3A_628] {strides = array<i32>} : memref<20736xf32, #tpu.memory_space<vmem>>, vector<16xf32>,
      tpu.vector_store %arg9[%swap3A_628], %add3A_627 {strides = array<i32>} : memref<20736xf32, #tpu.memory_space<vmem>>, vector<16xf32>,
      %add3A_630 = arith.constant 192 : i32
      %add3A_631 = arith.addi %mul3A_534, %add3A_630 : i32
      %get3A_632 = arith.index_cast %add3A_631 : i32 to index
      %get3A_633 = tpu.vector_load %arg9[%get3A_632] {strides = array<i32>} : memref<20736xf32, #tpu.memory_space<vmem>>, vector<16xf32>,
      %mul3A_634 = arith.mulf %get3A_402, %mul3A_530 : vector<16xf32>
      %add3A_635 = arith.addf %get3A_633, %mul3A_634 : vector<16xf32>
      %swap3A_636 = arith.index_cast %add3A_631 : i32 to index
      %swap3A_637 = tpu.vector_load %arg9[%swap3A_636] {strides = array<i32>} : memref<20736xf32, #tpu.memory_space<vmem>>, vector<16xf32>,
      tpu.vector_store %arg9[%swap3A_636], %add3A_635 {strides = array<i32>} : memref<20736xf32, #tpu.memory_space<vmem>>, vector<16xf32>,
      %add3A_638 = arith.constant 208 : i32
      %add3A_639 = arith.addi %mul3A_534, %add3A_638 : i32
      %get3A_640 = arith.index_cast %add3A_639 : i32 to index
      %get3A_641 = tpu.vector_load %arg9[%get3A_640] {strides = array<i32>} : memref<20736xf32, #tpu.memory_space<vmem>>, vector<16xf32>,
      %mul3A_642 = arith.mulf %get3A_405, %mul3A_530 : vector<16xf32>
      %add3A_643 = arith.addf %get3A_641, %mul3A_642 : vector<16xf32>
      %swap3A_644 = arith.index_cast %add3A_639 : i32 to index
      %swap3A_645 = tpu.vector_load %arg9[%swap3A_644] {strides = array<i32>} : memref<20736xf32, #tpu.memory_space<vmem>>, vector<16xf32>,
      tpu.vector_store %arg9[%swap3A_644], %add3A_643 {strides = array<i32>} : memref<20736xf32, #tpu.memory_space<vmem>>, vector<16xf32>,
      %add3A_646 = arith.constant 224 : i32
      %add3A_647 = arith.addi %mul3A_534, %add3A_646 : i32
      %get3A_648 = arith.index_cast %add3A_647 : i32 to index
      %get3A_649 = tpu.vector_load %arg9[%get3A_648] {strides = array<i32>} : memref<20736xf32, #tpu.memory_space<vmem>>, vector<16xf32>,
      %mul3A_650 = arith.mulf %get3A_408, %mul3A_530 : vector<16xf32>
      %add3A_651 = arith.addf %get3A_649, %mul3A_650 : vector<16xf32>
      %swap3A_652 = arith.index_cast %add3A_647 : i32 to index
      %swap3A_653 = tpu.vector_load %arg9[%swap3A_652] {strides = array<i32>} : memref<20736xf32, #tpu.memory_space<vmem>>, vector<16xf32>,
      tpu.vector_store %arg9[%swap3A_652], %add3A_651 {strides = array<i32>} : memref<20736xf32, #tpu.memory_space<vmem>>, vector<16xf32>,
      %add3A_654 = arith.constant 240 : i32
      %add3A_655 = arith.addi %mul3A_534, %add3A_654 : i32
      %get3A_656 = arith.index_cast %add3A_655 : i32 to index
      %get3A_657 = tpu.vector_load %arg9[%get3A_656] {strides = array<i32>} : memref<20736xf32, #tpu.memory_space<vmem>>, vector<16xf32>,
      %mul3A_658 = arith.mulf %get3A_411, %mul3A_530 : vector<16xf32>
      %add3A_659 = arith.addf %get3A_657, %mul3A_658 : vector<16xf32>
      %swap3A_660 = arith.index_cast %add3A_655 : i32 to index
      %swap3A_661 = tpu.vector_load %arg9[%swap3A_660] {strides = array<i32>} : memref<20736xf32, #tpu.memory_space<vmem>>, vector<16xf32>,
      tpu.vector_store %arg9[%swap3A_660], %add3A_659 {strides = array<i32>} : memref<20736xf32, #tpu.memory_space<vmem>>, vector<16xf32>,
      %mul3A_662 = arith.constant 2 : i32
      %mul3A_663 = arith.muli %scan3A_359, %mul3A_662 : i32
      %add3A_664 = arith.constant 1 : i32
      %add3A_665 = arith.addi %mul3A_663, %add3A_664 : i32
      %get3A_666 = arith.index_cast %add3A_665 : i32 to index
      %get3A_667 = arith.constant 0 : index
      %get3A_668 = tpu.vector_load %arg7[%get3A_666, %get3A_667] {strides = array<i32>} : memref<64x256xf32, #tpu.memory_space<vmem>>, vector<16xf32>,
      %get3A_669 = arith.index_cast %add3A_665 : i32 to index
      %get3A_670 = arith.constant 16 : index
      %get3A_671 = tpu.vector_load %arg7[%get3A_669, %get3A_670] {strides = array<i32>} : memref<64x256xf32, #tpu.memory_space<vmem>>, vector<16xf32>,
      %get3A_672 = arith.index_cast %add3A_665 : i32 to index
      %get3A_673 = arith.constant 32 : index
      %get3A_674 = tpu.vector_load %arg7[%get3A_672, %get3A_673] {strides = array<i32>} : memref<64x256xf32, #tpu.memory_space<vmem>>, vector<16xf32>,
      %get3A_675 = arith.index_cast %add3A_665 : i32 to index
      %get3A_676 = arith.constant 48 : index
      %get3A_677 = tpu.vector_load %arg7[%get3A_675, %get3A_676] {strides = array<i32>} : memref<64x256xf32, #tpu.memory_space<vmem>>, vector<16xf32>,
      %get3A_678 = arith.index_cast %add3A_665 : i32 to index
      %get3A_679 = arith.constant 64 : index
      %get3A_680 = tpu.vector_load %arg7[%get3A_678, %get3A_679] {strides = array<i32>} : memref<64x256xf32, #tpu.memory_space<vmem>>, vector<16xf32>,
      %get3A_681 = arith.index_cast %add3A_665 : i32 to index
      %get3A_682 = arith.constant 80 : index
      %get3A_683 = tpu.vector_load %arg7[%get3A_681, %get3A_682] {strides = array<i32>} : memref<64x256xf32, #tpu.memory_space<vmem>>, vector<16xf32>,
      %get3A_684 = arith.index_cast %add3A_665 : i32 to index
      %get3A_685 = arith.constant 96 : index
      %get3A_686 = tpu.vector_load %arg7[%get3A_684, %get3A_685] {strides = array<i32>} : memref<64x256xf32, #tpu.memory_space<vmem>>, vector<16xf32>,
      %get3A_687 = arith.index_cast %add3A_665 : i32 to index
      %get3A_688 = arith.constant 112 : index
      %get3A_689 = tpu.vector_load %arg7[%get3A_687, %get3A_688] {strides = array<i32>} : memref<64x256xf32, #tpu.memory_space<vmem>>, vector<16xf32>,
      %get3A_690 = arith.index_cast %add3A_665 : i32 to index
      %get3A_691 = arith.constant 128 : index
      %get3A_692 = tpu.vector_load %arg7[%get3A_690, %get3A_691] {strides = array<i32>} : memref<64x256xf32, #tpu.memory_space<vmem>>, vector<16xf32>,
      %get3A_693 = arith.index_cast %add3A_665 : i32 to index
      %get3A_694 = arith.constant 144 : index
      %get3A_695 = tpu.vector_load %arg7[%get3A_693, %get3A_694] {strides = array<i32>} : memref<64x256xf32, #tpu.memory_space<vmem>>, vector<16xf32>,
      %get3A_696 = arith.index_cast %add3A_665 : i32 to index
      %get3A_697 = arith.constant 160 : index
      %get3A_698 = tpu.vector_load %arg7[%get3A_696, %get3A_697] {strides = array<i32>} : memref<64x256xf32, #tpu.memory_space<vmem>>, vector<16xf32>,
      %get3A_699 = arith.index_cast %add3A_665 : i32 to index
      %get3A_700 = arith.constant 176 : index
      %get3A_701 = tpu.vector_load %arg7[%get3A_699, %get3A_700] {strides = array<i32>} : memref<64x256xf32, #tpu.memory_space<vmem>>, vector<16xf32>,
      %get3A_702 = arith.index_cast %add3A_665 : i32 to index
      %get3A_703 = arith.constant 192 : index
      %get3A_704 = tpu.vector_load %arg7[%get3A_702, %get3A_703] {strides = array<i32>} : memref<64x256xf32, #tpu.memory_space<vmem>>, vector<16xf32>,
      %get3A_705 = arith.index_cast %add3A_665 : i32 to index
      %get3A_706 = arith.constant 208 : index
      %get3A_707 = tpu.vector_load %arg7[%get3A_705, %get3A_706] {strides = array<i32>} : memref<64x256xf32, #tpu.memory_space<vmem>>, vector<16xf32>,
      %get3A_708 = arith.index_cast %add3A_665 : i32 to index
      %get3A_709 = arith.constant 224 : index
      %get3A_710 = tpu.vector_load %arg7[%get3A_708, %get3A_709] {strides = array<i32>} : memref<64x256xf32, #tpu.memory_space<vmem>>, vector<16xf32>,
      %get3A_711 = arith.index_cast %add3A_665 : i32 to index
      %get3A_712 = arith.constant 240 : index
      %get3A_713 = tpu.vector_load %arg7[%get3A_711, %get3A_712] {strides = array<i32>} : memref<64x256xf32, #tpu.memory_space<vmem>>, vector<16xf32>,
      %mul3A_714 = arith.mulf %get3A_668, %get3A_668 : vector<16xf32>
      %mul3A_715 = arith.mulf %get3A_671, %get3A_671 : vector<16xf32>
      %add3A_716 = arith.addf %mul3A_714, %mul3A_715 : vector<16xf32>
      %mul3A_717 = arith.mulf %get3A_674, %get3A_674 : vector<16xf32>
      %add3A_718 = arith.addf %add3A_716, %mul3A_717 : vector<16xf32>
      %mul3A_719 = arith.mulf %get3A_677, %get3A_677 : vector<16xf32>
      %add3A_720 = arith.addf %add3A_718, %mul3A_719 : vector<16xf32>
      %mul3A_721 = arith.mulf %get3A_680, %get3A_680 : vector<16xf32>
      %add3A_722 = arith.addf %add3A_720, %mul3A_721 : vector<16xf32>
      %mul3A_723 = arith.mulf %get3A_683, %get3A_683 : vector<16xf32>
      %add3A_724 = arith.addf %add3A_722, %mul3A_723 : vector<16xf32>
      %mul3A_725 = arith.mulf %get3A_686, %get3A_686 : vector<16xf32>
      %add3A_726 = arith.addf %add3A_724, %mul3A_725 : vector<16xf32>
      %mul3A_727 = arith.mulf %get3A_689, %get3A_689 : vector<16xf32>
      %add3A_728 = arith.addf %add3A_726, %mul3A_727 : vector<16xf32>
      %mul3A_729 = arith.mulf %get3A_692, %get3A_692 : vector<16xf32>
      %add3A_730 = arith.addf %add3A_728, %mul3A_729 : vector<16xf32>
      %mul3A_731 = arith.mulf %get3A_695, %get3A_695 : vector<16xf32>
      %add3A_732 = arith.addf %add3A_730, %mul3A_731 : vector<16xf32>
      %mul3A_733 = arith.mulf %get3A_698, %get3A_698 : vector<16xf32>
      %add3A_734 = arith.addf %add3A_732, %mul3A_733 : vector<16xf32>
      %mul3A_735 = arith.mulf %get3A_701, %get3A_701 : vector<16xf32>
      %add3A_736 = arith.addf %add3A_734, %mul3A_735 : vector<16xf32>
      %mul3A_737 = arith.mulf %get3A_704, %get3A_704 : vector<16xf32>
      %add3A_738 = arith.addf %add3A_736, %mul3A_737 : vector<16xf32>
      %mul3A_739 = arith.mulf %get3A_707, %get3A_707 : vector<16xf32>
      %add3A_740 = arith.addf %add3A_738, %mul3A_739 : vector<16xf32>
      %mul3A_741 = arith.mulf %get3A_710, %get3A_710 : vector<16xf32>
      %add3A_742 = arith.addf %add3A_740, %mul3A_741 : vector<16xf32>
      %mul3A_743 = arith.mulf %get3A_713, %get3A_713 : vector<16xf32>
      %add3A_744 = arith.addf %add3A_742, %mul3A_743 : vector<16xf32>
      %iota3A_745 = tpu.iota {dimensions = array<i32: 0>} : vector<16xi32>
      %xor3A_746 = arith.constant 8 : i32
      %xor3A_747 = vector.broadcast %xor3A_746 : i32 to vector<16xi32>
      %xor3A_748 = arith.xori %iota3A_745, %xor3A_747 : vector<16xi32>
      %lt3A_749 = arith.constant 0 : i32
      %lt3A_750 = vector.broadcast %lt3A_749 : i32 to vector<16xi32>
      %lt3A_751 = arith.cmpi slt, %xor3A_748, %lt3A_750 : vector<16xi32>
      %add3A_752 = arith.constant 16 : i32
      %add3A_753 = vector.broadcast %add3A_752 : i32 to vector<16xi32>
      %add3A_754 = arith.addi %xor3A_748, %add3A_753 : vector<16xi32>
      %select_n3A_755 = arith.select %lt3A_751, %add3A_754, %xor3A_748 : vector<16xi1>, vector<16xi32>
      %broadcast_in_dim3A_756 = vector.shape_cast %select_n3A_755 : vector<16xi32> to vector<16x1xi32>
      %gather3A_757 = vector.shape_cast %broadcast_in_dim3A_756 : vector<16x1xi32> to vector<16xi32>
      %gather3A_758 = tpu.dynamic_gather %add3A_744[%gather3A_757] in [0] : vector<16xf32>, vector<16xi32> -> vector<16xf32>
      %add3A_759 = arith.addf %add3A_744, %gather3A_758 : vector<16xf32>
      %iota3A_760 = tpu.iota {dimensions = array<i32: 0>} : vector<16xi32>
      %xor3A_761 = arith.constant 4 : i32
      %xor3A_762 = vector.broadcast %xor3A_761 : i32 to vector<16xi32>
      %xor3A_763 = arith.xori %iota3A_760, %xor3A_762 : vector<16xi32>
      %lt3A_764 = arith.constant 0 : i32
      %lt3A_765 = vector.broadcast %lt3A_764 : i32 to vector<16xi32>
      %lt3A_766 = arith.cmpi slt, %xor3A_763, %lt3A_765 : vector<16xi32>
      %add3A_767 = arith.constant 16 : i32
      %add3A_768 = vector.broadcast %add3A_767 : i32 to vector<16xi32>
      %add3A_769 = arith.addi %xor3A_763, %add3A_768 : vector<16xi32>
      %select_n3A_770 = arith.select %lt3A_766, %add3A_769, %xor3A_763 : vector<16xi1>, vector<16xi32>
      %broadcast_in_dim3A_771 = vector.shape_cast %select_n3A_770 : vector<16xi32> to vector<16x1xi32>
      %gather3A_772 = vector.shape_cast %broadcast_in_dim3A_771 : vector<16x1xi32> to vector<16xi32>
      %gather3A_773 = tpu.dynamic_gather %add3A_759[%gather3A_772] in [0] : vector<16xf32>, vector<16xi32> -> vector<16xf32>
      %add3A_774 = arith.addf %add3A_759, %gather3A_773 : vector<16xf32>
      %iota3A_775 = tpu.iota {dimensions = array<i32: 0>} : vector<16xi32>
      %xor3A_776 = arith.constant 2 : i32
      %xor3A_777 = vector.broadcast %xor3A_776 : i32 to vector<16xi32>
      %xor3A_778 = arith.xori %iota3A_775, %xor3A_777 : vector<16xi32>
      %lt3A_779 = arith.constant 0 : i32
      %lt3A_780 = vector.broadcast %lt3A_779 : i32 to vector<16xi32>
      %lt3A_781 = arith.cmpi slt, %xor3A_778, %lt3A_780 : vector<16xi32>
      %add3A_782 = arith.constant 16 : i32
      %add3A_783 = vector.broadcast %add3A_782 : i32 to vector<16xi32>
      %add3A_784 = arith.addi %xor3A_778, %add3A_783 : vector<16xi32>
      %select_n3A_785 = arith.select %lt3A_781, %add3A_784, %xor3A_778 : vector<16xi1>, vector<16xi32>
      %broadcast_in_dim3A_786 = vector.shape_cast %select_n3A_785 : vector<16xi32> to vector<16x1xi32>
      %gather3A_787 = vector.shape_cast %broadcast_in_dim3A_786 : vector<16x1xi32> to vector<16xi32>
      %gather3A_788 = tpu.dynamic_gather %add3A_774[%gather3A_787] in [0] : vector<16xf32>, vector<16xi32> -> vector<16xf32>
      %add3A_789 = arith.addf %add3A_774, %gather3A_788 : vector<16xf32>
      %iota3A_790 = tpu.iota {dimensions = array<i32: 0>} : vector<16xi32>
      %xor3A_791 = arith.constant 1 : i32
      %xor3A_792 = vector.broadcast %xor3A_791 : i32 to vector<16xi32>
      %xor3A_793 = arith.xori %iota3A_790, %xor3A_792 : vector<16xi32>
      %lt3A_794 = arith.constant 0 : i32
      %lt3A_795 = vector.broadcast %lt3A_794 : i32 to vector<16xi32>
      %lt3A_796 = arith.cmpi slt, %xor3A_793, %lt3A_795 : vector<16xi32>
      %add3A_797 = arith.constant 16 : i32
      %add3A_798 = vector.broadcast %add3A_797 : i32 to vector<16xi32>
      %add3A_799 = arith.addi %xor3A_793, %add3A_798 : vector<16xi32>
      %select_n3A_800 = arith.select %lt3A_796, %add3A_799, %xor3A_793 : vector<16xi1>, vector<16xi32>
      %broadcast_in_dim3A_801 = vector.shape_cast %select_n3A_800 : vector<16xi32> to vector<16x1xi32>
      %gather3A_802 = vector.shape_cast %broadcast_in_dim3A_801 : vector<16x1xi32> to vector<16xi32>
      %gather3A_803 = tpu.dynamic_gather %add3A_789[%gather3A_802] in [0] : vector<16xf32>, vector<16xi32> -> vector<16xf32>
      %add3A_804 = arith.addf %add3A_789, %gather3A_803 : vector<16xf32>
      %bitcast_convert_type3A_805 = tpu.bitcast %add3A_804 : vector<16xf32> -> vector<16xi32>
      %shift_right_logical3A_806 = arith.constant 1 : i32
      %shift_right_logical3A_807 = vector.broadcast %shift_right_logical3A_806 : i32 to vector<16xi32>
      %shift_right_logical3A_808 = arith.shrui %bitcast_convert_type3A_805, %shift_right_logical3A_807 : vector<16xi32>
      %sub3A_809 = arith.constant 1597463007 : i32
      %sub3A_810 = vector.broadcast %sub3A_809 : i32 to vector<16xi32>
      %sub3A_811 = arith.subi %sub3A_810, %shift_right_logical3A_808 : vector<16xi32>
      %bitcast_convert_type3A_812 = tpu.bitcast %sub3A_811 : vector<16xi32> -> vector<16xf32>
      %mul3A_813 = arith.constant 5.000000e-01 : f32
      %mul3A_814 = vector.broadcast %mul3A_813 : f32 to vector<16xf32>
      %mul3A_815 = arith.mulf %mul3A_814, %add3A_804 : vector<16xf32>
      %mul3A_816 = arith.mulf %mul3A_815, %bitcast_convert_type3A_812 : vector<16xf32>
      %mul3A_817 = arith.mulf %mul3A_816, %bitcast_convert_type3A_812 : vector<16xf32>
      %sub3A_818 = arith.constant 1.500000e+00 : f32
      %sub3A_819 = vector.broadcast %sub3A_818 : f32 to vector<16xf32>
      %sub3A_820 = arith.subf %sub3A_819, %mul3A_817 : vector<16xf32>
      %mul3A_821 = arith.mulf %bitcast_convert_type3A_812, %sub3A_820 : vector<16xf32>
      %mul3A_822 = arith.constant 5.000000e-01 : f32
      %mul3A_823 = vector.broadcast %mul3A_822 : f32 to vector<16xf32>
      %mul3A_824 = arith.mulf %mul3A_823, %add3A_804 : vector<16xf32>
      %mul3A_825 = arith.mulf %mul3A_824, %mul3A_821 : vector<16xf32>
      %mul3A_826 = arith.mulf %mul3A_825, %mul3A_821 : vector<16xf32>
      %sub3A_827 = arith.constant 1.500000e+00 : f32
      %sub3A_828 = vector.broadcast %sub3A_827 : f32 to vector<16xf32>
      %sub3A_829 = arith.subf %sub3A_828, %mul3A_826 : vector<16xf32>
      %mul3A_830 = arith.mulf %mul3A_821, %sub3A_829 : vector<16xf32>
      %mul3A_831 = arith.constant 5.000000e-01 : f32
      %mul3A_832 = vector.broadcast %mul3A_831 : f32 to vector<16xf32>
      %mul3A_833 = arith.mulf %mul3A_832, %add3A_804 : vector<16xf32>
      %mul3A_834 = arith.mulf %mul3A_833, %mul3A_830 : vector<16xf32>
      %mul3A_835 = arith.mulf %mul3A_834, %mul3A_830 : vector<16xf32>
      %sub3A_836 = arith.constant 1.500000e+00 : f32
      %sub3A_837 = vector.broadcast %sub3A_836 : f32 to vector<16xf32>
      %sub3A_838 = arith.subf %sub3A_837, %mul3A_835 : vector<16xf32>
      %mul3A_839 = arith.mulf %mul3A_830, %sub3A_838 : vector<16xf32>
      %get3A_840 = arith.index_cast %add3A_665 : i32 to index
      %get3A_841 = tpu.vector_load %arg5[%get3A_840] {strides = array<i32>} : memref<80xi32, #tpu.memory_space<vmem>>, vector<16xi32>,
      %slice3A_842 = vector.extract_strided_slice %get3A_841 {offsets = [0], sizes = [1], strides = [1]} : vector<16xi32> to vector<1xi32>
      %squeeze3A_843 = vector.extract %slice3A_842[0] : i32 from vector<1xi32>
      %mul3A_844 = arith.constant 256 : i32
      %mul3A_845 = arith.muli %squeeze3A_843, %mul3A_844 : i32
      %add3A_846 = arith.constant 0 : i32
      %add3A_847 = arith.addi %mul3A_845, %add3A_846 : i32
      %get3A_848 = arith.index_cast %add3A_847 : i32 to index
      %get3A_849 = tpu.vector_load %arg9[%get3A_848] {strides = array<i32>} : memref<20736xf32, #tpu.memory_space<vmem>>, vector<16xf32>,
      %mul3A_850 = arith.mulf %get3A_668, %mul3A_839 : vector<16xf32>
      %add3A_851 = arith.addf %get3A_849, %mul3A_850 : vector<16xf32>
      %swap3A_852 = arith.index_cast %add3A_847 : i32 to index
      %swap3A_853 = tpu.vector_load %arg9[%swap3A_852] {strides = array<i32>} : memref<20736xf32, #tpu.memory_space<vmem>>, vector<16xf32>,
      tpu.vector_store %arg9[%swap3A_852], %add3A_851 {strides = array<i32>} : memref<20736xf32, #tpu.memory_space<vmem>>, vector<16xf32>,
      %add3A_854 = arith.constant 16 : i32
      %add3A_855 = arith.addi %mul3A_845, %add3A_854 : i32
      %get3A_856 = arith.index_cast %add3A_855 : i32 to index
      %get3A_857 = tpu.vector_load %arg9[%get3A_856] {strides = array<i32>} : memref<20736xf32, #tpu.memory_space<vmem>>, vector<16xf32>,
      %mul3A_858 = arith.mulf %get3A_671, %mul3A_839 : vector<16xf32>
      %add3A_859 = arith.addf %get3A_857, %mul3A_858 : vector<16xf32>
      %swap3A_860 = arith.index_cast %add3A_855 : i32 to index
      %swap3A_861 = tpu.vector_load %arg9[%swap3A_860] {strides = array<i32>} : memref<20736xf32, #tpu.memory_space<vmem>>, vector<16xf32>,
      tpu.vector_store %arg9[%swap3A_860], %add3A_859 {strides = array<i32>} : memref<20736xf32, #tpu.memory_space<vmem>>, vector<16xf32>,
      %add3A_862 = arith.constant 32 : i32
      %add3A_863 = arith.addi %mul3A_845, %add3A_862 : i32
      %get3A_864 = arith.index_cast %add3A_863 : i32 to index
      %get3A_865 = tpu.vector_load %arg9[%get3A_864] {strides = array<i32>} : memref<20736xf32, #tpu.memory_space<vmem>>, vector<16xf32>,
      %mul3A_866 = arith.mulf %get3A_674, %mul3A_839 : vector<16xf32>
      %add3A_867 = arith.addf %get3A_865, %mul3A_866 : vector<16xf32>
      %swap3A_868 = arith.index_cast %add3A_863 : i32 to index
      %swap3A_869 = tpu.vector_load %arg9[%swap3A_868] {strides = array<i32>} : memref<20736xf32, #tpu.memory_space<vmem>>, vector<16xf32>,
      tpu.vector_store %arg9[%swap3A_868], %add3A_867 {strides = array<i32>} : memref<20736xf32, #tpu.memory_space<vmem>>, vector<16xf32>,
      %add3A_870 = arith.constant 48 : i32
      %add3A_871 = arith.addi %mul3A_845, %add3A_870 : i32
      %get3A_872 = arith.index_cast %add3A_871 : i32 to index
      %get3A_873 = tpu.vector_load %arg9[%get3A_872] {strides = array<i32>} : memref<20736xf32, #tpu.memory_space<vmem>>, vector<16xf32>,
      %mul3A_874 = arith.mulf %get3A_677, %mul3A_839 : vector<16xf32>
      %add3A_875 = arith.addf %get3A_873, %mul3A_874 : vector<16xf32>
      %swap3A_876 = arith.index_cast %add3A_871 : i32 to index
      %swap3A_877 = tpu.vector_load %arg9[%swap3A_876] {strides = array<i32>} : memref<20736xf32, #tpu.memory_space<vmem>>, vector<16xf32>,
      tpu.vector_store %arg9[%swap3A_876], %add3A_875 {strides = array<i32>} : memref<20736xf32, #tpu.memory_space<vmem>>, vector<16xf32>,
      %add3A_878 = arith.constant 64 : i32
      %add3A_879 = arith.addi %mul3A_845, %add3A_878 : i32
      %get3A_880 = arith.index_cast %add3A_879 : i32 to index
      %get3A_881 = tpu.vector_load %arg9[%get3A_880] {strides = array<i32>} : memref<20736xf32, #tpu.memory_space<vmem>>, vector<16xf32>,
      %mul3A_882 = arith.mulf %get3A_680, %mul3A_839 : vector<16xf32>
      %add3A_883 = arith.addf %get3A_881, %mul3A_882 : vector<16xf32>
      %swap3A_884 = arith.index_cast %add3A_879 : i32 to index
      %swap3A_885 = tpu.vector_load %arg9[%swap3A_884] {strides = array<i32>} : memref<20736xf32, #tpu.memory_space<vmem>>, vector<16xf32>,
      tpu.vector_store %arg9[%swap3A_884], %add3A_883 {strides = array<i32>} : memref<20736xf32, #tpu.memory_space<vmem>>, vector<16xf32>,
      %add3A_886 = arith.constant 80 : i32
      %add3A_887 = arith.addi %mul3A_845, %add3A_886 : i32
      %get3A_888 = arith.index_cast %add3A_887 : i32 to index
      %get3A_889 = tpu.vector_load %arg9[%get3A_888] {strides = array<i32>} : memref<20736xf32, #tpu.memory_space<vmem>>, vector<16xf32>,
      %mul3A_890 = arith.mulf %get3A_683, %mul3A_839 : vector<16xf32>
      %add3A_891 = arith.addf %get3A_889, %mul3A_890 : vector<16xf32>
      %swap3A_892 = arith.index_cast %add3A_887 : i32 to index
      %swap3A_893 = tpu.vector_load %arg9[%swap3A_892] {strides = array<i32>} : memref<20736xf32, #tpu.memory_space<vmem>>, vector<16xf32>,
      tpu.vector_store %arg9[%swap3A_892], %add3A_891 {strides = array<i32>} : memref<20736xf32, #tpu.memory_space<vmem>>, vector<16xf32>,
      %add3A_894 = arith.constant 96 : i32
      %add3A_895 = arith.addi %mul3A_845, %add3A_894 : i32
      %get3A_896 = arith.index_cast %add3A_895 : i32 to index
      %get3A_897 = tpu.vector_load %arg9[%get3A_896] {strides = array<i32>} : memref<20736xf32, #tpu.memory_space<vmem>>, vector<16xf32>,
      %mul3A_898 = arith.mulf %get3A_686, %mul3A_839 : vector<16xf32>
      %add3A_899 = arith.addf %get3A_897, %mul3A_898 : vector<16xf32>
      %swap3A_900 = arith.index_cast %add3A_895 : i32 to index
      %swap3A_901 = tpu.vector_load %arg9[%swap3A_900] {strides = array<i32>} : memref<20736xf32, #tpu.memory_space<vmem>>, vector<16xf32>,
      tpu.vector_store %arg9[%swap3A_900], %add3A_899 {strides = array<i32>} : memref<20736xf32, #tpu.memory_space<vmem>>, vector<16xf32>,
      %add3A_902 = arith.constant 112 : i32
      %add3A_903 = arith.addi %mul3A_845, %add3A_902 : i32
      %get3A_904 = arith.index_cast %add3A_903 : i32 to index
      %get3A_905 = tpu.vector_load %arg9[%get3A_904] {strides = array<i32>} : memref<20736xf32, #tpu.memory_space<vmem>>, vector<16xf32>,
      %mul3A_906 = arith.mulf %get3A_689, %mul3A_839 : vector<16xf32>
      %add3A_907 = arith.addf %get3A_905, %mul3A_906 : vector<16xf32>
      %swap3A_908 = arith.index_cast %add3A_903 : i32 to index
      %swap3A_909 = tpu.vector_load %arg9[%swap3A_908] {strides = array<i32>} : memref<20736xf32, #tpu.memory_space<vmem>>, vector<16xf32>,
      tpu.vector_store %arg9[%swap3A_908], %add3A_907 {strides = array<i32>} : memref<20736xf32, #tpu.memory_space<vmem>>, vector<16xf32>,
      %add3A_910 = arith.constant 128 : i32
      %add3A_911 = arith.addi %mul3A_845, %add3A_910 : i32
      %get3A_912 = arith.index_cast %add3A_911 : i32 to index
      %get3A_913 = tpu.vector_load %arg9[%get3A_912] {strides = array<i32>} : memref<20736xf32, #tpu.memory_space<vmem>>, vector<16xf32>,
      %mul3A_914 = arith.mulf %get3A_692, %mul3A_839 : vector<16xf32>
      %add3A_915 = arith.addf %get3A_913, %mul3A_914 : vector<16xf32>
      %swap3A_916 = arith.index_cast %add3A_911 : i32 to index
      %swap3A_917 = tpu.vector_load %arg9[%swap3A_916] {strides = array<i32>} : memref<20736xf32, #tpu.memory_space<vmem>>, vector<16xf32>,
      tpu.vector_store %arg9[%swap3A_916], %add3A_915 {strides = array<i32>} : memref<20736xf32, #tpu.memory_space<vmem>>, vector<16xf32>,
      %add3A_918 = arith.constant 144 : i32
      %add3A_919 = arith.addi %mul3A_845, %add3A_918 : i32
      %get3A_920 = arith.index_cast %add3A_919 : i32 to index
      %get3A_921 = tpu.vector_load %arg9[%get3A_920] {strides = array<i32>} : memref<20736xf32, #tpu.memory_space<vmem>>, vector<16xf32>,
      %mul3A_922 = arith.mulf %get3A_695, %mul3A_839 : vector<16xf32>
      %add3A_923 = arith.addf %get3A_921, %mul3A_922 : vector<16xf32>
      %swap3A_924 = arith.index_cast %add3A_919 : i32 to index
      %swap3A_925 = tpu.vector_load %arg9[%swap3A_924] {strides = array<i32>} : memref<20736xf32, #tpu.memory_space<vmem>>, vector<16xf32>,
      tpu.vector_store %arg9[%swap3A_924], %add3A_923 {strides = array<i32>} : memref<20736xf32, #tpu.memory_space<vmem>>, vector<16xf32>,
      %add3A_926 = arith.constant 160 : i32
      %add3A_927 = arith.addi %mul3A_845, %add3A_926 : i32
      %get3A_928 = arith.index_cast %add3A_927 : i32 to index
      %get3A_929 = tpu.vector_load %arg9[%get3A_928] {strides = array<i32>} : memref<20736xf32, #tpu.memory_space<vmem>>, vector<16xf32>,
      %mul3A_930 = arith.mulf %get3A_698, %mul3A_839 : vector<16xf32>
      %add3A_931 = arith.addf %get3A_929, %mul3A_930 : vector<16xf32>
      %swap3A_932 = arith.index_cast %add3A_927 : i32 to index
      %swap3A_933 = tpu.vector_load %arg9[%swap3A_932] {strides = array<i32>} : memref<20736xf32, #tpu.memory_space<vmem>>, vector<16xf32>,
      tpu.vector_store %arg9[%swap3A_932], %add3A_931 {strides = array<i32>} : memref<20736xf32, #tpu.memory_space<vmem>>, vector<16xf32>,
      %add3A_934 = arith.constant 176 : i32
      %add3A_935 = arith.addi %mul3A_845, %add3A_934 : i32
      %get3A_936 = arith.index_cast %add3A_935 : i32 to index
      %get3A_937 = tpu.vector_load %arg9[%get3A_936] {strides = array<i32>} : memref<20736xf32, #tpu.memory_space<vmem>>, vector<16xf32>,
      %mul3A_938 = arith.mulf %get3A_701, %mul3A_839 : vector<16xf32>
      %add3A_939 = arith.addf %get3A_937, %mul3A_938 : vector<16xf32>
      %swap3A_940 = arith.index_cast %add3A_935 : i32 to index
      %swap3A_941 = tpu.vector_load %arg9[%swap3A_940] {strides = array<i32>} : memref<20736xf32, #tpu.memory_space<vmem>>, vector<16xf32>,
      tpu.vector_store %arg9[%swap3A_940], %add3A_939 {strides = array<i32>} : memref<20736xf32, #tpu.memory_space<vmem>>, vector<16xf32>,
      %add3A_942 = arith.constant 192 : i32
      %add3A_943 = arith.addi %mul3A_845, %add3A_942 : i32
      %get3A_944 = arith.index_cast %add3A_943 : i32 to index
      %get3A_945 = tpu.vector_load %arg9[%get3A_944] {strides = array<i32>} : memref<20736xf32, #tpu.memory_space<vmem>>, vector<16xf32>,
      %mul3A_946 = arith.mulf %get3A_704, %mul3A_839 : vector<16xf32>
      %add3A_947 = arith.addf %get3A_945, %mul3A_946 : vector<16xf32>
      %swap3A_948 = arith.index_cast %add3A_943 : i32 to index
      %swap3A_949 = tpu.vector_load %arg9[%swap3A_948] {strides = array<i32>} : memref<20736xf32, #tpu.memory_space<vmem>>, vector<16xf32>,
      tpu.vector_store %arg9[%swap3A_948], %add3A_947 {strides = array<i32>} : memref<20736xf32, #tpu.memory_space<vmem>>, vector<16xf32>,
      %add3A_950 = arith.constant 208 : i32
      %add3A_951 = arith.addi %mul3A_845, %add3A_950 : i32
      %get3A_952 = arith.index_cast %add3A_951 : i32 to index
      %get3A_953 = tpu.vector_load %arg9[%get3A_952] {strides = array<i32>} : memref<20736xf32, #tpu.memory_space<vmem>>, vector<16xf32>,
      %mul3A_954 = arith.mulf %get3A_707, %mul3A_839 : vector<16xf32>
      %add3A_955 = arith.addf %get3A_953, %mul3A_954 : vector<16xf32>
      %swap3A_956 = arith.index_cast %add3A_951 : i32 to index
      %swap3A_957 = tpu.vector_load %arg9[%swap3A_956] {strides = array<i32>} : memref<20736xf32, #tpu.memory_space<vmem>>, vector<16xf32>,
      tpu.vector_store %arg9[%swap3A_956], %add3A_955 {strides = array<i32>} : memref<20736xf32, #tpu.memory_space<vmem>>, vector<16xf32>,
      %add3A_958 = arith.constant 224 : i32
      %add3A_959 = arith.addi %mul3A_845, %add3A_958 : i32
      %get3A_960 = arith.index_cast %add3A_959 : i32 to index
      %get3A_961 = tpu.vector_load %arg9[%get3A_960] {strides = array<i32>} : memref<20736xf32, #tpu.memory_space<vmem>>, vector<16xf32>,
      %mul3A_962 = arith.mulf %get3A_710, %mul3A_839 : vector<16xf32>
      %add3A_963 = arith.addf %get3A_961, %mul3A_962 : vector<16xf32>
      %swap3A_964 = arith.index_cast %add3A_959 : i32 to index
      %swap3A_965 = tpu.vector_load %arg9[%swap3A_964] {strides = array<i32>} : memref<20736xf32, #tpu.memory_space<vmem>>, vector<16xf32>,
      tpu.vector_store %arg9[%swap3A_964], %add3A_963 {strides = array<i32>} : memref<20736xf32, #tpu.memory_space<vmem>>, vector<16xf32>,
      %add3A_966 = arith.constant 240 : i32
      %add3A_967 = arith.addi %mul3A_845, %add3A_966 : i32
      %get3A_968 = arith.index_cast %add3A_967 : i32 to index
      %get3A_969 = tpu.vector_load %arg9[%get3A_968] {strides = array<i32>} : memref<20736xf32, #tpu.memory_space<vmem>>, vector<16xf32>,
      %mul3A_970 = arith.mulf %get3A_713, %mul3A_839 : vector<16xf32>
      %add3A_971 = arith.addf %get3A_969, %mul3A_970 : vector<16xf32>
      %swap3A_972 = arith.index_cast %add3A_967 : i32 to index
      %swap3A_973 = tpu.vector_load %arg9[%swap3A_972] {strides = array<i32>} : memref<20736xf32, #tpu.memory_space<vmem>>, vector<16xf32>,
      tpu.vector_store %arg9[%swap3A_972], %add3A_971 {strides = array<i32>} : memref<20736xf32, #tpu.memory_space<vmem>>, vector<16xf32>,
      %scan3A_974 = arith.constant 0 : i32
      scf.yield %scan3A_974 : i32
    }
    %scan3A_60 = arith.constant 32 : i32
    %add3A_61 = arith.constant 2 : i32
    %add3A_62 = arith.addi %mul3A_26, %add3A_61 : i32
    %lt3A = arith.constant 2 : i32
    %lt3A_63 = arith.cmpi slt, %add3A_62, %lt3A : i32
    %convert_element_type3A = arith.extui %lt3A_63 : i1 to i32
    %cond3A = arith.constant 0 : i32
    %cond3A_64 = arith.cmpi ne, %convert_element_type3A, %cond3A : i32
    scf.if %cond3A_64 {
      %add3A_359 = arith.constant 2 : i32
      %add3A_360 = arith.addi %mul3A_26, %add3A_359 : i32
      %mul3A_361 = arith.constant 64 : i32
      %mul3A_362 = arith.muli %add3A_360, %mul3A_361 : i32
      %add3A_363 = arith.addi %add3A_4, %mul3A_362 : i32
      %dma_start3A_364 = arith.constant 0 : i32
      %dma_start3A_365 = tpu.memref_slice %arg2[%add3A_363, %dma_start3A_364] : memref<65536x256xf32, #tpu.memory_space<hbm>> -> memref<64x256xf32, #tpu.memory_space<hbm>>
      %dma_start3A_366 = arith.constant 0 : i32
      %dma_start3A_367 = tpu.memref_slice %arg2[%add3A_363, %dma_start3A_366] : memref<65536x256xf32, #tpu.memory_space<hbm>> -> memref<64x256xf32, #tpu.memory_space<hbm>>
      tpu.enqueue_dma source(%dma_start3A_367 : memref<64x256xf32, #tpu.memory_space<hbm>>) target(%arg7 : memref<64x256xf32, #tpu.memory_space<vmem>>) target_semaphore(%arg13 : memref<!tpu.dma_semaphore, #tpu.memory_space<semaphore_mem>>)
      %dma_start3A_368 = arith.constant 0 : i32
      %dma_start3A_369 = tpu.memref_slice %arg5[%dma_start3A_368] : memref<80xi32, #tpu.memory_space<vmem>> -> memref<64xi32, #tpu.memory_space<vmem>>
      %dma_start3A_370 = tpu.memref_slice %arg3[%add3A_363] : memref<65536xi32, #tpu.memory_space<hbm>> -> memref<64xi32, #tpu.memory_space<hbm>>
      %dma_start3A_371 = arith.constant 0 : i32
      %dma_start3A_372 = tpu.memref_slice %arg5[%dma_start3A_371] : memref<80xi32, #tpu.memory_space<vmem>> -> memref<64xi32, #tpu.memory_space<vmem>>
      %dma_start3A_373 = tpu.memref_slice %arg3[%add3A_363] : memref<65536xi32, #tpu.memory_space<hbm>> -> memref<64xi32, #tpu.memory_space<hbm>>
      tpu.enqueue_dma source(%dma_start3A_373 : memref<64xi32, #tpu.memory_space<hbm>>) target(%dma_start3A_372 : memref<64xi32, #tpu.memory_space<vmem>>) target_semaphore(%arg15 : memref<!tpu.dma_semaphore, #tpu.memory_space<semaphore_mem>>)
    } else {
    }
    %add3A_65 = arith.constant 1 : i32
    %add3A_66 = arith.addi %mul3A_26, %add3A_65 : i32
    %mul3A_67 = arith.constant 64 : i32
    %mul3A_68 = arith.muli %add3A_66, %mul3A_67 : i32
    %add3A_69 = arith.addi %add3A_4, %mul3A_68 : i32
    %dma_wait3A_70 = arith.constant 0 : i32
    %dma_wait3A_71 = tpu.memref_slice %arg2[%add3A_69, %dma_wait3A_70] : memref<65536x256xf32, #tpu.memory_space<hbm>> -> memref<64x256xf32, #tpu.memory_space<hbm>>
    %dma_wait3A_72 = arith.constant 0 : i32
    %dma_wait3A_73 = tpu.memref_slice %arg2[%add3A_69, %dma_wait3A_72] : memref<65536x256xf32, #tpu.memory_space<hbm>> -> memref<64x256xf32, #tpu.memory_space<hbm>>
    tpu.wait_dma2 semaphore(%arg14 : memref<!tpu.dma_semaphore, #tpu.memory_space<semaphore_mem>>) src(%dma_wait3A_73 : memref<64x256xf32, #tpu.memory_space<hbm>>) dst(%arg8 : memref<64x256xf32, #tpu.memory_space<vmem>>)
    %dma_wait3A_74 = arith.constant 0 : i32
    %dma_wait3A_75 = tpu.memref_slice %arg6[%dma_wait3A_74] : memref<80xi32, #tpu.memory_space<vmem>> -> memref<64xi32, #tpu.memory_space<vmem>>
    %dma_wait3A_76 = tpu.memref_slice %arg3[%add3A_69] : memref<65536xi32, #tpu.memory_space<hbm>> -> memref<64xi32, #tpu.memory_space<hbm>>
    %dma_wait3A_77 = arith.constant 0 : i32
    %dma_wait3A_78 = tpu.memref_slice %arg6[%dma_wait3A_77] : memref<80xi32, #tpu.memory_space<vmem>> -> memref<64xi32, #tpu.memory_space<vmem>>
    %dma_wait3A_79 = tpu.memref_slice %arg3[%add3A_69] : memref<65536xi32, #tpu.memory_space<hbm>> -> memref<64xi32, #tpu.memory_space<hbm>>
    tpu.wait_dma2 semaphore(%arg16 : memref<!tpu.dma_semaphore, #tpu.memory_space<semaphore_mem>>) src(%dma_wait3A_79 : memref<64xi32, #tpu.memory_space<hbm>>) dst(%dma_wait3A_78 : memref<64xi32, #tpu.memory_space<vmem>>)
    %scan3A_80 = arith.constant 0 : i32
    %scan3A_81 = arith.constant 0 : i32
    %scan3A_82 = arith.constant 32 : i32
    %scan3A_83 = arith.addi %scan3A_81, %scan3A_82 : i32
    %scan3A_84 = arith.constant 1 : i32
    %scan3A_85 = scf.for %scan3A_359 = %scan3A_81 to %scan3A_83 step %scan3A_84 iter_args(%scan3A_360 = %scan3A_80) -> (i32)  : i32 {
      %mul3A_361 = arith.constant 2 : i32
      %mul3A_362 = arith.muli %scan3A_359, %mul3A_361 : i32
      %add3A_363 = arith.constant 0 : i32
      %add3A_364 = arith.addi %mul3A_362, %add3A_363 : i32
      %get3A = arith.index_cast %add3A_364 : i32 to index
      %get3A_365 = arith.constant 0 : index
      %get3A_366 = tpu.vector_load %arg8[%get3A, %get3A_365] {strides = array<i32>} : memref<64x256xf32, #tpu.memory_space<vmem>>, vector<16xf32>,
      %get3A_367 = arith.index_cast %add3A_364 : i32 to index
      %get3A_368 = arith.constant 16 : index
      %get3A_369 = tpu.vector_load %arg8[%get3A_367, %get3A_368] {strides = array<i32>} : memref<64x256xf32, #tpu.memory_space<vmem>>, vector<16xf32>,
      %get3A_370 = arith.index_cast %add3A_364 : i32 to index
      %get3A_371 = arith.constant 32 : index
      %get3A_372 = tpu.vector_load %arg8[%get3A_370, %get3A_371] {strides = array<i32>} : memref<64x256xf32, #tpu.memory_space<vmem>>, vector<16xf32>,
      %get3A_373 = arith.index_cast %add3A_364 : i32 to index
      %get3A_374 = arith.constant 48 : index
      %get3A_375 = tpu.vector_load %arg8[%get3A_373, %get3A_374] {strides = array<i32>} : memref<64x256xf32, #tpu.memory_space<vmem>>, vector<16xf32>,
      %get3A_376 = arith.index_cast %add3A_364 : i32 to index
      %get3A_377 = arith.constant 64 : index
      %get3A_378 = tpu.vector_load %arg8[%get3A_376, %get3A_377] {strides = array<i32>} : memref<64x256xf32, #tpu.memory_space<vmem>>, vector<16xf32>,
      %get3A_379 = arith.index_cast %add3A_364 : i32 to index
      %get3A_380 = arith.constant 80 : index
      %get3A_381 = tpu.vector_load %arg8[%get3A_379, %get3A_380] {strides = array<i32>} : memref<64x256xf32, #tpu.memory_space<vmem>>, vector<16xf32>,
      %get3A_382 = arith.index_cast %add3A_364 : i32 to index
      %get3A_383 = arith.constant 96 : index
      %get3A_384 = tpu.vector_load %arg8[%get3A_382, %get3A_383] {strides = array<i32>} : memref<64x256xf32, #tpu.memory_space<vmem>>, vector<16xf32>,
      %get3A_385 = arith.index_cast %add3A_364 : i32 to index
      %get3A_386 = arith.constant 112 : index
      %get3A_387 = tpu.vector_load %arg8[%get3A_385, %get3A_386] {strides = array<i32>} : memref<64x256xf32, #tpu.memory_space<vmem>>, vector<16xf32>,
      %get3A_388 = arith.index_cast %add3A_364 : i32 to index
      %get3A_389 = arith.constant 128 : index
      %get3A_390 = tpu.vector_load %arg8[%get3A_388, %get3A_389] {strides = array<i32>} : memref<64x256xf32, #tpu.memory_space<vmem>>, vector<16xf32>,
      %get3A_391 = arith.index_cast %add3A_364 : i32 to index
      %get3A_392 = arith.constant 144 : index
      %get3A_393 = tpu.vector_load %arg8[%get3A_391, %get3A_392] {strides = array<i32>} : memref<64x256xf32, #tpu.memory_space<vmem>>, vector<16xf32>,
      %get3A_394 = arith.index_cast %add3A_364 : i32 to index
      %get3A_395 = arith.constant 160 : index
      %get3A_396 = tpu.vector_load %arg8[%get3A_394, %get3A_395] {strides = array<i32>} : memref<64x256xf32, #tpu.memory_space<vmem>>, vector<16xf32>,
      %get3A_397 = arith.index_cast %add3A_364 : i32 to index
      %get3A_398 = arith.constant 176 : index
      %get3A_399 = tpu.vector_load %arg8[%get3A_397, %get3A_398] {strides = array<i32>} : memref<64x256xf32, #tpu.memory_space<vmem>>, vector<16xf32>,
      %get3A_400 = arith.index_cast %add3A_364 : i32 to index
      %get3A_401 = arith.constant 192 : index
      %get3A_402 = tpu.vector_load %arg8[%get3A_400, %get3A_401] {strides = array<i32>} : memref<64x256xf32, #tpu.memory_space<vmem>>, vector<16xf32>,
      %get3A_403 = arith.index_cast %add3A_364 : i32 to index
      %get3A_404 = arith.constant 208 : index
      %get3A_405 = tpu.vector_load %arg8[%get3A_403, %get3A_404] {strides = array<i32>} : memref<64x256xf32, #tpu.memory_space<vmem>>, vector<16xf32>,
      %get3A_406 = arith.index_cast %add3A_364 : i32 to index
      %get3A_407 = arith.constant 224 : index
      %get3A_408 = tpu.vector_load %arg8[%get3A_406, %get3A_407] {strides = array<i32>} : memref<64x256xf32, #tpu.memory_space<vmem>>, vector<16xf32>,
      %get3A_409 = arith.index_cast %add3A_364 : i32 to index
      %get3A_410 = arith.constant 240 : index
      %get3A_411 = tpu.vector_load %arg8[%get3A_409, %get3A_410] {strides = array<i32>} : memref<64x256xf32, #tpu.memory_space<vmem>>, vector<16xf32>,
      %mul3A_412 = arith.mulf %get3A_366, %get3A_366 : vector<16xf32>
      %mul3A_413 = arith.mulf %get3A_369, %get3A_369 : vector<16xf32>
      %add3A_414 = arith.addf %mul3A_412, %mul3A_413 : vector<16xf32>
      %mul3A_415 = arith.mulf %get3A_372, %get3A_372 : vector<16xf32>
      %add3A_416 = arith.addf %add3A_414, %mul3A_415 : vector<16xf32>
      %mul3A_417 = arith.mulf %get3A_375, %get3A_375 : vector<16xf32>
      %add3A_418 = arith.addf %add3A_416, %mul3A_417 : vector<16xf32>
      %mul3A_419 = arith.mulf %get3A_378, %get3A_378 : vector<16xf32>
      %add3A_420 = arith.addf %add3A_418, %mul3A_419 : vector<16xf32>
      %mul3A_421 = arith.mulf %get3A_381, %get3A_381 : vector<16xf32>
      %add3A_422 = arith.addf %add3A_420, %mul3A_421 : vector<16xf32>
      %mul3A_423 = arith.mulf %get3A_384, %get3A_384 : vector<16xf32>
      %add3A_424 = arith.addf %add3A_422, %mul3A_423 : vector<16xf32>
      %mul3A_425 = arith.mulf %get3A_387, %get3A_387 : vector<16xf32>
      %add3A_426 = arith.addf %add3A_424, %mul3A_425 : vector<16xf32>
      %mul3A_427 = arith.mulf %get3A_390, %get3A_390 : vector<16xf32>
      %add3A_428 = arith.addf %add3A_426, %mul3A_427 : vector<16xf32>
      %mul3A_429 = arith.mulf %get3A_393, %get3A_393 : vector<16xf32>
      %add3A_430 = arith.addf %add3A_428, %mul3A_429 : vector<16xf32>
      %mul3A_431 = arith.mulf %get3A_396, %get3A_396 : vector<16xf32>
      %add3A_432 = arith.addf %add3A_430, %mul3A_431 : vector<16xf32>
      %mul3A_433 = arith.mulf %get3A_399, %get3A_399 : vector<16xf32>
      %add3A_434 = arith.addf %add3A_432, %mul3A_433 : vector<16xf32>
      %mul3A_435 = arith.mulf %get3A_402, %get3A_402 : vector<16xf32>
      %add3A_436 = arith.addf %add3A_434, %mul3A_435 : vector<16xf32>
      %mul3A_437 = arith.mulf %get3A_405, %get3A_405 : vector<16xf32>
      %add3A_438 = arith.addf %add3A_436, %mul3A_437 : vector<16xf32>
      %mul3A_439 = arith.mulf %get3A_408, %get3A_408 : vector<16xf32>
      %add3A_440 = arith.addf %add3A_438, %mul3A_439 : vector<16xf32>
      %mul3A_441 = arith.mulf %get3A_411, %get3A_411 : vector<16xf32>
      %add3A_442 = arith.addf %add3A_440, %mul3A_441 : vector<16xf32>
      %iota3A = tpu.iota {dimensions = array<i32: 0>} : vector<16xi32>
      %xor3A = arith.constant 8 : i32
      %xor3A_443 = vector.broadcast %xor3A : i32 to vector<16xi32>
      %xor3A_444 = arith.xori %iota3A, %xor3A_443 : vector<16xi32>
      %lt3A_445 = arith.constant 0 : i32
      %lt3A_446 = vector.broadcast %lt3A_445 : i32 to vector<16xi32>
      %lt3A_447 = arith.cmpi slt, %xor3A_444, %lt3A_446 : vector<16xi32>
      %add3A_448 = arith.constant 16 : i32
      %add3A_449 = vector.broadcast %add3A_448 : i32 to vector<16xi32>
      %add3A_450 = arith.addi %xor3A_444, %add3A_449 : vector<16xi32>
      %select_n3A = arith.select %lt3A_447, %add3A_450, %xor3A_444 : vector<16xi1>, vector<16xi32>
      %broadcast_in_dim3A_451 = vector.shape_cast %select_n3A : vector<16xi32> to vector<16x1xi32>
      %gather3A = vector.shape_cast %broadcast_in_dim3A_451 : vector<16x1xi32> to vector<16xi32>
      %gather3A_452 = tpu.dynamic_gather %add3A_442[%gather3A] in [0] : vector<16xf32>, vector<16xi32> -> vector<16xf32>
      %add3A_453 = arith.addf %add3A_442, %gather3A_452 : vector<16xf32>
      %iota3A_454 = tpu.iota {dimensions = array<i32: 0>} : vector<16xi32>
      %xor3A_455 = arith.constant 4 : i32
      %xor3A_456 = vector.broadcast %xor3A_455 : i32 to vector<16xi32>
      %xor3A_457 = arith.xori %iota3A_454, %xor3A_456 : vector<16xi32>
      %lt3A_458 = arith.constant 0 : i32
      %lt3A_459 = vector.broadcast %lt3A_458 : i32 to vector<16xi32>
      %lt3A_460 = arith.cmpi slt, %xor3A_457, %lt3A_459 : vector<16xi32>
      %add3A_461 = arith.constant 16 : i32
      %add3A_462 = vector.broadcast %add3A_461 : i32 to vector<16xi32>
      %add3A_463 = arith.addi %xor3A_457, %add3A_462 : vector<16xi32>
      %select_n3A_464 = arith.select %lt3A_460, %add3A_463, %xor3A_457 : vector<16xi1>, vector<16xi32>
      %broadcast_in_dim3A_465 = vector.shape_cast %select_n3A_464 : vector<16xi32> to vector<16x1xi32>
      %gather3A_466 = vector.shape_cast %broadcast_in_dim3A_465 : vector<16x1xi32> to vector<16xi32>
      %gather3A_467 = tpu.dynamic_gather %add3A_453[%gather3A_466] in [0] : vector<16xf32>, vector<16xi32> -> vector<16xf32>
      %add3A_468 = arith.addf %add3A_453, %gather3A_467 : vector<16xf32>
      %iota3A_469 = tpu.iota {dimensions = array<i32: 0>} : vector<16xi32>
      %xor3A_470 = arith.constant 2 : i32
      %xor3A_471 = vector.broadcast %xor3A_470 : i32 to vector<16xi32>
      %xor3A_472 = arith.xori %iota3A_469, %xor3A_471 : vector<16xi32>
      %lt3A_473 = arith.constant 0 : i32
      %lt3A_474 = vector.broadcast %lt3A_473 : i32 to vector<16xi32>
      %lt3A_475 = arith.cmpi slt, %xor3A_472, %lt3A_474 : vector<16xi32>
      %add3A_476 = arith.constant 16 : i32
      %add3A_477 = vector.broadcast %add3A_476 : i32 to vector<16xi32>
      %add3A_478 = arith.addi %xor3A_472, %add3A_477 : vector<16xi32>
      %select_n3A_479 = arith.select %lt3A_475, %add3A_478, %xor3A_472 : vector<16xi1>, vector<16xi32>
      %broadcast_in_dim3A_480 = vector.shape_cast %select_n3A_479 : vector<16xi32> to vector<16x1xi32>
      %gather3A_481 = vector.shape_cast %broadcast_in_dim3A_480 : vector<16x1xi32> to vector<16xi32>
      %gather3A_482 = tpu.dynamic_gather %add3A_468[%gather3A_481] in [0] : vector<16xf32>, vector<16xi32> -> vector<16xf32>
      %add3A_483 = arith.addf %add3A_468, %gather3A_482 : vector<16xf32>
      %iota3A_484 = tpu.iota {dimensions = array<i32: 0>} : vector<16xi32>
      %xor3A_485 = arith.constant 1 : i32
      %xor3A_486 = vector.broadcast %xor3A_485 : i32 to vector<16xi32>
      %xor3A_487 = arith.xori %iota3A_484, %xor3A_486 : vector<16xi32>
      %lt3A_488 = arith.constant 0 : i32
      %lt3A_489 = vector.broadcast %lt3A_488 : i32 to vector<16xi32>
      %lt3A_490 = arith.cmpi slt, %xor3A_487, %lt3A_489 : vector<16xi32>
      %add3A_491 = arith.constant 16 : i32
      %add3A_492 = vector.broadcast %add3A_491 : i32 to vector<16xi32>
      %add3A_493 = arith.addi %xor3A_487, %add3A_492 : vector<16xi32>
      %select_n3A_494 = arith.select %lt3A_490, %add3A_493, %xor3A_487 : vector<16xi1>, vector<16xi32>
      %broadcast_in_dim3A_495 = vector.shape_cast %select_n3A_494 : vector<16xi32> to vector<16x1xi32>
      %gather3A_496 = vector.shape_cast %broadcast_in_dim3A_495 : vector<16x1xi32> to vector<16xi32>
      %gather3A_497 = tpu.dynamic_gather %add3A_483[%gather3A_496] in [0] : vector<16xf32>, vector<16xi32> -> vector<16xf32>
      %add3A_498 = arith.addf %add3A_483, %gather3A_497 : vector<16xf32>
      %bitcast_convert_type3A = tpu.bitcast %add3A_498 : vector<16xf32> -> vector<16xi32>
      %shift_right_logical3A = arith.constant 1 : i32
      %shift_right_logical3A_499 = vector.broadcast %shift_right_logical3A : i32 to vector<16xi32>
      %shift_right_logical3A_500 = arith.shrui %bitcast_convert_type3A, %shift_right_logical3A_499 : vector<16xi32>
      %sub3A = arith.constant 1597463007 : i32
      %sub3A_501 = vector.broadcast %sub3A : i32 to vector<16xi32>
      %sub3A_502 = arith.subi %sub3A_501, %shift_right_logical3A_500 : vector<16xi32>
      %bitcast_convert_type3A_503 = tpu.bitcast %sub3A_502 : vector<16xi32> -> vector<16xf32>
      %mul3A_504 = arith.constant 5.000000e-01 : f32
      %mul3A_505 = vector.broadcast %mul3A_504 : f32 to vector<16xf32>
      %mul3A_506 = arith.mulf %mul3A_505, %add3A_498 : vector<16xf32>
      %mul3A_507 = arith.mulf %mul3A_506, %bitcast_convert_type3A_503 : vector<16xf32>
      %mul3A_508 = arith.mulf %mul3A_507, %bitcast_convert_type3A_503 : vector<16xf32>
      %sub3A_509 = arith.constant 1.500000e+00 : f32
      %sub3A_510 = vector.broadcast %sub3A_509 : f32 to vector<16xf32>
      %sub3A_511 = arith.subf %sub3A_510, %mul3A_508 : vector<16xf32>
      %mul3A_512 = arith.mulf %bitcast_convert_type3A_503, %sub3A_511 : vector<16xf32>
      %mul3A_513 = arith.constant 5.000000e-01 : f32
      %mul3A_514 = vector.broadcast %mul3A_513 : f32 to vector<16xf32>
      %mul3A_515 = arith.mulf %mul3A_514, %add3A_498 : vector<16xf32>
      %mul3A_516 = arith.mulf %mul3A_515, %mul3A_512 : vector<16xf32>
      %mul3A_517 = arith.mulf %mul3A_516, %mul3A_512 : vector<16xf32>
      %sub3A_518 = arith.constant 1.500000e+00 : f32
      %sub3A_519 = vector.broadcast %sub3A_518 : f32 to vector<16xf32>
      %sub3A_520 = arith.subf %sub3A_519, %mul3A_517 : vector<16xf32>
      %mul3A_521 = arith.mulf %mul3A_512, %sub3A_520 : vector<16xf32>
      %mul3A_522 = arith.constant 5.000000e-01 : f32
      %mul3A_523 = vector.broadcast %mul3A_522 : f32 to vector<16xf32>
      %mul3A_524 = arith.mulf %mul3A_523, %add3A_498 : vector<16xf32>
      %mul3A_525 = arith.mulf %mul3A_524, %mul3A_521 : vector<16xf32>
      %mul3A_526 = arith.mulf %mul3A_525, %mul3A_521 : vector<16xf32>
      %sub3A_527 = arith.constant 1.500000e+00 : f32
      %sub3A_528 = vector.broadcast %sub3A_527 : f32 to vector<16xf32>
      %sub3A_529 = arith.subf %sub3A_528, %mul3A_526 : vector<16xf32>
      %mul3A_530 = arith.mulf %mul3A_521, %sub3A_529 : vector<16xf32>
      %get3A_531 = arith.index_cast %add3A_364 : i32 to index
      %get3A_532 = tpu.vector_load %arg6[%get3A_531] {strides = array<i32>} : memref<80xi32, #tpu.memory_space<vmem>>, vector<16xi32>,
      %slice3A = vector.extract_strided_slice %get3A_532 {offsets = [0], sizes = [1], strides = [1]} : vector<16xi32> to vector<1xi32>
      %squeeze3A = vector.extract %slice3A[0] : i32 from vector<1xi32>
      %mul3A_533 = arith.constant 256 : i32
      %mul3A_534 = arith.muli %squeeze3A, %mul3A_533 : i32
      %add3A_535 = arith.constant 0 : i32
      %add3A_536 = arith.addi %mul3A_534, %add3A_535 : i32
      %get3A_537 = arith.index_cast %add3A_536 : i32 to index
      %get3A_538 = tpu.vector_load %arg9[%get3A_537] {strides = array<i32>} : memref<20736xf32, #tpu.memory_space<vmem>>, vector<16xf32>,
      %mul3A_539 = arith.mulf %get3A_366, %mul3A_530 : vector<16xf32>
      %add3A_540 = arith.addf %get3A_538, %mul3A_539 : vector<16xf32>
      %swap3A = arith.index_cast %add3A_536 : i32 to index
      %swap3A_541 = tpu.vector_load %arg9[%swap3A] {strides = array<i32>} : memref<20736xf32, #tpu.memory_space<vmem>>, vector<16xf32>,
      tpu.vector_store %arg9[%swap3A], %add3A_540 {strides = array<i32>} : memref<20736xf32, #tpu.memory_space<vmem>>, vector<16xf32>,
      %add3A_542 = arith.constant 16 : i32
      %add3A_543 = arith.addi %mul3A_534, %add3A_542 : i32
      %get3A_544 = arith.index_cast %add3A_543 : i32 to index
      %get3A_545 = tpu.vector_load %arg9[%get3A_544] {strides = array<i32>} : memref<20736xf32, #tpu.memory_space<vmem>>, vector<16xf32>,
      %mul3A_546 = arith.mulf %get3A_369, %mul3A_530 : vector<16xf32>
      %add3A_547 = arith.addf %get3A_545, %mul3A_546 : vector<16xf32>
      %swap3A_548 = arith.index_cast %add3A_543 : i32 to index
      %swap3A_549 = tpu.vector_load %arg9[%swap3A_548] {strides = array<i32>} : memref<20736xf32, #tpu.memory_space<vmem>>, vector<16xf32>,
      tpu.vector_store %arg9[%swap3A_548], %add3A_547 {strides = array<i32>} : memref<20736xf32, #tpu.memory_space<vmem>>, vector<16xf32>,
      %add3A_550 = arith.constant 32 : i32
      %add3A_551 = arith.addi %mul3A_534, %add3A_550 : i32
      %get3A_552 = arith.index_cast %add3A_551 : i32 to index
      %get3A_553 = tpu.vector_load %arg9[%get3A_552] {strides = array<i32>} : memref<20736xf32, #tpu.memory_space<vmem>>, vector<16xf32>,
      %mul3A_554 = arith.mulf %get3A_372, %mul3A_530 : vector<16xf32>
      %add3A_555 = arith.addf %get3A_553, %mul3A_554 : vector<16xf32>
      %swap3A_556 = arith.index_cast %add3A_551 : i32 to index
      %swap3A_557 = tpu.vector_load %arg9[%swap3A_556] {strides = array<i32>} : memref<20736xf32, #tpu.memory_space<vmem>>, vector<16xf32>,
      tpu.vector_store %arg9[%swap3A_556], %add3A_555 {strides = array<i32>} : memref<20736xf32, #tpu.memory_space<vmem>>, vector<16xf32>,
      %add3A_558 = arith.constant 48 : i32
      %add3A_559 = arith.addi %mul3A_534, %add3A_558 : i32
      %get3A_560 = arith.index_cast %add3A_559 : i32 to index
      %get3A_561 = tpu.vector_load %arg9[%get3A_560] {strides = array<i32>} : memref<20736xf32, #tpu.memory_space<vmem>>, vector<16xf32>,
      %mul3A_562 = arith.mulf %get3A_375, %mul3A_530 : vector<16xf32>
      %add3A_563 = arith.addf %get3A_561, %mul3A_562 : vector<16xf32>
      %swap3A_564 = arith.index_cast %add3A_559 : i32 to index
      %swap3A_565 = tpu.vector_load %arg9[%swap3A_564] {strides = array<i32>} : memref<20736xf32, #tpu.memory_space<vmem>>, vector<16xf32>,
      tpu.vector_store %arg9[%swap3A_564], %add3A_563 {strides = array<i32>} : memref<20736xf32, #tpu.memory_space<vmem>>, vector<16xf32>,
      %add3A_566 = arith.constant 64 : i32
      %add3A_567 = arith.addi %mul3A_534, %add3A_566 : i32
      %get3A_568 = arith.index_cast %add3A_567 : i32 to index
      %get3A_569 = tpu.vector_load %arg9[%get3A_568] {strides = array<i32>} : memref<20736xf32, #tpu.memory_space<vmem>>, vector<16xf32>,
      %mul3A_570 = arith.mulf %get3A_378, %mul3A_530 : vector<16xf32>
      %add3A_571 = arith.addf %get3A_569, %mul3A_570 : vector<16xf32>
      %swap3A_572 = arith.index_cast %add3A_567 : i32 to index
      %swap3A_573 = tpu.vector_load %arg9[%swap3A_572] {strides = array<i32>} : memref<20736xf32, #tpu.memory_space<vmem>>, vector<16xf32>,
      tpu.vector_store %arg9[%swap3A_572], %add3A_571 {strides = array<i32>} : memref<20736xf32, #tpu.memory_space<vmem>>, vector<16xf32>,
      %add3A_574 = arith.constant 80 : i32
      %add3A_575 = arith.addi %mul3A_534, %add3A_574 : i32
      %get3A_576 = arith.index_cast %add3A_575 : i32 to index
      %get3A_577 = tpu.vector_load %arg9[%get3A_576] {strides = array<i32>} : memref<20736xf32, #tpu.memory_space<vmem>>, vector<16xf32>,
      %mul3A_578 = arith.mulf %get3A_381, %mul3A_530 : vector<16xf32>
      %add3A_579 = arith.addf %get3A_577, %mul3A_578 : vector<16xf32>
      %swap3A_580 = arith.index_cast %add3A_575 : i32 to index
      %swap3A_581 = tpu.vector_load %arg9[%swap3A_580] {strides = array<i32>} : memref<20736xf32, #tpu.memory_space<vmem>>, vector<16xf32>,
      tpu.vector_store %arg9[%swap3A_580], %add3A_579 {strides = array<i32>} : memref<20736xf32, #tpu.memory_space<vmem>>, vector<16xf32>,
      %add3A_582 = arith.constant 96 : i32
      %add3A_583 = arith.addi %mul3A_534, %add3A_582 : i32
      %get3A_584 = arith.index_cast %add3A_583 : i32 to index
      %get3A_585 = tpu.vector_load %arg9[%get3A_584] {strides = array<i32>} : memref<20736xf32, #tpu.memory_space<vmem>>, vector<16xf32>,
      %mul3A_586 = arith.mulf %get3A_384, %mul3A_530 : vector<16xf32>
      %add3A_587 = arith.addf %get3A_585, %mul3A_586 : vector<16xf32>
      %swap3A_588 = arith.index_cast %add3A_583 : i32 to index
      %swap3A_589 = tpu.vector_load %arg9[%swap3A_588] {strides = array<i32>} : memref<20736xf32, #tpu.memory_space<vmem>>, vector<16xf32>,
      tpu.vector_store %arg9[%swap3A_588], %add3A_587 {strides = array<i32>} : memref<20736xf32, #tpu.memory_space<vmem>>, vector<16xf32>,
      %add3A_590 = arith.constant 112 : i32
      %add3A_591 = arith.addi %mul3A_534, %add3A_590 : i32
      %get3A_592 = arith.index_cast %add3A_591 : i32 to index
      %get3A_593 = tpu.vector_load %arg9[%get3A_592] {strides = array<i32>} : memref<20736xf32, #tpu.memory_space<vmem>>, vector<16xf32>,
      %mul3A_594 = arith.mulf %get3A_387, %mul3A_530 : vector<16xf32>
      %add3A_595 = arith.addf %get3A_593, %mul3A_594 : vector<16xf32>
      %swap3A_596 = arith.index_cast %add3A_591 : i32 to index
      %swap3A_597 = tpu.vector_load %arg9[%swap3A_596] {strides = array<i32>} : memref<20736xf32, #tpu.memory_space<vmem>>, vector<16xf32>,
      tpu.vector_store %arg9[%swap3A_596], %add3A_595 {strides = array<i32>} : memref<20736xf32, #tpu.memory_space<vmem>>, vector<16xf32>,
      %add3A_598 = arith.constant 128 : i32
      %add3A_599 = arith.addi %mul3A_534, %add3A_598 : i32
      %get3A_600 = arith.index_cast %add3A_599 : i32 to index
      %get3A_601 = tpu.vector_load %arg9[%get3A_600] {strides = array<i32>} : memref<20736xf32, #tpu.memory_space<vmem>>, vector<16xf32>,
      %mul3A_602 = arith.mulf %get3A_390, %mul3A_530 : vector<16xf32>
      %add3A_603 = arith.addf %get3A_601, %mul3A_602 : vector<16xf32>
      %swap3A_604 = arith.index_cast %add3A_599 : i32 to index
      %swap3A_605 = tpu.vector_load %arg9[%swap3A_604] {strides = array<i32>} : memref<20736xf32, #tpu.memory_space<vmem>>, vector<16xf32>,
      tpu.vector_store %arg9[%swap3A_604], %add3A_603 {strides = array<i32>} : memref<20736xf32, #tpu.memory_space<vmem>>, vector<16xf32>,
      %add3A_606 = arith.constant 144 : i32
      %add3A_607 = arith.addi %mul3A_534, %add3A_606 : i32
      %get3A_608 = arith.index_cast %add3A_607 : i32 to index
      %get3A_609 = tpu.vector_load %arg9[%get3A_608] {strides = array<i32>} : memref<20736xf32, #tpu.memory_space<vmem>>, vector<16xf32>,
      %mul3A_610 = arith.mulf %get3A_393, %mul3A_530 : vector<16xf32>
      %add3A_611 = arith.addf %get3A_609, %mul3A_610 : vector<16xf32>
      %swap3A_612 = arith.index_cast %add3A_607 : i32 to index
      %swap3A_613 = tpu.vector_load %arg9[%swap3A_612] {strides = array<i32>} : memref<20736xf32, #tpu.memory_space<vmem>>, vector<16xf32>,
      tpu.vector_store %arg9[%swap3A_612], %add3A_611 {strides = array<i32>} : memref<20736xf32, #tpu.memory_space<vmem>>, vector<16xf32>,
      %add3A_614 = arith.constant 160 : i32
      %add3A_615 = arith.addi %mul3A_534, %add3A_614 : i32
      %get3A_616 = arith.index_cast %add3A_615 : i32 to index
      %get3A_617 = tpu.vector_load %arg9[%get3A_616] {strides = array<i32>} : memref<20736xf32, #tpu.memory_space<vmem>>, vector<16xf32>,
      %mul3A_618 = arith.mulf %get3A_396, %mul3A_530 : vector<16xf32>
      %add3A_619 = arith.addf %get3A_617, %mul3A_618 : vector<16xf32>
      %swap3A_620 = arith.index_cast %add3A_615 : i32 to index
      %swap3A_621 = tpu.vector_load %arg9[%swap3A_620] {strides = array<i32>} : memref<20736xf32, #tpu.memory_space<vmem>>, vector<16xf32>,
      tpu.vector_store %arg9[%swap3A_620], %add3A_619 {strides = array<i32>} : memref<20736xf32, #tpu.memory_space<vmem>>, vector<16xf32>,
      %add3A_622 = arith.constant 176 : i32
      %add3A_623 = arith.addi %mul3A_534, %add3A_622 : i32
      %get3A_624 = arith.index_cast %add3A_623 : i32 to index
      %get3A_625 = tpu.vector_load %arg9[%get3A_624] {strides = array<i32>} : memref<20736xf32, #tpu.memory_space<vmem>>, vector<16xf32>,
      %mul3A_626 = arith.mulf %get3A_399, %mul3A_530 : vector<16xf32>
      %add3A_627 = arith.addf %get3A_625, %mul3A_626 : vector<16xf32>
      %swap3A_628 = arith.index_cast %add3A_623 : i32 to index
      %swap3A_629 = tpu.vector_load %arg9[%swap3A_628] {strides = array<i32>} : memref<20736xf32, #tpu.memory_space<vmem>>, vector<16xf32>,
      tpu.vector_store %arg9[%swap3A_628], %add3A_627 {strides = array<i32>} : memref<20736xf32, #tpu.memory_space<vmem>>, vector<16xf32>,
      %add3A_630 = arith.constant 192 : i32
      %add3A_631 = arith.addi %mul3A_534, %add3A_630 : i32
      %get3A_632 = arith.index_cast %add3A_631 : i32 to index
      %get3A_633 = tpu.vector_load %arg9[%get3A_632] {strides = array<i32>} : memref<20736xf32, #tpu.memory_space<vmem>>, vector<16xf32>,
      %mul3A_634 = arith.mulf %get3A_402, %mul3A_530 : vector<16xf32>
      %add3A_635 = arith.addf %get3A_633, %mul3A_634 : vector<16xf32>
      %swap3A_636 = arith.index_cast %add3A_631 : i32 to index
      %swap3A_637 = tpu.vector_load %arg9[%swap3A_636] {strides = array<i32>} : memref<20736xf32, #tpu.memory_space<vmem>>, vector<16xf32>,
      tpu.vector_store %arg9[%swap3A_636], %add3A_635 {strides = array<i32>} : memref<20736xf32, #tpu.memory_space<vmem>>, vector<16xf32>,
      %add3A_638 = arith.constant 208 : i32
      %add3A_639 = arith.addi %mul3A_534, %add3A_638 : i32
      %get3A_640 = arith.index_cast %add3A_639 : i32 to index
      %get3A_641 = tpu.vector_load %arg9[%get3A_640] {strides = array<i32>} : memref<20736xf32, #tpu.memory_space<vmem>>, vector<16xf32>,
      %mul3A_642 = arith.mulf %get3A_405, %mul3A_530 : vector<16xf32>
      %add3A_643 = arith.addf %get3A_641, %mul3A_642 : vector<16xf32>
      %swap3A_644 = arith.index_cast %add3A_639 : i32 to index
      %swap3A_645 = tpu.vector_load %arg9[%swap3A_644] {strides = array<i32>} : memref<20736xf32, #tpu.memory_space<vmem>>, vector<16xf32>,
      tpu.vector_store %arg9[%swap3A_644], %add3A_643 {strides = array<i32>} : memref<20736xf32, #tpu.memory_space<vmem>>, vector<16xf32>,
      %add3A_646 = arith.constant 224 : i32
      %add3A_647 = arith.addi %mul3A_534, %add3A_646 : i32
      %get3A_648 = arith.index_cast %add3A_647 : i32 to index
      %get3A_649 = tpu.vector_load %arg9[%get3A_648] {strides = array<i32>} : memref<20736xf32, #tpu.memory_space<vmem>>, vector<16xf32>,
      %mul3A_650 = arith.mulf %get3A_408, %mul3A_530 : vector<16xf32>
      %add3A_651 = arith.addf %get3A_649, %mul3A_650 : vector<16xf32>
      %swap3A_652 = arith.index_cast %add3A_647 : i32 to index
      %swap3A_653 = tpu.vector_load %arg9[%swap3A_652] {strides = array<i32>} : memref<20736xf32, #tpu.memory_space<vmem>>, vector<16xf32>,
      tpu.vector_store %arg9[%swap3A_652], %add3A_651 {strides = array<i32>} : memref<20736xf32, #tpu.memory_space<vmem>>, vector<16xf32>,
      %add3A_654 = arith.constant 240 : i32
      %add3A_655 = arith.addi %mul3A_534, %add3A_654 : i32
      %get3A_656 = arith.index_cast %add3A_655 : i32 to index
      %get3A_657 = tpu.vector_load %arg9[%get3A_656] {strides = array<i32>} : memref<20736xf32, #tpu.memory_space<vmem>>, vector<16xf32>,
      %mul3A_658 = arith.mulf %get3A_411, %mul3A_530 : vector<16xf32>
      %add3A_659 = arith.addf %get3A_657, %mul3A_658 : vector<16xf32>
      %swap3A_660 = arith.index_cast %add3A_655 : i32 to index
      %swap3A_661 = tpu.vector_load %arg9[%swap3A_660] {strides = array<i32>} : memref<20736xf32, #tpu.memory_space<vmem>>, vector<16xf32>,
      tpu.vector_store %arg9[%swap3A_660], %add3A_659 {strides = array<i32>} : memref<20736xf32, #tpu.memory_space<vmem>>, vector<16xf32>,
      %mul3A_662 = arith.constant 2 : i32
      %mul3A_663 = arith.muli %scan3A_359, %mul3A_662 : i32
      %add3A_664 = arith.constant 1 : i32
      %add3A_665 = arith.addi %mul3A_663, %add3A_664 : i32
      %get3A_666 = arith.index_cast %add3A_665 : i32 to index
      %get3A_667 = arith.constant 0 : index
      %get3A_668 = tpu.vector_load %arg8[%get3A_666, %get3A_667] {strides = array<i32>} : memref<64x256xf32, #tpu.memory_space<vmem>>, vector<16xf32>,
      %get3A_669 = arith.index_cast %add3A_665 : i32 to index
      %get3A_670 = arith.constant 16 : index
      %get3A_671 = tpu.vector_load %arg8[%get3A_669, %get3A_670] {strides = array<i32>} : memref<64x256xf32, #tpu.memory_space<vmem>>, vector<16xf32>,
      %get3A_672 = arith.index_cast %add3A_665 : i32 to index
      %get3A_673 = arith.constant 32 : index
      %get3A_674 = tpu.vector_load %arg8[%get3A_672, %get3A_673] {strides = array<i32>} : memref<64x256xf32, #tpu.memory_space<vmem>>, vector<16xf32>,
      %get3A_675 = arith.index_cast %add3A_665 : i32 to index
      %get3A_676 = arith.constant 48 : index
      %get3A_677 = tpu.vector_load %arg8[%get3A_675, %get3A_676] {strides = array<i32>} : memref<64x256xf32, #tpu.memory_space<vmem>>, vector<16xf32>,
      %get3A_678 = arith.index_cast %add3A_665 : i32 to index
      %get3A_679 = arith.constant 64 : index
      %get3A_680 = tpu.vector_load %arg8[%get3A_678, %get3A_679] {strides = array<i32>} : memref<64x256xf32, #tpu.memory_space<vmem>>, vector<16xf32>,
      %get3A_681 = arith.index_cast %add3A_665 : i32 to index
      %get3A_682 = arith.constant 80 : index
      %get3A_683 = tpu.vector_load %arg8[%get3A_681, %get3A_682] {strides = array<i32>} : memref<64x256xf32, #tpu.memory_space<vmem>>, vector<16xf32>,
      %get3A_684 = arith.index_cast %add3A_665 : i32 to index
      %get3A_685 = arith.constant 96 : index
      %get3A_686 = tpu.vector_load %arg8[%get3A_684, %get3A_685] {strides = array<i32>} : memref<64x256xf32, #tpu.memory_space<vmem>>, vector<16xf32>,
      %get3A_687 = arith.index_cast %add3A_665 : i32 to index
      %get3A_688 = arith.constant 112 : index
      %get3A_689 = tpu.vector_load %arg8[%get3A_687, %get3A_688] {strides = array<i32>} : memref<64x256xf32, #tpu.memory_space<vmem>>, vector<16xf32>,
      %get3A_690 = arith.index_cast %add3A_665 : i32 to index
      %get3A_691 = arith.constant 128 : index
      %get3A_692 = tpu.vector_load %arg8[%get3A_690, %get3A_691] {strides = array<i32>} : memref<64x256xf32, #tpu.memory_space<vmem>>, vector<16xf32>,
      %get3A_693 = arith.index_cast %add3A_665 : i32 to index
      %get3A_694 = arith.constant 144 : index
      %get3A_695 = tpu.vector_load %arg8[%get3A_693, %get3A_694] {strides = array<i32>} : memref<64x256xf32, #tpu.memory_space<vmem>>, vector<16xf32>,
      %get3A_696 = arith.index_cast %add3A_665 : i32 to index
      %get3A_697 = arith.constant 160 : index
      %get3A_698 = tpu.vector_load %arg8[%get3A_696, %get3A_697] {strides = array<i32>} : memref<64x256xf32, #tpu.memory_space<vmem>>, vector<16xf32>,
      %get3A_699 = arith.index_cast %add3A_665 : i32 to index
      %get3A_700 = arith.constant 176 : index
      %get3A_701 = tpu.vector_load %arg8[%get3A_699, %get3A_700] {strides = array<i32>} : memref<64x256xf32, #tpu.memory_space<vmem>>, vector<16xf32>,
      %get3A_702 = arith.index_cast %add3A_665 : i32 to index
      %get3A_703 = arith.constant 192 : index
      %get3A_704 = tpu.vector_load %arg8[%get3A_702, %get3A_703] {strides = array<i32>} : memref<64x256xf32, #tpu.memory_space<vmem>>, vector<16xf32>,
      %get3A_705 = arith.index_cast %add3A_665 : i32 to index
      %get3A_706 = arith.constant 208 : index
      %get3A_707 = tpu.vector_load %arg8[%get3A_705, %get3A_706] {strides = array<i32>} : memref<64x256xf32, #tpu.memory_space<vmem>>, vector<16xf32>,
      %get3A_708 = arith.index_cast %add3A_665 : i32 to index
      %get3A_709 = arith.constant 224 : index
      %get3A_710 = tpu.vector_load %arg8[%get3A_708, %get3A_709] {strides = array<i32>} : memref<64x256xf32, #tpu.memory_space<vmem>>, vector<16xf32>,
      %get3A_711 = arith.index_cast %add3A_665 : i32 to index
      %get3A_712 = arith.constant 240 : index
      %get3A_713 = tpu.vector_load %arg8[%get3A_711, %get3A_712] {strides = array<i32>} : memref<64x256xf32, #tpu.memory_space<vmem>>, vector<16xf32>,
      %mul3A_714 = arith.mulf %get3A_668, %get3A_668 : vector<16xf32>
      %mul3A_715 = arith.mulf %get3A_671, %get3A_671 : vector<16xf32>
      %add3A_716 = arith.addf %mul3A_714, %mul3A_715 : vector<16xf32>
      %mul3A_717 = arith.mulf %get3A_674, %get3A_674 : vector<16xf32>
      %add3A_718 = arith.addf %add3A_716, %mul3A_717 : vector<16xf32>
      %mul3A_719 = arith.mulf %get3A_677, %get3A_677 : vector<16xf32>
      %add3A_720 = arith.addf %add3A_718, %mul3A_719 : vector<16xf32>
      %mul3A_721 = arith.mulf %get3A_680, %get3A_680 : vector<16xf32>
      %add3A_722 = arith.addf %add3A_720, %mul3A_721 : vector<16xf32>
      %mul3A_723 = arith.mulf %get3A_683, %get3A_683 : vector<16xf32>
      %add3A_724 = arith.addf %add3A_722, %mul3A_723 : vector<16xf32>
      %mul3A_725 = arith.mulf %get3A_686, %get3A_686 : vector<16xf32>
      %add3A_726 = arith.addf %add3A_724, %mul3A_725 : vector<16xf32>
      %mul3A_727 = arith.mulf %get3A_689, %get3A_689 : vector<16xf32>
      %add3A_728 = arith.addf %add3A_726, %mul3A_727 : vector<16xf32>
      %mul3A_729 = arith.mulf %get3A_692, %get3A_692 : vector<16xf32>
      %add3A_730 = arith.addf %add3A_728, %mul3A_729 : vector<16xf32>
      %mul3A_731 = arith.mulf %get3A_695, %get3A_695 : vector<16xf32>
      %add3A_732 = arith.addf %add3A_730, %mul3A_731 : vector<16xf32>
      %mul3A_733 = arith.mulf %get3A_698, %get3A_698 : vector<16xf32>
      %add3A_734 = arith.addf %add3A_732, %mul3A_733 : vector<16xf32>
      %mul3A_735 = arith.mulf %get3A_701, %get3A_701 : vector<16xf32>
      %add3A_736 = arith.addf %add3A_734, %mul3A_735 : vector<16xf32>
      %mul3A_737 = arith.mulf %get3A_704, %get3A_704 : vector<16xf32>
      %add3A_738 = arith.addf %add3A_736, %mul3A_737 : vector<16xf32>
      %mul3A_739 = arith.mulf %get3A_707, %get3A_707 : vector<16xf32>
      %add3A_740 = arith.addf %add3A_738, %mul3A_739 : vector<16xf32>
      %mul3A_741 = arith.mulf %get3A_710, %get3A_710 : vector<16xf32>
      %add3A_742 = arith.addf %add3A_740, %mul3A_741 : vector<16xf32>
      %mul3A_743 = arith.mulf %get3A_713, %get3A_713 : vector<16xf32>
      %add3A_744 = arith.addf %add3A_742, %mul3A_743 : vector<16xf32>
      %iota3A_745 = tpu.iota {dimensions = array<i32: 0>} : vector<16xi32>
      %xor3A_746 = arith.constant 8 : i32
      %xor3A_747 = vector.broadcast %xor3A_746 : i32 to vector<16xi32>
      %xor3A_748 = arith.xori %iota3A_745, %xor3A_747 : vector<16xi32>
      %lt3A_749 = arith.constant 0 : i32
      %lt3A_750 = vector.broadcast %lt3A_749 : i32 to vector<16xi32>
      %lt3A_751 = arith.cmpi slt, %xor3A_748, %lt3A_750 : vector<16xi32>
      %add3A_752 = arith.constant 16 : i32
      %add3A_753 = vector.broadcast %add3A_752 : i32 to vector<16xi32>
      %add3A_754 = arith.addi %xor3A_748, %add3A_753 : vector<16xi32>
      %select_n3A_755 = arith.select %lt3A_751, %add3A_754, %xor3A_748 : vector<16xi1>, vector<16xi32>
      %broadcast_in_dim3A_756 = vector.shape_cast %select_n3A_755 : vector<16xi32> to vector<16x1xi32>
      %gather3A_757 = vector.shape_cast %broadcast_in_dim3A_756 : vector<16x1xi32> to vector<16xi32>
      %gather3A_758 = tpu.dynamic_gather %add3A_744[%gather3A_757] in [0] : vector<16xf32>, vector<16xi32> -> vector<16xf32>
      %add3A_759 = arith.addf %add3A_744, %gather3A_758 : vector<16xf32>
      %iota3A_760 = tpu.iota {dimensions = array<i32: 0>} : vector<16xi32>
      %xor3A_761 = arith.constant 4 : i32
      %xor3A_762 = vector.broadcast %xor3A_761 : i32 to vector<16xi32>
      %xor3A_763 = arith.xori %iota3A_760, %xor3A_762 : vector<16xi32>
      %lt3A_764 = arith.constant 0 : i32
      %lt3A_765 = vector.broadcast %lt3A_764 : i32 to vector<16xi32>
      %lt3A_766 = arith.cmpi slt, %xor3A_763, %lt3A_765 : vector<16xi32>
      %add3A_767 = arith.constant 16 : i32
      %add3A_768 = vector.broadcast %add3A_767 : i32 to vector<16xi32>
      %add3A_769 = arith.addi %xor3A_763, %add3A_768 : vector<16xi32>
      %select_n3A_770 = arith.select %lt3A_766, %add3A_769, %xor3A_763 : vector<16xi1>, vector<16xi32>
      %broadcast_in_dim3A_771 = vector.shape_cast %select_n3A_770 : vector<16xi32> to vector<16x1xi32>
      %gather3A_772 = vector.shape_cast %broadcast_in_dim3A_771 : vector<16x1xi32> to vector<16xi32>
      %gather3A_773 = tpu.dynamic_gather %add3A_759[%gather3A_772] in [0] : vector<16xf32>, vector<16xi32> -> vector<16xf32>
      %add3A_774 = arith.addf %add3A_759, %gather3A_773 : vector<16xf32>
      %iota3A_775 = tpu.iota {dimensions = array<i32: 0>} : vector<16xi32>
      %xor3A_776 = arith.constant 2 : i32
      %xor3A_777 = vector.broadcast %xor3A_776 : i32 to vector<16xi32>
      %xor3A_778 = arith.xori %iota3A_775, %xor3A_777 : vector<16xi32>
      %lt3A_779 = arith.constant 0 : i32
      %lt3A_780 = vector.broadcast %lt3A_779 : i32 to vector<16xi32>
      %lt3A_781 = arith.cmpi slt, %xor3A_778, %lt3A_780 : vector<16xi32>
      %add3A_782 = arith.constant 16 : i32
      %add3A_783 = vector.broadcast %add3A_782 : i32 to vector<16xi32>
      %add3A_784 = arith.addi %xor3A_778, %add3A_783 : vector<16xi32>
      %select_n3A_785 = arith.select %lt3A_781, %add3A_784, %xor3A_778 : vector<16xi1>, vector<16xi32>
      %broadcast_in_dim3A_786 = vector.shape_cast %select_n3A_785 : vector<16xi32> to vector<16x1xi32>
      %gather3A_787 = vector.shape_cast %broadcast_in_dim3A_786 : vector<16x1xi32> to vector<16xi32>
      %gather3A_788 = tpu.dynamic_gather %add3A_774[%gather3A_787] in [0] : vector<16xf32>, vector<16xi32> -> vector<16xf32>
      %add3A_789 = arith.addf %add3A_774, %gather3A_788 : vector<16xf32>
      %iota3A_790 = tpu.iota {dimensions = array<i32: 0>} : vector<16xi32>
      %xor3A_791 = arith.constant 1 : i32
      %xor3A_792 = vector.broadcast %xor3A_791 : i32 to vector<16xi32>
      %xor3A_793 = arith.xori %iota3A_790, %xor3A_792 : vector<16xi32>
      %lt3A_794 = arith.constant 0 : i32
      %lt3A_795 = vector.broadcast %lt3A_794 : i32 to vector<16xi32>
      %lt3A_796 = arith.cmpi slt, %xor3A_793, %lt3A_795 : vector<16xi32>
      %add3A_797 = arith.constant 16 : i32
      %add3A_798 = vector.broadcast %add3A_797 : i32 to vector<16xi32>
      %add3A_799 = arith.addi %xor3A_793, %add3A_798 : vector<16xi32>
      %select_n3A_800 = arith.select %lt3A_796, %add3A_799, %xor3A_793 : vector<16xi1>, vector<16xi32>
      %broadcast_in_dim3A_801 = vector.shape_cast %select_n3A_800 : vector<16xi32> to vector<16x1xi32>
      %gather3A_802 = vector.shape_cast %broadcast_in_dim3A_801 : vector<16x1xi32> to vector<16xi32>
      %gather3A_803 = tpu.dynamic_gather %add3A_789[%gather3A_802] in [0] : vector<16xf32>, vector<16xi32> -> vector<16xf32>
      %add3A_804 = arith.addf %add3A_789, %gather3A_803 : vector<16xf32>
      %bitcast_convert_type3A_805 = tpu.bitcast %add3A_804 : vector<16xf32> -> vector<16xi32>
      %shift_right_logical3A_806 = arith.constant 1 : i32
      %shift_right_logical3A_807 = vector.broadcast %shift_right_logical3A_806 : i32 to vector<16xi32>
      %shift_right_logical3A_808 = arith.shrui %bitcast_convert_type3A_805, %shift_right_logical3A_807 : vector<16xi32>
      %sub3A_809 = arith.constant 1597463007 : i32
      %sub3A_810 = vector.broadcast %sub3A_809 : i32 to vector<16xi32>
      %sub3A_811 = arith.subi %sub3A_810, %shift_right_logical3A_808 : vector<16xi32>
      %bitcast_convert_type3A_812 = tpu.bitcast %sub3A_811 : vector<16xi32> -> vector<16xf32>
      %mul3A_813 = arith.constant 5.000000e-01 : f32
      %mul3A_814 = vector.broadcast %mul3A_813 : f32 to vector<16xf32>
      %mul3A_815 = arith.mulf %mul3A_814, %add3A_804 : vector<16xf32>
      %mul3A_816 = arith.mulf %mul3A_815, %bitcast_convert_type3A_812 : vector<16xf32>
      %mul3A_817 = arith.mulf %mul3A_816, %bitcast_convert_type3A_812 : vector<16xf32>
      %sub3A_818 = arith.constant 1.500000e+00 : f32
      %sub3A_819 = vector.broadcast %sub3A_818 : f32 to vector<16xf32>
      %sub3A_820 = arith.subf %sub3A_819, %mul3A_817 : vector<16xf32>
      %mul3A_821 = arith.mulf %bitcast_convert_type3A_812, %sub3A_820 : vector<16xf32>
      %mul3A_822 = arith.constant 5.000000e-01 : f32
      %mul3A_823 = vector.broadcast %mul3A_822 : f32 to vector<16xf32>
      %mul3A_824 = arith.mulf %mul3A_823, %add3A_804 : vector<16xf32>
      %mul3A_825 = arith.mulf %mul3A_824, %mul3A_821 : vector<16xf32>
      %mul3A_826 = arith.mulf %mul3A_825, %mul3A_821 : vector<16xf32>
      %sub3A_827 = arith.constant 1.500000e+00 : f32
      %sub3A_828 = vector.broadcast %sub3A_827 : f32 to vector<16xf32>
      %sub3A_829 = arith.subf %sub3A_828, %mul3A_826 : vector<16xf32>
      %mul3A_830 = arith.mulf %mul3A_821, %sub3A_829 : vector<16xf32>
      %mul3A_831 = arith.constant 5.000000e-01 : f32
      %mul3A_832 = vector.broadcast %mul3A_831 : f32 to vector<16xf32>
      %mul3A_833 = arith.mulf %mul3A_832, %add3A_804 : vector<16xf32>
      %mul3A_834 = arith.mulf %mul3A_833, %mul3A_830 : vector<16xf32>
      %mul3A_835 = arith.mulf %mul3A_834, %mul3A_830 : vector<16xf32>
      %sub3A_836 = arith.constant 1.500000e+00 : f32
      %sub3A_837 = vector.broadcast %sub3A_836 : f32 to vector<16xf32>
      %sub3A_838 = arith.subf %sub3A_837, %mul3A_835 : vector<16xf32>
      %mul3A_839 = arith.mulf %mul3A_830, %sub3A_838 : vector<16xf32>
      %get3A_840 = arith.index_cast %add3A_665 : i32 to index
      %get3A_841 = tpu.vector_load %arg6[%get3A_840] {strides = array<i32>} : memref<80xi32, #tpu.memory_space<vmem>>, vector<16xi32>,
      %slice3A_842 = vector.extract_strided_slice %get3A_841 {offsets = [0], sizes = [1], strides = [1]} : vector<16xi32> to vector<1xi32>
      %squeeze3A_843 = vector.extract %slice3A_842[0] : i32 from vector<1xi32>
      %mul3A_844 = arith.constant 256 : i32
      %mul3A_845 = arith.muli %squeeze3A_843, %mul3A_844 : i32
      %add3A_846 = arith.constant 0 : i32
      %add3A_847 = arith.addi %mul3A_845, %add3A_846 : i32
      %get3A_848 = arith.index_cast %add3A_847 : i32 to index
      %get3A_849 = tpu.vector_load %arg9[%get3A_848] {strides = array<i32>} : memref<20736xf32, #tpu.memory_space<vmem>>, vector<16xf32>,
      %mul3A_850 = arith.mulf %get3A_668, %mul3A_839 : vector<16xf32>
      %add3A_851 = arith.addf %get3A_849, %mul3A_850 : vector<16xf32>
      %swap3A_852 = arith.index_cast %add3A_847 : i32 to index
      %swap3A_853 = tpu.vector_load %arg9[%swap3A_852] {strides = array<i32>} : memref<20736xf32, #tpu.memory_space<vmem>>, vector<16xf32>,
      tpu.vector_store %arg9[%swap3A_852], %add3A_851 {strides = array<i32>} : memref<20736xf32, #tpu.memory_space<vmem>>, vector<16xf32>,
      %add3A_854 = arith.constant 16 : i32
      %add3A_855 = arith.addi %mul3A_845, %add3A_854 : i32
      %get3A_856 = arith.index_cast %add3A_855 : i32 to index
      %get3A_857 = tpu.vector_load %arg9[%get3A_856] {strides = array<i32>} : memref<20736xf32, #tpu.memory_space<vmem>>, vector<16xf32>,
      %mul3A_858 = arith.mulf %get3A_671, %mul3A_839 : vector<16xf32>
      %add3A_859 = arith.addf %get3A_857, %mul3A_858 : vector<16xf32>
      %swap3A_860 = arith.index_cast %add3A_855 : i32 to index
      %swap3A_861 = tpu.vector_load %arg9[%swap3A_860] {strides = array<i32>} : memref<20736xf32, #tpu.memory_space<vmem>>, vector<16xf32>,
      tpu.vector_store %arg9[%swap3A_860], %add3A_859 {strides = array<i32>} : memref<20736xf32, #tpu.memory_space<vmem>>, vector<16xf32>,
      %add3A_862 = arith.constant 32 : i32
      %add3A_863 = arith.addi %mul3A_845, %add3A_862 : i32
      %get3A_864 = arith.index_cast %add3A_863 : i32 to index
      %get3A_865 = tpu.vector_load %arg9[%get3A_864] {strides = array<i32>} : memref<20736xf32, #tpu.memory_space<vmem>>, vector<16xf32>,
      %mul3A_866 = arith.mulf %get3A_674, %mul3A_839 : vector<16xf32>
      %add3A_867 = arith.addf %get3A_865, %mul3A_866 : vector<16xf32>
      %swap3A_868 = arith.index_cast %add3A_863 : i32 to index
      %swap3A_869 = tpu.vector_load %arg9[%swap3A_868] {strides = array<i32>} : memref<20736xf32, #tpu.memory_space<vmem>>, vector<16xf32>,
      tpu.vector_store %arg9[%swap3A_868], %add3A_867 {strides = array<i32>} : memref<20736xf32, #tpu.memory_space<vmem>>, vector<16xf32>,
      %add3A_870 = arith.constant 48 : i32
      %add3A_871 = arith.addi %mul3A_845, %add3A_870 : i32
      %get3A_872 = arith.index_cast %add3A_871 : i32 to index
      %get3A_873 = tpu.vector_load %arg9[%get3A_872] {strides = array<i32>} : memref<20736xf32, #tpu.memory_space<vmem>>, vector<16xf32>,
      %mul3A_874 = arith.mulf %get3A_677, %mul3A_839 : vector<16xf32>
      %add3A_875 = arith.addf %get3A_873, %mul3A_874 : vector<16xf32>
      %swap3A_876 = arith.index_cast %add3A_871 : i32 to index
      %swap3A_877 = tpu.vector_load %arg9[%swap3A_876] {strides = array<i32>} : memref<20736xf32, #tpu.memory_space<vmem>>, vector<16xf32>,
      tpu.vector_store %arg9[%swap3A_876], %add3A_875 {strides = array<i32>} : memref<20736xf32, #tpu.memory_space<vmem>>, vector<16xf32>,
      %add3A_878 = arith.constant 64 : i32
      %add3A_879 = arith.addi %mul3A_845, %add3A_878 : i32
      %get3A_880 = arith.index_cast %add3A_879 : i32 to index
      %get3A_881 = tpu.vector_load %arg9[%get3A_880] {strides = array<i32>} : memref<20736xf32, #tpu.memory_space<vmem>>, vector<16xf32>,
      %mul3A_882 = arith.mulf %get3A_680, %mul3A_839 : vector<16xf32>
      %add3A_883 = arith.addf %get3A_881, %mul3A_882 : vector<16xf32>
      %swap3A_884 = arith.index_cast %add3A_879 : i32 to index
      %swap3A_885 = tpu.vector_load %arg9[%swap3A_884] {strides = array<i32>} : memref<20736xf32, #tpu.memory_space<vmem>>, vector<16xf32>,
      tpu.vector_store %arg9[%swap3A_884], %add3A_883 {strides = array<i32>} : memref<20736xf32, #tpu.memory_space<vmem>>, vector<16xf32>,
      %add3A_886 = arith.constant 80 : i32
      %add3A_887 = arith.addi %mul3A_845, %add3A_886 : i32
      %get3A_888 = arith.index_cast %add3A_887 : i32 to index
      %get3A_889 = tpu.vector_load %arg9[%get3A_888] {strides = array<i32>} : memref<20736xf32, #tpu.memory_space<vmem>>, vector<16xf32>,
      %mul3A_890 = arith.mulf %get3A_683, %mul3A_839 : vector<16xf32>
      %add3A_891 = arith.addf %get3A_889, %mul3A_890 : vector<16xf32>
      %swap3A_892 = arith.index_cast %add3A_887 : i32 to index
      %swap3A_893 = tpu.vector_load %arg9[%swap3A_892] {strides = array<i32>} : memref<20736xf32, #tpu.memory_space<vmem>>, vector<16xf32>,
      tpu.vector_store %arg9[%swap3A_892], %add3A_891 {strides = array<i32>} : memref<20736xf32, #tpu.memory_space<vmem>>, vector<16xf32>,
      %add3A_894 = arith.constant 96 : i32
      %add3A_895 = arith.addi %mul3A_845, %add3A_894 : i32
      %get3A_896 = arith.index_cast %add3A_895 : i32 to index
      %get3A_897 = tpu.vector_load %arg9[%get3A_896] {strides = array<i32>} : memref<20736xf32, #tpu.memory_space<vmem>>, vector<16xf32>,
      %mul3A_898 = arith.mulf %get3A_686, %mul3A_839 : vector<16xf32>
      %add3A_899 = arith.addf %get3A_897, %mul3A_898 : vector<16xf32>
      %swap3A_900 = arith.index_cast %add3A_895 : i32 to index
      %swap3A_901 = tpu.vector_load %arg9[%swap3A_900] {strides = array<i32>} : memref<20736xf32, #tpu.memory_space<vmem>>, vector<16xf32>,
      tpu.vector_store %arg9[%swap3A_900], %add3A_899 {strides = array<i32>} : memref<20736xf32, #tpu.memory_space<vmem>>, vector<16xf32>,
      %add3A_902 = arith.constant 112 : i32
      %add3A_903 = arith.addi %mul3A_845, %add3A_902 : i32
      %get3A_904 = arith.index_cast %add3A_903 : i32 to index
      %get3A_905 = tpu.vector_load %arg9[%get3A_904] {strides = array<i32>} : memref<20736xf32, #tpu.memory_space<vmem>>, vector<16xf32>,
      %mul3A_906 = arith.mulf %get3A_689, %mul3A_839 : vector<16xf32>
      %add3A_907 = arith.addf %get3A_905, %mul3A_906 : vector<16xf32>
      %swap3A_908 = arith.index_cast %add3A_903 : i32 to index
      %swap3A_909 = tpu.vector_load %arg9[%swap3A_908] {strides = array<i32>} : memref<20736xf32, #tpu.memory_space<vmem>>, vector<16xf32>,
      tpu.vector_store %arg9[%swap3A_908], %add3A_907 {strides = array<i32>} : memref<20736xf32, #tpu.memory_space<vmem>>, vector<16xf32>,
      %add3A_910 = arith.constant 128 : i32
      %add3A_911 = arith.addi %mul3A_845, %add3A_910 : i32
      %get3A_912 = arith.index_cast %add3A_911 : i32 to index
      %get3A_913 = tpu.vector_load %arg9[%get3A_912] {strides = array<i32>} : memref<20736xf32, #tpu.memory_space<vmem>>, vector<16xf32>,
      %mul3A_914 = arith.mulf %get3A_692, %mul3A_839 : vector<16xf32>
      %add3A_915 = arith.addf %get3A_913, %mul3A_914 : vector<16xf32>
      %swap3A_916 = arith.index_cast %add3A_911 : i32 to index
      %swap3A_917 = tpu.vector_load %arg9[%swap3A_916] {strides = array<i32>} : memref<20736xf32, #tpu.memory_space<vmem>>, vector<16xf32>,
      tpu.vector_store %arg9[%swap3A_916], %add3A_915 {strides = array<i32>} : memref<20736xf32, #tpu.memory_space<vmem>>, vector<16xf32>,
      %add3A_918 = arith.constant 144 : i32
      %add3A_919 = arith.addi %mul3A_845, %add3A_918 : i32
      %get3A_920 = arith.index_cast %add3A_919 : i32 to index
      %get3A_921 = tpu.vector_load %arg9[%get3A_920] {strides = array<i32>} : memref<20736xf32, #tpu.memory_space<vmem>>, vector<16xf32>,
      %mul3A_922 = arith.mulf %get3A_695, %mul3A_839 : vector<16xf32>
      %add3A_923 = arith.addf %get3A_921, %mul3A_922 : vector<16xf32>
      %swap3A_924 = arith.index_cast %add3A_919 : i32 to index
      %swap3A_925 = tpu.vector_load %arg9[%swap3A_924] {strides = array<i32>} : memref<20736xf32, #tpu.memory_space<vmem>>, vector<16xf32>,
      tpu.vector_store %arg9[%swap3A_924], %add3A_923 {strides = array<i32>} : memref<20736xf32, #tpu.memory_space<vmem>>, vector<16xf32>,
      %add3A_926 = arith.constant 160 : i32
      %add3A_927 = arith.addi %mul3A_845, %add3A_926 : i32
      %get3A_928 = arith.index_cast %add3A_927 : i32 to index
      %get3A_929 = tpu.vector_load %arg9[%get3A_928] {strides = array<i32>} : memref<20736xf32, #tpu.memory_space<vmem>>, vector<16xf32>,
      %mul3A_930 = arith.mulf %get3A_698, %mul3A_839 : vector<16xf32>
      %add3A_931 = arith.addf %get3A_929, %mul3A_930 : vector<16xf32>
      %swap3A_932 = arith.index_cast %add3A_927 : i32 to index
      %swap3A_933 = tpu.vector_load %arg9[%swap3A_932] {strides = array<i32>} : memref<20736xf32, #tpu.memory_space<vmem>>, vector<16xf32>,
      tpu.vector_store %arg9[%swap3A_932], %add3A_931 {strides = array<i32>} : memref<20736xf32, #tpu.memory_space<vmem>>, vector<16xf32>,
      %add3A_934 = arith.constant 176 : i32
      %add3A_935 = arith.addi %mul3A_845, %add3A_934 : i32
      %get3A_936 = arith.index_cast %add3A_935 : i32 to index
      %get3A_937 = tpu.vector_load %arg9[%get3A_936] {strides = array<i32>} : memref<20736xf32, #tpu.memory_space<vmem>>, vector<16xf32>,
      %mul3A_938 = arith.mulf %get3A_701, %mul3A_839 : vector<16xf32>
      %add3A_939 = arith.addf %get3A_937, %mul3A_938 : vector<16xf32>
      %swap3A_940 = arith.index_cast %add3A_935 : i32 to index
      %swap3A_941 = tpu.vector_load %arg9[%swap3A_940] {strides = array<i32>} : memref<20736xf32, #tpu.memory_space<vmem>>, vector<16xf32>,
      tpu.vector_store %arg9[%swap3A_940], %add3A_939 {strides = array<i32>} : memref<20736xf32, #tpu.memory_space<vmem>>, vector<16xf32>,
      %add3A_942 = arith.constant 192 : i32
      %add3A_943 = arith.addi %mul3A_845, %add3A_942 : i32
      %get3A_944 = arith.index_cast %add3A_943 : i32 to index
      %get3A_945 = tpu.vector_load %arg9[%get3A_944] {strides = array<i32>} : memref<20736xf32, #tpu.memory_space<vmem>>, vector<16xf32>,
      %mul3A_946 = arith.mulf %get3A_704, %mul3A_839 : vector<16xf32>
      %add3A_947 = arith.addf %get3A_945, %mul3A_946 : vector<16xf32>
      %swap3A_948 = arith.index_cast %add3A_943 : i32 to index
      %swap3A_949 = tpu.vector_load %arg9[%swap3A_948] {strides = array<i32>} : memref<20736xf32, #tpu.memory_space<vmem>>, vector<16xf32>,
      tpu.vector_store %arg9[%swap3A_948], %add3A_947 {strides = array<i32>} : memref<20736xf32, #tpu.memory_space<vmem>>, vector<16xf32>,
      %add3A_950 = arith.constant 208 : i32
      %add3A_951 = arith.addi %mul3A_845, %add3A_950 : i32
      %get3A_952 = arith.index_cast %add3A_951 : i32 to index
      %get3A_953 = tpu.vector_load %arg9[%get3A_952] {strides = array<i32>} : memref<20736xf32, #tpu.memory_space<vmem>>, vector<16xf32>,
      %mul3A_954 = arith.mulf %get3A_707, %mul3A_839 : vector<16xf32>
      %add3A_955 = arith.addf %get3A_953, %mul3A_954 : vector<16xf32>
      %swap3A_956 = arith.index_cast %add3A_951 : i32 to index
      %swap3A_957 = tpu.vector_load %arg9[%swap3A_956] {strides = array<i32>} : memref<20736xf32, #tpu.memory_space<vmem>>, vector<16xf32>,
      tpu.vector_store %arg9[%swap3A_956], %add3A_955 {strides = array<i32>} : memref<20736xf32, #tpu.memory_space<vmem>>, vector<16xf32>,
      %add3A_958 = arith.constant 224 : i32
      %add3A_959 = arith.addi %mul3A_845, %add3A_958 : i32
      %get3A_960 = arith.index_cast %add3A_959 : i32 to index
      %get3A_961 = tpu.vector_load %arg9[%get3A_960] {strides = array<i32>} : memref<20736xf32, #tpu.memory_space<vmem>>, vector<16xf32>,
      %mul3A_962 = arith.mulf %get3A_710, %mul3A_839 : vector<16xf32>
      %add3A_963 = arith.addf %get3A_961, %mul3A_962 : vector<16xf32>
      %swap3A_964 = arith.index_cast %add3A_959 : i32 to index
      %swap3A_965 = tpu.vector_load %arg9[%swap3A_964] {strides = array<i32>} : memref<20736xf32, #tpu.memory_space<vmem>>, vector<16xf32>,
      tpu.vector_store %arg9[%swap3A_964], %add3A_963 {strides = array<i32>} : memref<20736xf32, #tpu.memory_space<vmem>>, vector<16xf32>,
      %add3A_966 = arith.constant 240 : i32
      %add3A_967 = arith.addi %mul3A_845, %add3A_966 : i32
      %get3A_968 = arith.index_cast %add3A_967 : i32 to index
      %get3A_969 = tpu.vector_load %arg9[%get3A_968] {strides = array<i32>} : memref<20736xf32, #tpu.memory_space<vmem>>, vector<16xf32>,
      %mul3A_970 = arith.mulf %get3A_713, %mul3A_839 : vector<16xf32>
      %add3A_971 = arith.addf %get3A_969, %mul3A_970 : vector<16xf32>
      %swap3A_972 = arith.index_cast %add3A_967 : i32 to index
      %swap3A_973 = tpu.vector_load %arg9[%swap3A_972] {strides = array<i32>} : memref<20736xf32, #tpu.memory_space<vmem>>, vector<16xf32>,
      tpu.vector_store %arg9[%swap3A_972], %add3A_971 {strides = array<i32>} : memref<20736xf32, #tpu.memory_space<vmem>>, vector<16xf32>,
      %scan3A_974 = arith.constant 0 : i32
      scf.yield %scan3A_974 : i32
    }
    %scan3A_86 = arith.constant 32 : i32
    %scan3A_87 = arith.constant 0 : i32
    %scan3A_88 = arith.constant 1 : i32
    %mul3A_89 = arith.constant 20736 : i32
    %mul3A_90 = arith.muli %arg1, %mul3A_89 : i32
    "tpu.region"() ({
      %run_scoped3A = tpu.sem_alloc : memref<!tpu.dma_semaphore, #tpu.memory_space<semaphore_mem>>
      %dma_start3A_359 = tpu.memref_slice %arg12[%mul3A_90] : memref<331776xf32, #tpu.memory_space<vmem_shared>> -> memref<20736xf32, #tpu.memory_space<vmem_shared>>
      %dma_start3A_360 = tpu.memref_slice %arg12[%mul3A_90] : memref<331776xf32, #tpu.memory_space<vmem_shared>> -> memref<20736xf32, #tpu.memory_space<vmem_shared>>
      tpu.enqueue_dma source(%arg9 : memref<20736xf32, #tpu.memory_space<vmem>>) target(%dma_start3A_360 : memref<20736xf32, #tpu.memory_space<vmem_shared>>) target_semaphore(%run_scoped3A : memref<!tpu.dma_semaphore, #tpu.memory_space<semaphore_mem>>)
      %dma_wait3A_361 = tpu.memref_slice %arg12[%mul3A_90] : memref<331776xf32, #tpu.memory_space<vmem_shared>> -> memref<20736xf32, #tpu.memory_space<vmem_shared>>
      %dma_wait3A_362 = tpu.memref_slice %arg12[%mul3A_90] : memref<331776xf32, #tpu.memory_space<vmem_shared>> -> memref<20736xf32, #tpu.memory_space<vmem_shared>>
      tpu.wait_dma2 semaphore(%run_scoped3A : memref<!tpu.dma_semaphore, #tpu.memory_space<semaphore_mem>>) src(%arg9 : memref<20736xf32, #tpu.memory_space<vmem>>) dst(%dma_wait3A_362 : memref<20736xf32, #tpu.memory_space<vmem_shared>>)
      tpu.yield
    }) : () -> ()
    %barrier3A = arith.constant 0 : index
    tpu.barrier barrier_id(%barrier3A)
    %mul3A_91 = arith.constant 1296 : i32
    %mul3A_92 = arith.muli %arg1, %mul3A_91 : i32
    %add3A_93 = arith.constant 0 : i32
    %add3A_94 = arith.addi %add3A_93, %mul3A_92 : i32
    %mul3A_95 = arith.constant 1296 : i32
    %mul3A_96 = arith.muli %arg1, %mul3A_95 : i32
    %add3A_97 = arith.constant 20736 : i32
    %add3A_98 = arith.addi %add3A_97, %mul3A_96 : i32
    %mul3A_99 = arith.constant 1296 : i32
    %mul3A_100 = arith.muli %arg1, %mul3A_99 : i32
    %add3A_101 = arith.constant 41472 : i32
    %add3A_102 = arith.addi %add3A_101, %mul3A_100 : i32
    %mul3A_103 = arith.constant 1296 : i32
    %mul3A_104 = arith.muli %arg1, %mul3A_103 : i32
    %add3A_105 = arith.constant 62208 : i32
    %add3A_106 = arith.addi %add3A_105, %mul3A_104 : i32
    %mul3A_107 = arith.constant 1296 : i32
    %mul3A_108 = arith.muli %arg1, %mul3A_107 : i32
    %add3A_109 = arith.constant 82944 : i32
    %add3A_110 = arith.addi %add3A_109, %mul3A_108 : i32
    %mul3A_111 = arith.constant 1296 : i32
    %mul3A_112 = arith.muli %arg1, %mul3A_111 : i32
    %add3A_113 = arith.constant 103680 : i32
    %add3A_114 = arith.addi %add3A_113, %mul3A_112 : i32
    %mul3A_115 = arith.constant 1296 : i32
    %mul3A_116 = arith.muli %arg1, %mul3A_115 : i32
    %add3A_117 = arith.constant 124416 : i32
    %add3A_118 = arith.addi %add3A_117, %mul3A_116 : i32
    %mul3A_119 = arith.constant 1296 : i32
    %mul3A_120 = arith.muli %arg1, %mul3A_119 : i32
    %add3A_121 = arith.constant 145152 : i32
    %add3A_122 = arith.addi %add3A_121, %mul3A_120 : i32
    %mul3A_123 = arith.constant 1296 : i32
    %mul3A_124 = arith.muli %arg1, %mul3A_123 : i32
    %add3A_125 = arith.constant 165888 : i32
    %add3A_126 = arith.addi %add3A_125, %mul3A_124 : i32
    %mul3A_127 = arith.constant 1296 : i32
    %mul3A_128 = arith.muli %arg1, %mul3A_127 : i32
    %add3A_129 = arith.constant 186624 : i32
    %add3A_130 = arith.addi %add3A_129, %mul3A_128 : i32
    %mul3A_131 = arith.constant 1296 : i32
    %mul3A_132 = arith.muli %arg1, %mul3A_131 : i32
    %add3A_133 = arith.constant 207360 : i32
    %add3A_134 = arith.addi %add3A_133, %mul3A_132 : i32
    %mul3A_135 = arith.constant 1296 : i32
    %mul3A_136 = arith.muli %arg1, %mul3A_135 : i32
    %add3A_137 = arith.constant 228096 : i32
    %add3A_138 = arith.addi %add3A_137, %mul3A_136 : i32
    %mul3A_139 = arith.constant 1296 : i32
    %mul3A_140 = arith.muli %arg1, %mul3A_139 : i32
    %add3A_141 = arith.constant 248832 : i32
    %add3A_142 = arith.addi %add3A_141, %mul3A_140 : i32
    %mul3A_143 = arith.constant 1296 : i32
    %mul3A_144 = arith.muli %arg1, %mul3A_143 : i32
    %add3A_145 = arith.constant 269568 : i32
    %add3A_146 = arith.addi %add3A_145, %mul3A_144 : i32
    %mul3A_147 = arith.constant 1296 : i32
    %mul3A_148 = arith.muli %arg1, %mul3A_147 : i32
    %add3A_149 = arith.constant 290304 : i32
    %add3A_150 = arith.addi %add3A_149, %mul3A_148 : i32
    %mul3A_151 = arith.constant 1296 : i32
    %mul3A_152 = arith.muli %arg1, %mul3A_151 : i32
    %add3A_153 = arith.constant 311040 : i32
    %add3A_154 = arith.addi %add3A_153, %mul3A_152 : i32
    %dma_start3A_155 = arith.constant 0 : i32
    %dma_start3A_156 = tpu.memref_slice %arg10[%dma_start3A_155] : memref<20736xf32, #tpu.memory_space<vmem>> -> memref<1296xf32, #tpu.memory_space<vmem>>
    %dma_start3A_157 = tpu.memref_slice %arg12[%add3A_94] : memref<331776xf32, #tpu.memory_space<vmem_shared>> -> memref<1296xf32, #tpu.memory_space<vmem_shared>>
    %dma_start3A_158 = arith.constant 0 : i32
    %dma_start3A_159 = tpu.memref_slice %arg10[%dma_start3A_158] : memref<20736xf32, #tpu.memory_space<vmem>> -> memref<1296xf32, #tpu.memory_space<vmem>>
    %dma_start3A_160 = tpu.memref_slice %arg12[%add3A_94] : memref<331776xf32, #tpu.memory_space<vmem_shared>> -> memref<1296xf32, #tpu.memory_space<vmem_shared>>
    tpu.enqueue_dma source(%dma_start3A_160 : memref<1296xf32, #tpu.memory_space<vmem_shared>>) target(%dma_start3A_159 : memref<1296xf32, #tpu.memory_space<vmem>>) target_semaphore(%arg13 : memref<!tpu.dma_semaphore, #tpu.memory_space<semaphore_mem>>)
    %dma_start3A_161 = arith.constant 1296 : i32
    %dma_start3A_162 = tpu.memref_slice %arg10[%dma_start3A_161] : memref<20736xf32, #tpu.memory_space<vmem>> -> memref<1296xf32, #tpu.memory_space<vmem>>
    %dma_start3A_163 = tpu.memref_slice %arg12[%add3A_98] : memref<331776xf32, #tpu.memory_space<vmem_shared>> -> memref<1296xf32, #tpu.memory_space<vmem_shared>>
    %dma_start3A_164 = arith.constant 1296 : i32
    %dma_start3A_165 = tpu.memref_slice %arg10[%dma_start3A_164] : memref<20736xf32, #tpu.memory_space<vmem>> -> memref<1296xf32, #tpu.memory_space<vmem>>
    %dma_start3A_166 = tpu.memref_slice %arg12[%add3A_98] : memref<331776xf32, #tpu.memory_space<vmem_shared>> -> memref<1296xf32, #tpu.memory_space<vmem_shared>>
    tpu.enqueue_dma source(%dma_start3A_166 : memref<1296xf32, #tpu.memory_space<vmem_shared>>) target(%dma_start3A_165 : memref<1296xf32, #tpu.memory_space<vmem>>) target_semaphore(%arg13 : memref<!tpu.dma_semaphore, #tpu.memory_space<semaphore_mem>>)
    %dma_start3A_167 = arith.constant 2592 : i32
    %dma_start3A_168 = tpu.memref_slice %arg10[%dma_start3A_167] : memref<20736xf32, #tpu.memory_space<vmem>> -> memref<1296xf32, #tpu.memory_space<vmem>>
    %dma_start3A_169 = tpu.memref_slice %arg12[%add3A_102] : memref<331776xf32, #tpu.memory_space<vmem_shared>> -> memref<1296xf32, #tpu.memory_space<vmem_shared>>
    %dma_start3A_170 = arith.constant 2592 : i32
    %dma_start3A_171 = tpu.memref_slice %arg10[%dma_start3A_170] : memref<20736xf32, #tpu.memory_space<vmem>> -> memref<1296xf32, #tpu.memory_space<vmem>>
    %dma_start3A_172 = tpu.memref_slice %arg12[%add3A_102] : memref<331776xf32, #tpu.memory_space<vmem_shared>> -> memref<1296xf32, #tpu.memory_space<vmem_shared>>
    tpu.enqueue_dma source(%dma_start3A_172 : memref<1296xf32, #tpu.memory_space<vmem_shared>>) target(%dma_start3A_171 : memref<1296xf32, #tpu.memory_space<vmem>>) target_semaphore(%arg13 : memref<!tpu.dma_semaphore, #tpu.memory_space<semaphore_mem>>)
    %dma_start3A_173 = arith.constant 3888 : i32
    %dma_start3A_174 = tpu.memref_slice %arg10[%dma_start3A_173] : memref<20736xf32, #tpu.memory_space<vmem>> -> memref<1296xf32, #tpu.memory_space<vmem>>
    %dma_start3A_175 = tpu.memref_slice %arg12[%add3A_106] : memref<331776xf32, #tpu.memory_space<vmem_shared>> -> memref<1296xf32, #tpu.memory_space<vmem_shared>>
    %dma_start3A_176 = arith.constant 3888 : i32
    %dma_start3A_177 = tpu.memref_slice %arg10[%dma_start3A_176] : memref<20736xf32, #tpu.memory_space<vmem>> -> memref<1296xf32, #tpu.memory_space<vmem>>
    %dma_start3A_178 = tpu.memref_slice %arg12[%add3A_106] : memref<331776xf32, #tpu.memory_space<vmem_shared>> -> memref<1296xf32, #tpu.memory_space<vmem_shared>>
    tpu.enqueue_dma source(%dma_start3A_178 : memref<1296xf32, #tpu.memory_space<vmem_shared>>) target(%dma_start3A_177 : memref<1296xf32, #tpu.memory_space<vmem>>) target_semaphore(%arg13 : memref<!tpu.dma_semaphore, #tpu.memory_space<semaphore_mem>>)
    %dma_start3A_179 = arith.constant 5184 : i32
    %dma_start3A_180 = tpu.memref_slice %arg10[%dma_start3A_179] : memref<20736xf32, #tpu.memory_space<vmem>> -> memref<1296xf32, #tpu.memory_space<vmem>>
    %dma_start3A_181 = tpu.memref_slice %arg12[%add3A_110] : memref<331776xf32, #tpu.memory_space<vmem_shared>> -> memref<1296xf32, #tpu.memory_space<vmem_shared>>
    %dma_start3A_182 = arith.constant 5184 : i32
    %dma_start3A_183 = tpu.memref_slice %arg10[%dma_start3A_182] : memref<20736xf32, #tpu.memory_space<vmem>> -> memref<1296xf32, #tpu.memory_space<vmem>>
    %dma_start3A_184 = tpu.memref_slice %arg12[%add3A_110] : memref<331776xf32, #tpu.memory_space<vmem_shared>> -> memref<1296xf32, #tpu.memory_space<vmem_shared>>
    tpu.enqueue_dma source(%dma_start3A_184 : memref<1296xf32, #tpu.memory_space<vmem_shared>>) target(%dma_start3A_183 : memref<1296xf32, #tpu.memory_space<vmem>>) target_semaphore(%arg13 : memref<!tpu.dma_semaphore, #tpu.memory_space<semaphore_mem>>)
    %dma_start3A_185 = arith.constant 6480 : i32
    %dma_start3A_186 = tpu.memref_slice %arg10[%dma_start3A_185] : memref<20736xf32, #tpu.memory_space<vmem>> -> memref<1296xf32, #tpu.memory_space<vmem>>
    %dma_start3A_187 = tpu.memref_slice %arg12[%add3A_114] : memref<331776xf32, #tpu.memory_space<vmem_shared>> -> memref<1296xf32, #tpu.memory_space<vmem_shared>>
    %dma_start3A_188 = arith.constant 6480 : i32
    %dma_start3A_189 = tpu.memref_slice %arg10[%dma_start3A_188] : memref<20736xf32, #tpu.memory_space<vmem>> -> memref<1296xf32, #tpu.memory_space<vmem>>
    %dma_start3A_190 = tpu.memref_slice %arg12[%add3A_114] : memref<331776xf32, #tpu.memory_space<vmem_shared>> -> memref<1296xf32, #tpu.memory_space<vmem_shared>>
    tpu.enqueue_dma source(%dma_start3A_190 : memref<1296xf32, #tpu.memory_space<vmem_shared>>) target(%dma_start3A_189 : memref<1296xf32, #tpu.memory_space<vmem>>) target_semaphore(%arg13 : memref<!tpu.dma_semaphore, #tpu.memory_space<semaphore_mem>>)
    %dma_start3A_191 = arith.constant 7776 : i32
    %dma_start3A_192 = tpu.memref_slice %arg10[%dma_start3A_191] : memref<20736xf32, #tpu.memory_space<vmem>> -> memref<1296xf32, #tpu.memory_space<vmem>>
    %dma_start3A_193 = tpu.memref_slice %arg12[%add3A_118] : memref<331776xf32, #tpu.memory_space<vmem_shared>> -> memref<1296xf32, #tpu.memory_space<vmem_shared>>
    %dma_start3A_194 = arith.constant 7776 : i32
    %dma_start3A_195 = tpu.memref_slice %arg10[%dma_start3A_194] : memref<20736xf32, #tpu.memory_space<vmem>> -> memref<1296xf32, #tpu.memory_space<vmem>>
    %dma_start3A_196 = tpu.memref_slice %arg12[%add3A_118] : memref<331776xf32, #tpu.memory_space<vmem_shared>> -> memref<1296xf32, #tpu.memory_space<vmem_shared>>
    tpu.enqueue_dma source(%dma_start3A_196 : memref<1296xf32, #tpu.memory_space<vmem_shared>>) target(%dma_start3A_195 : memref<1296xf32, #tpu.memory_space<vmem>>) target_semaphore(%arg13 : memref<!tpu.dma_semaphore, #tpu.memory_space<semaphore_mem>>)
    %dma_start3A_197 = arith.constant 9072 : i32
    %dma_start3A_198 = tpu.memref_slice %arg10[%dma_start3A_197] : memref<20736xf32, #tpu.memory_space<vmem>> -> memref<1296xf32, #tpu.memory_space<vmem>>
    %dma_start3A_199 = tpu.memref_slice %arg12[%add3A_122] : memref<331776xf32, #tpu.memory_space<vmem_shared>> -> memref<1296xf32, #tpu.memory_space<vmem_shared>>
    %dma_start3A_200 = arith.constant 9072 : i32
    %dma_start3A_201 = tpu.memref_slice %arg10[%dma_start3A_200] : memref<20736xf32, #tpu.memory_space<vmem>> -> memref<1296xf32, #tpu.memory_space<vmem>>
    %dma_start3A_202 = tpu.memref_slice %arg12[%add3A_122] : memref<331776xf32, #tpu.memory_space<vmem_shared>> -> memref<1296xf32, #tpu.memory_space<vmem_shared>>
    tpu.enqueue_dma source(%dma_start3A_202 : memref<1296xf32, #tpu.memory_space<vmem_shared>>) target(%dma_start3A_201 : memref<1296xf32, #tpu.memory_space<vmem>>) target_semaphore(%arg13 : memref<!tpu.dma_semaphore, #tpu.memory_space<semaphore_mem>>)
    %dma_start3A_203 = arith.constant 10368 : i32
    %dma_start3A_204 = tpu.memref_slice %arg10[%dma_start3A_203] : memref<20736xf32, #tpu.memory_space<vmem>> -> memref<1296xf32, #tpu.memory_space<vmem>>
    %dma_start3A_205 = tpu.memref_slice %arg12[%add3A_126] : memref<331776xf32, #tpu.memory_space<vmem_shared>> -> memref<1296xf32, #tpu.memory_space<vmem_shared>>
    %dma_start3A_206 = arith.constant 10368 : i32
    %dma_start3A_207 = tpu.memref_slice %arg10[%dma_start3A_206] : memref<20736xf32, #tpu.memory_space<vmem>> -> memref<1296xf32, #tpu.memory_space<vmem>>
    %dma_start3A_208 = tpu.memref_slice %arg12[%add3A_126] : memref<331776xf32, #tpu.memory_space<vmem_shared>> -> memref<1296xf32, #tpu.memory_space<vmem_shared>>
    tpu.enqueue_dma source(%dma_start3A_208 : memref<1296xf32, #tpu.memory_space<vmem_shared>>) target(%dma_start3A_207 : memref<1296xf32, #tpu.memory_space<vmem>>) target_semaphore(%arg13 : memref<!tpu.dma_semaphore, #tpu.memory_space<semaphore_mem>>)
    %dma_start3A_209 = arith.constant 11664 : i32
    %dma_start3A_210 = tpu.memref_slice %arg10[%dma_start3A_209] : memref<20736xf32, #tpu.memory_space<vmem>> -> memref<1296xf32, #tpu.memory_space<vmem>>
    %dma_start3A_211 = tpu.memref_slice %arg12[%add3A_130] : memref<331776xf32, #tpu.memory_space<vmem_shared>> -> memref<1296xf32, #tpu.memory_space<vmem_shared>>
    %dma_start3A_212 = arith.constant 11664 : i32
    %dma_start3A_213 = tpu.memref_slice %arg10[%dma_start3A_212] : memref<20736xf32, #tpu.memory_space<vmem>> -> memref<1296xf32, #tpu.memory_space<vmem>>
    %dma_start3A_214 = tpu.memref_slice %arg12[%add3A_130] : memref<331776xf32, #tpu.memory_space<vmem_shared>> -> memref<1296xf32, #tpu.memory_space<vmem_shared>>
    tpu.enqueue_dma source(%dma_start3A_214 : memref<1296xf32, #tpu.memory_space<vmem_shared>>) target(%dma_start3A_213 : memref<1296xf32, #tpu.memory_space<vmem>>) target_semaphore(%arg13 : memref<!tpu.dma_semaphore, #tpu.memory_space<semaphore_mem>>)
    %dma_start3A_215 = arith.constant 12960 : i32
    %dma_start3A_216 = tpu.memref_slice %arg10[%dma_start3A_215] : memref<20736xf32, #tpu.memory_space<vmem>> -> memref<1296xf32, #tpu.memory_space<vmem>>
    %dma_start3A_217 = tpu.memref_slice %arg12[%add3A_134] : memref<331776xf32, #tpu.memory_space<vmem_shared>> -> memref<1296xf32, #tpu.memory_space<vmem_shared>>
    %dma_start3A_218 = arith.constant 12960 : i32
    %dma_start3A_219 = tpu.memref_slice %arg10[%dma_start3A_218] : memref<20736xf32, #tpu.memory_space<vmem>> -> memref<1296xf32, #tpu.memory_space<vmem>>
    %dma_start3A_220 = tpu.memref_slice %arg12[%add3A_134] : memref<331776xf32, #tpu.memory_space<vmem_shared>> -> memref<1296xf32, #tpu.memory_space<vmem_shared>>
    tpu.enqueue_dma source(%dma_start3A_220 : memref<1296xf32, #tpu.memory_space<vmem_shared>>) target(%dma_start3A_219 : memref<1296xf32, #tpu.memory_space<vmem>>) target_semaphore(%arg13 : memref<!tpu.dma_semaphore, #tpu.memory_space<semaphore_mem>>)
    %dma_start3A_221 = arith.constant 14256 : i32
    %dma_start3A_222 = tpu.memref_slice %arg10[%dma_start3A_221] : memref<20736xf32, #tpu.memory_space<vmem>> -> memref<1296xf32, #tpu.memory_space<vmem>>
    %dma_start3A_223 = tpu.memref_slice %arg12[%add3A_138] : memref<331776xf32, #tpu.memory_space<vmem_shared>> -> memref<1296xf32, #tpu.memory_space<vmem_shared>>
    %dma_start3A_224 = arith.constant 14256 : i32
    %dma_start3A_225 = tpu.memref_slice %arg10[%dma_start3A_224] : memref<20736xf32, #tpu.memory_space<vmem>> -> memref<1296xf32, #tpu.memory_space<vmem>>
    %dma_start3A_226 = tpu.memref_slice %arg12[%add3A_138] : memref<331776xf32, #tpu.memory_space<vmem_shared>> -> memref<1296xf32, #tpu.memory_space<vmem_shared>>
    tpu.enqueue_dma source(%dma_start3A_226 : memref<1296xf32, #tpu.memory_space<vmem_shared>>) target(%dma_start3A_225 : memref<1296xf32, #tpu.memory_space<vmem>>) target_semaphore(%arg13 : memref<!tpu.dma_semaphore, #tpu.memory_space<semaphore_mem>>)
    %dma_start3A_227 = arith.constant 15552 : i32
    %dma_start3A_228 = tpu.memref_slice %arg10[%dma_start3A_227] : memref<20736xf32, #tpu.memory_space<vmem>> -> memref<1296xf32, #tpu.memory_space<vmem>>
    %dma_start3A_229 = tpu.memref_slice %arg12[%add3A_142] : memref<331776xf32, #tpu.memory_space<vmem_shared>> -> memref<1296xf32, #tpu.memory_space<vmem_shared>>
    %dma_start3A_230 = arith.constant 15552 : i32
    %dma_start3A_231 = tpu.memref_slice %arg10[%dma_start3A_230] : memref<20736xf32, #tpu.memory_space<vmem>> -> memref<1296xf32, #tpu.memory_space<vmem>>
    %dma_start3A_232 = tpu.memref_slice %arg12[%add3A_142] : memref<331776xf32, #tpu.memory_space<vmem_shared>> -> memref<1296xf32, #tpu.memory_space<vmem_shared>>
    tpu.enqueue_dma source(%dma_start3A_232 : memref<1296xf32, #tpu.memory_space<vmem_shared>>) target(%dma_start3A_231 : memref<1296xf32, #tpu.memory_space<vmem>>) target_semaphore(%arg13 : memref<!tpu.dma_semaphore, #tpu.memory_space<semaphore_mem>>)
    %dma_start3A_233 = arith.constant 16848 : i32
    %dma_start3A_234 = tpu.memref_slice %arg10[%dma_start3A_233] : memref<20736xf32, #tpu.memory_space<vmem>> -> memref<1296xf32, #tpu.memory_space<vmem>>
    %dma_start3A_235 = tpu.memref_slice %arg12[%add3A_146] : memref<331776xf32, #tpu.memory_space<vmem_shared>> -> memref<1296xf32, #tpu.memory_space<vmem_shared>>
    %dma_start3A_236 = arith.constant 16848 : i32
    %dma_start3A_237 = tpu.memref_slice %arg10[%dma_start3A_236] : memref<20736xf32, #tpu.memory_space<vmem>> -> memref<1296xf32, #tpu.memory_space<vmem>>
    %dma_start3A_238 = tpu.memref_slice %arg12[%add3A_146] : memref<331776xf32, #tpu.memory_space<vmem_shared>> -> memref<1296xf32, #tpu.memory_space<vmem_shared>>
    tpu.enqueue_dma source(%dma_start3A_238 : memref<1296xf32, #tpu.memory_space<vmem_shared>>) target(%dma_start3A_237 : memref<1296xf32, #tpu.memory_space<vmem>>) target_semaphore(%arg13 : memref<!tpu.dma_semaphore, #tpu.memory_space<semaphore_mem>>)
    %dma_start3A_239 = arith.constant 18144 : i32
    %dma_start3A_240 = tpu.memref_slice %arg10[%dma_start3A_239] : memref<20736xf32, #tpu.memory_space<vmem>> -> memref<1296xf32, #tpu.memory_space<vmem>>
    %dma_start3A_241 = tpu.memref_slice %arg12[%add3A_150] : memref<331776xf32, #tpu.memory_space<vmem_shared>> -> memref<1296xf32, #tpu.memory_space<vmem_shared>>
    %dma_start3A_242 = arith.constant 18144 : i32
    %dma_start3A_243 = tpu.memref_slice %arg10[%dma_start3A_242] : memref<20736xf32, #tpu.memory_space<vmem>> -> memref<1296xf32, #tpu.memory_space<vmem>>
    %dma_start3A_244 = tpu.memref_slice %arg12[%add3A_150] : memref<331776xf32, #tpu.memory_space<vmem_shared>> -> memref<1296xf32, #tpu.memory_space<vmem_shared>>
    tpu.enqueue_dma source(%dma_start3A_244 : memref<1296xf32, #tpu.memory_space<vmem_shared>>) target(%dma_start3A_243 : memref<1296xf32, #tpu.memory_space<vmem>>) target_semaphore(%arg13 : memref<!tpu.dma_semaphore, #tpu.memory_space<semaphore_mem>>)
    %dma_start3A_245 = arith.constant 19440 : i32
    %dma_start3A_246 = tpu.memref_slice %arg10[%dma_start3A_245] : memref<20736xf32, #tpu.memory_space<vmem>> -> memref<1296xf32, #tpu.memory_space<vmem>>
    %dma_start3A_247 = tpu.memref_slice %arg12[%add3A_154] : memref<331776xf32, #tpu.memory_space<vmem_shared>> -> memref<1296xf32, #tpu.memory_space<vmem_shared>>
    %dma_start3A_248 = arith.constant 19440 : i32
    %dma_start3A_249 = tpu.memref_slice %arg10[%dma_start3A_248] : memref<20736xf32, #tpu.memory_space<vmem>> -> memref<1296xf32, #tpu.memory_space<vmem>>
    %dma_start3A_250 = tpu.memref_slice %arg12[%add3A_154] : memref<331776xf32, #tpu.memory_space<vmem_shared>> -> memref<1296xf32, #tpu.memory_space<vmem_shared>>
    tpu.enqueue_dma source(%dma_start3A_250 : memref<1296xf32, #tpu.memory_space<vmem_shared>>) target(%dma_start3A_249 : memref<1296xf32, #tpu.memory_space<vmem>>) target_semaphore(%arg13 : memref<!tpu.dma_semaphore, #tpu.memory_space<semaphore_mem>>)
    %dma_wait3A_251 = arith.constant 0 : i32
    %dma_wait3A_252 = tpu.memref_slice %arg10[%dma_wait3A_251] : memref<20736xf32, #tpu.memory_space<vmem>> -> memref<1296xf32, #tpu.memory_space<vmem>>
    %dma_wait3A_253 = tpu.memref_slice %arg12[%add3A_94] : memref<331776xf32, #tpu.memory_space<vmem_shared>> -> memref<1296xf32, #tpu.memory_space<vmem_shared>>
    %dma_wait3A_254 = arith.constant 0 : i32
    %dma_wait3A_255 = tpu.memref_slice %arg10[%dma_wait3A_254] : memref<20736xf32, #tpu.memory_space<vmem>> -> memref<1296xf32, #tpu.memory_space<vmem>>
    %dma_wait3A_256 = tpu.memref_slice %arg12[%add3A_94] : memref<331776xf32, #tpu.memory_space<vmem_shared>> -> memref<1296xf32, #tpu.memory_space<vmem_shared>>
    tpu.wait_dma2 semaphore(%arg13 : memref<!tpu.dma_semaphore, #tpu.memory_space<semaphore_mem>>) src(%dma_wait3A_256 : memref<1296xf32, #tpu.memory_space<vmem_shared>>) dst(%dma_wait3A_255 : memref<1296xf32, #tpu.memory_space<vmem>>)
    %dma_wait3A_257 = arith.constant 1296 : i32
    %dma_wait3A_258 = tpu.memref_slice %arg10[%dma_wait3A_257] : memref<20736xf32, #tpu.memory_space<vmem>> -> memref<1296xf32, #tpu.memory_space<vmem>>
    %dma_wait3A_259 = tpu.memref_slice %arg12[%add3A_98] : memref<331776xf32, #tpu.memory_space<vmem_shared>> -> memref<1296xf32, #tpu.memory_space<vmem_shared>>
    %dma_wait3A_260 = arith.constant 1296 : i32
    %dma_wait3A_261 = tpu.memref_slice %arg10[%dma_wait3A_260] : memref<20736xf32, #tpu.memory_space<vmem>> -> memref<1296xf32, #tpu.memory_space<vmem>>
    %dma_wait3A_262 = tpu.memref_slice %arg12[%add3A_98] : memref<331776xf32, #tpu.memory_space<vmem_shared>> -> memref<1296xf32, #tpu.memory_space<vmem_shared>>
    tpu.wait_dma2 semaphore(%arg13 : memref<!tpu.dma_semaphore, #tpu.memory_space<semaphore_mem>>) src(%dma_wait3A_262 : memref<1296xf32, #tpu.memory_space<vmem_shared>>) dst(%dma_wait3A_261 : memref<1296xf32, #tpu.memory_space<vmem>>)
    %dma_wait3A_263 = arith.constant 2592 : i32
    %dma_wait3A_264 = tpu.memref_slice %arg10[%dma_wait3A_263] : memref<20736xf32, #tpu.memory_space<vmem>> -> memref<1296xf32, #tpu.memory_space<vmem>>
    %dma_wait3A_265 = tpu.memref_slice %arg12[%add3A_102] : memref<331776xf32, #tpu.memory_space<vmem_shared>> -> memref<1296xf32, #tpu.memory_space<vmem_shared>>
    %dma_wait3A_266 = arith.constant 2592 : i32
    %dma_wait3A_267 = tpu.memref_slice %arg10[%dma_wait3A_266] : memref<20736xf32, #tpu.memory_space<vmem>> -> memref<1296xf32, #tpu.memory_space<vmem>>
    %dma_wait3A_268 = tpu.memref_slice %arg12[%add3A_102] : memref<331776xf32, #tpu.memory_space<vmem_shared>> -> memref<1296xf32, #tpu.memory_space<vmem_shared>>
    tpu.wait_dma2 semaphore(%arg13 : memref<!tpu.dma_semaphore, #tpu.memory_space<semaphore_mem>>) src(%dma_wait3A_268 : memref<1296xf32, #tpu.memory_space<vmem_shared>>) dst(%dma_wait3A_267 : memref<1296xf32, #tpu.memory_space<vmem>>)
    %dma_wait3A_269 = arith.constant 3888 : i32
    %dma_wait3A_270 = tpu.memref_slice %arg10[%dma_wait3A_269] : memref<20736xf32, #tpu.memory_space<vmem>> -> memref<1296xf32, #tpu.memory_space<vmem>>
    %dma_wait3A_271 = tpu.memref_slice %arg12[%add3A_106] : memref<331776xf32, #tpu.memory_space<vmem_shared>> -> memref<1296xf32, #tpu.memory_space<vmem_shared>>
    %dma_wait3A_272 = arith.constant 3888 : i32
    %dma_wait3A_273 = tpu.memref_slice %arg10[%dma_wait3A_272] : memref<20736xf32, #tpu.memory_space<vmem>> -> memref<1296xf32, #tpu.memory_space<vmem>>
    %dma_wait3A_274 = tpu.memref_slice %arg12[%add3A_106] : memref<331776xf32, #tpu.memory_space<vmem_shared>> -> memref<1296xf32, #tpu.memory_space<vmem_shared>>
    tpu.wait_dma2 semaphore(%arg13 : memref<!tpu.dma_semaphore, #tpu.memory_space<semaphore_mem>>) src(%dma_wait3A_274 : memref<1296xf32, #tpu.memory_space<vmem_shared>>) dst(%dma_wait3A_273 : memref<1296xf32, #tpu.memory_space<vmem>>)
    %dma_wait3A_275 = arith.constant 5184 : i32
    %dma_wait3A_276 = tpu.memref_slice %arg10[%dma_wait3A_275] : memref<20736xf32, #tpu.memory_space<vmem>> -> memref<1296xf32, #tpu.memory_space<vmem>>
    %dma_wait3A_277 = tpu.memref_slice %arg12[%add3A_110] : memref<331776xf32, #tpu.memory_space<vmem_shared>> -> memref<1296xf32, #tpu.memory_space<vmem_shared>>
    %dma_wait3A_278 = arith.constant 5184 : i32
    %dma_wait3A_279 = tpu.memref_slice %arg10[%dma_wait3A_278] : memref<20736xf32, #tpu.memory_space<vmem>> -> memref<1296xf32, #tpu.memory_space<vmem>>
    %dma_wait3A_280 = tpu.memref_slice %arg12[%add3A_110] : memref<331776xf32, #tpu.memory_space<vmem_shared>> -> memref<1296xf32, #tpu.memory_space<vmem_shared>>
    tpu.wait_dma2 semaphore(%arg13 : memref<!tpu.dma_semaphore, #tpu.memory_space<semaphore_mem>>) src(%dma_wait3A_280 : memref<1296xf32, #tpu.memory_space<vmem_shared>>) dst(%dma_wait3A_279 : memref<1296xf32, #tpu.memory_space<vmem>>)
    %dma_wait3A_281 = arith.constant 6480 : i32
    %dma_wait3A_282 = tpu.memref_slice %arg10[%dma_wait3A_281] : memref<20736xf32, #tpu.memory_space<vmem>> -> memref<1296xf32, #tpu.memory_space<vmem>>
    %dma_wait3A_283 = tpu.memref_slice %arg12[%add3A_114] : memref<331776xf32, #tpu.memory_space<vmem_shared>> -> memref<1296xf32, #tpu.memory_space<vmem_shared>>
    %dma_wait3A_284 = arith.constant 6480 : i32
    %dma_wait3A_285 = tpu.memref_slice %arg10[%dma_wait3A_284] : memref<20736xf32, #tpu.memory_space<vmem>> -> memref<1296xf32, #tpu.memory_space<vmem>>
    %dma_wait3A_286 = tpu.memref_slice %arg12[%add3A_114] : memref<331776xf32, #tpu.memory_space<vmem_shared>> -> memref<1296xf32, #tpu.memory_space<vmem_shared>>
    tpu.wait_dma2 semaphore(%arg13 : memref<!tpu.dma_semaphore, #tpu.memory_space<semaphore_mem>>) src(%dma_wait3A_286 : memref<1296xf32, #tpu.memory_space<vmem_shared>>) dst(%dma_wait3A_285 : memref<1296xf32, #tpu.memory_space<vmem>>)
    %dma_wait3A_287 = arith.constant 7776 : i32
    %dma_wait3A_288 = tpu.memref_slice %arg10[%dma_wait3A_287] : memref<20736xf32, #tpu.memory_space<vmem>> -> memref<1296xf32, #tpu.memory_space<vmem>>
    %dma_wait3A_289 = tpu.memref_slice %arg12[%add3A_118] : memref<331776xf32, #tpu.memory_space<vmem_shared>> -> memref<1296xf32, #tpu.memory_space<vmem_shared>>
    %dma_wait3A_290 = arith.constant 7776 : i32
    %dma_wait3A_291 = tpu.memref_slice %arg10[%dma_wait3A_290] : memref<20736xf32, #tpu.memory_space<vmem>> -> memref<1296xf32, #tpu.memory_space<vmem>>
    %dma_wait3A_292 = tpu.memref_slice %arg12[%add3A_118] : memref<331776xf32, #tpu.memory_space<vmem_shared>> -> memref<1296xf32, #tpu.memory_space<vmem_shared>>
    tpu.wait_dma2 semaphore(%arg13 : memref<!tpu.dma_semaphore, #tpu.memory_space<semaphore_mem>>) src(%dma_wait3A_292 : memref<1296xf32, #tpu.memory_space<vmem_shared>>) dst(%dma_wait3A_291 : memref<1296xf32, #tpu.memory_space<vmem>>)
    %dma_wait3A_293 = arith.constant 9072 : i32
    %dma_wait3A_294 = tpu.memref_slice %arg10[%dma_wait3A_293] : memref<20736xf32, #tpu.memory_space<vmem>> -> memref<1296xf32, #tpu.memory_space<vmem>>
    %dma_wait3A_295 = tpu.memref_slice %arg12[%add3A_122] : memref<331776xf32, #tpu.memory_space<vmem_shared>> -> memref<1296xf32, #tpu.memory_space<vmem_shared>>
    %dma_wait3A_296 = arith.constant 9072 : i32
    %dma_wait3A_297 = tpu.memref_slice %arg10[%dma_wait3A_296] : memref<20736xf32, #tpu.memory_space<vmem>> -> memref<1296xf32, #tpu.memory_space<vmem>>
    %dma_wait3A_298 = tpu.memref_slice %arg12[%add3A_122] : memref<331776xf32, #tpu.memory_space<vmem_shared>> -> memref<1296xf32, #tpu.memory_space<vmem_shared>>
    tpu.wait_dma2 semaphore(%arg13 : memref<!tpu.dma_semaphore, #tpu.memory_space<semaphore_mem>>) src(%dma_wait3A_298 : memref<1296xf32, #tpu.memory_space<vmem_shared>>) dst(%dma_wait3A_297 : memref<1296xf32, #tpu.memory_space<vmem>>)
    %dma_wait3A_299 = arith.constant 10368 : i32
    %dma_wait3A_300 = tpu.memref_slice %arg10[%dma_wait3A_299] : memref<20736xf32, #tpu.memory_space<vmem>> -> memref<1296xf32, #tpu.memory_space<vmem>>
    %dma_wait3A_301 = tpu.memref_slice %arg12[%add3A_126] : memref<331776xf32, #tpu.memory_space<vmem_shared>> -> memref<1296xf32, #tpu.memory_space<vmem_shared>>
    %dma_wait3A_302 = arith.constant 10368 : i32
    %dma_wait3A_303 = tpu.memref_slice %arg10[%dma_wait3A_302] : memref<20736xf32, #tpu.memory_space<vmem>> -> memref<1296xf32, #tpu.memory_space<vmem>>
    %dma_wait3A_304 = tpu.memref_slice %arg12[%add3A_126] : memref<331776xf32, #tpu.memory_space<vmem_shared>> -> memref<1296xf32, #tpu.memory_space<vmem_shared>>
    tpu.wait_dma2 semaphore(%arg13 : memref<!tpu.dma_semaphore, #tpu.memory_space<semaphore_mem>>) src(%dma_wait3A_304 : memref<1296xf32, #tpu.memory_space<vmem_shared>>) dst(%dma_wait3A_303 : memref<1296xf32, #tpu.memory_space<vmem>>)
    %dma_wait3A_305 = arith.constant 11664 : i32
    %dma_wait3A_306 = tpu.memref_slice %arg10[%dma_wait3A_305] : memref<20736xf32, #tpu.memory_space<vmem>> -> memref<1296xf32, #tpu.memory_space<vmem>>
    %dma_wait3A_307 = tpu.memref_slice %arg12[%add3A_130] : memref<331776xf32, #tpu.memory_space<vmem_shared>> -> memref<1296xf32, #tpu.memory_space<vmem_shared>>
    %dma_wait3A_308 = arith.constant 11664 : i32
    %dma_wait3A_309 = tpu.memref_slice %arg10[%dma_wait3A_308] : memref<20736xf32, #tpu.memory_space<vmem>> -> memref<1296xf32, #tpu.memory_space<vmem>>
    %dma_wait3A_310 = tpu.memref_slice %arg12[%add3A_130] : memref<331776xf32, #tpu.memory_space<vmem_shared>> -> memref<1296xf32, #tpu.memory_space<vmem_shared>>
    tpu.wait_dma2 semaphore(%arg13 : memref<!tpu.dma_semaphore, #tpu.memory_space<semaphore_mem>>) src(%dma_wait3A_310 : memref<1296xf32, #tpu.memory_space<vmem_shared>>) dst(%dma_wait3A_309 : memref<1296xf32, #tpu.memory_space<vmem>>)
    %dma_wait3A_311 = arith.constant 12960 : i32
    %dma_wait3A_312 = tpu.memref_slice %arg10[%dma_wait3A_311] : memref<20736xf32, #tpu.memory_space<vmem>> -> memref<1296xf32, #tpu.memory_space<vmem>>
    %dma_wait3A_313 = tpu.memref_slice %arg12[%add3A_134] : memref<331776xf32, #tpu.memory_space<vmem_shared>> -> memref<1296xf32, #tpu.memory_space<vmem_shared>>
    %dma_wait3A_314 = arith.constant 12960 : i32
    %dma_wait3A_315 = tpu.memref_slice %arg10[%dma_wait3A_314] : memref<20736xf32, #tpu.memory_space<vmem>> -> memref<1296xf32, #tpu.memory_space<vmem>>
    %dma_wait3A_316 = tpu.memref_slice %arg12[%add3A_134] : memref<331776xf32, #tpu.memory_space<vmem_shared>> -> memref<1296xf32, #tpu.memory_space<vmem_shared>>
    tpu.wait_dma2 semaphore(%arg13 : memref<!tpu.dma_semaphore, #tpu.memory_space<semaphore_mem>>) src(%dma_wait3A_316 : memref<1296xf32, #tpu.memory_space<vmem_shared>>) dst(%dma_wait3A_315 : memref<1296xf32, #tpu.memory_space<vmem>>)
    %dma_wait3A_317 = arith.constant 14256 : i32
    %dma_wait3A_318 = tpu.memref_slice %arg10[%dma_wait3A_317] : memref<20736xf32, #tpu.memory_space<vmem>> -> memref<1296xf32, #tpu.memory_space<vmem>>
    %dma_wait3A_319 = tpu.memref_slice %arg12[%add3A_138] : memref<331776xf32, #tpu.memory_space<vmem_shared>> -> memref<1296xf32, #tpu.memory_space<vmem_shared>>
    %dma_wait3A_320 = arith.constant 14256 : i32
    %dma_wait3A_321 = tpu.memref_slice %arg10[%dma_wait3A_320] : memref<20736xf32, #tpu.memory_space<vmem>> -> memref<1296xf32, #tpu.memory_space<vmem>>
    %dma_wait3A_322 = tpu.memref_slice %arg12[%add3A_138] : memref<331776xf32, #tpu.memory_space<vmem_shared>> -> memref<1296xf32, #tpu.memory_space<vmem_shared>>
    tpu.wait_dma2 semaphore(%arg13 : memref<!tpu.dma_semaphore, #tpu.memory_space<semaphore_mem>>) src(%dma_wait3A_322 : memref<1296xf32, #tpu.memory_space<vmem_shared>>) dst(%dma_wait3A_321 : memref<1296xf32, #tpu.memory_space<vmem>>)
    %dma_wait3A_323 = arith.constant 15552 : i32
    %dma_wait3A_324 = tpu.memref_slice %arg10[%dma_wait3A_323] : memref<20736xf32, #tpu.memory_space<vmem>> -> memref<1296xf32, #tpu.memory_space<vmem>>
    %dma_wait3A_325 = tpu.memref_slice %arg12[%add3A_142] : memref<331776xf32, #tpu.memory_space<vmem_shared>> -> memref<1296xf32, #tpu.memory_space<vmem_shared>>
    %dma_wait3A_326 = arith.constant 15552 : i32
    %dma_wait3A_327 = tpu.memref_slice %arg10[%dma_wait3A_326] : memref<20736xf32, #tpu.memory_space<vmem>> -> memref<1296xf32, #tpu.memory_space<vmem>>
    %dma_wait3A_328 = tpu.memref_slice %arg12[%add3A_142] : memref<331776xf32, #tpu.memory_space<vmem_shared>> -> memref<1296xf32, #tpu.memory_space<vmem_shared>>
    tpu.wait_dma2 semaphore(%arg13 : memref<!tpu.dma_semaphore, #tpu.memory_space<semaphore_mem>>) src(%dma_wait3A_328 : memref<1296xf32, #tpu.memory_space<vmem_shared>>) dst(%dma_wait3A_327 : memref<1296xf32, #tpu.memory_space<vmem>>)
    %dma_wait3A_329 = arith.constant 16848 : i32
    %dma_wait3A_330 = tpu.memref_slice %arg10[%dma_wait3A_329] : memref<20736xf32, #tpu.memory_space<vmem>> -> memref<1296xf32, #tpu.memory_space<vmem>>
    %dma_wait3A_331 = tpu.memref_slice %arg12[%add3A_146] : memref<331776xf32, #tpu.memory_space<vmem_shared>> -> memref<1296xf32, #tpu.memory_space<vmem_shared>>
    %dma_wait3A_332 = arith.constant 16848 : i32
    %dma_wait3A_333 = tpu.memref_slice %arg10[%dma_wait3A_332] : memref<20736xf32, #tpu.memory_space<vmem>> -> memref<1296xf32, #tpu.memory_space<vmem>>
    %dma_wait3A_334 = tpu.memref_slice %arg12[%add3A_146] : memref<331776xf32, #tpu.memory_space<vmem_shared>> -> memref<1296xf32, #tpu.memory_space<vmem_shared>>
    tpu.wait_dma2 semaphore(%arg13 : memref<!tpu.dma_semaphore, #tpu.memory_space<semaphore_mem>>) src(%dma_wait3A_334 : memref<1296xf32, #tpu.memory_space<vmem_shared>>) dst(%dma_wait3A_333 : memref<1296xf32, #tpu.memory_space<vmem>>)
    %dma_wait3A_335 = arith.constant 18144 : i32
    %dma_wait3A_336 = tpu.memref_slice %arg10[%dma_wait3A_335] : memref<20736xf32, #tpu.memory_space<vmem>> -> memref<1296xf32, #tpu.memory_space<vmem>>
    %dma_wait3A_337 = tpu.memref_slice %arg12[%add3A_150] : memref<331776xf32, #tpu.memory_space<vmem_shared>> -> memref<1296xf32, #tpu.memory_space<vmem_shared>>
    %dma_wait3A_338 = arith.constant 18144 : i32
    %dma_wait3A_339 = tpu.memref_slice %arg10[%dma_wait3A_338] : memref<20736xf32, #tpu.memory_space<vmem>> -> memref<1296xf32, #tpu.memory_space<vmem>>
    %dma_wait3A_340 = tpu.memref_slice %arg12[%add3A_150] : memref<331776xf32, #tpu.memory_space<vmem_shared>> -> memref<1296xf32, #tpu.memory_space<vmem_shared>>
    tpu.wait_dma2 semaphore(%arg13 : memref<!tpu.dma_semaphore, #tpu.memory_space<semaphore_mem>>) src(%dma_wait3A_340 : memref<1296xf32, #tpu.memory_space<vmem_shared>>) dst(%dma_wait3A_339 : memref<1296xf32, #tpu.memory_space<vmem>>)
    %dma_wait3A_341 = arith.constant 19440 : i32
    %dma_wait3A_342 = tpu.memref_slice %arg10[%dma_wait3A_341] : memref<20736xf32, #tpu.memory_space<vmem>> -> memref<1296xf32, #tpu.memory_space<vmem>>
    %dma_wait3A_343 = tpu.memref_slice %arg12[%add3A_154] : memref<331776xf32, #tpu.memory_space<vmem_shared>> -> memref<1296xf32, #tpu.memory_space<vmem_shared>>
    %dma_wait3A_344 = arith.constant 19440 : i32
    %dma_wait3A_345 = tpu.memref_slice %arg10[%dma_wait3A_344] : memref<20736xf32, #tpu.memory_space<vmem>> -> memref<1296xf32, #tpu.memory_space<vmem>>
    %dma_wait3A_346 = tpu.memref_slice %arg12[%add3A_154] : memref<331776xf32, #tpu.memory_space<vmem_shared>> -> memref<1296xf32, #tpu.memory_space<vmem_shared>>
    tpu.wait_dma2 semaphore(%arg13 : memref<!tpu.dma_semaphore, #tpu.memory_space<semaphore_mem>>) src(%dma_wait3A_346 : memref<1296xf32, #tpu.memory_space<vmem_shared>>) dst(%dma_wait3A_345 : memref<1296xf32, #tpu.memory_space<vmem>>)
    %scan3A_347 = arith.constant 0 : i32
    %scan3A_348 = arith.constant 0 : i32
    %scan3A_349 = arith.constant 81 : i32
    %scan3A_350 = arith.addi %scan3A_348, %scan3A_349 : i32
    %scan3A_351 = arith.constant 1 : i32
    %scan3A_352 = scf.for %scan3A_359 = %scan3A_348 to %scan3A_350 step %scan3A_351 iter_args(%scan3A_360 = %scan3A_347) -> (i32)  : i32 {
      %mul3A_361 = arith.constant 16 : i32
      %mul3A_362 = arith.muli %scan3A_359, %mul3A_361 : i32
      %get3A = arith.index_cast %mul3A_362 : i32 to index
      %get3A_363 = tpu.vector_load %arg10[%get3A] {strides = array<i32>} : memref<20736xf32, #tpu.memory_space<vmem>>, vector<16xf32>,
      %add3A_364 = arith.constant 1296 : i32
      %add3A_365 = arith.addi %add3A_364, %mul3A_362 : i32
      %get3A_366 = arith.index_cast %add3A_365 : i32 to index
      %get3A_367 = tpu.vector_load %arg10[%get3A_366] {strides = array<i32>} : memref<20736xf32, #tpu.memory_space<vmem>>, vector<16xf32>,
      %add3A_368 = arith.addf %get3A_363, %get3A_367 : vector<16xf32>
      %add3A_369 = arith.constant 2592 : i32
      %add3A_370 = arith.addi %add3A_369, %mul3A_362 : i32
      %get3A_371 = arith.index_cast %add3A_370 : i32 to index
      %get3A_372 = tpu.vector_load %arg10[%get3A_371] {strides = array<i32>} : memref<20736xf32, #tpu.memory_space<vmem>>, vector<16xf32>,
      %add3A_373 = arith.addf %add3A_368, %get3A_372 : vector<16xf32>
      %add3A_374 = arith.constant 3888 : i32
      %add3A_375 = arith.addi %add3A_374, %mul3A_362 : i32
      %get3A_376 = arith.index_cast %add3A_375 : i32 to index
      %get3A_377 = tpu.vector_load %arg10[%get3A_376] {strides = array<i32>} : memref<20736xf32, #tpu.memory_space<vmem>>, vector<16xf32>,
      %add3A_378 = arith.addf %add3A_373, %get3A_377 : vector<16xf32>
      %add3A_379 = arith.constant 5184 : i32
      %add3A_380 = arith.addi %add3A_379, %mul3A_362 : i32
      %get3A_381 = arith.index_cast %add3A_380 : i32 to index
      %get3A_382 = tpu.vector_load %arg10[%get3A_381] {strides = array<i32>} : memref<20736xf32, #tpu.memory_space<vmem>>, vector<16xf32>,
      %add3A_383 = arith.addf %add3A_378, %get3A_382 : vector<16xf32>
      %add3A_384 = arith.constant 6480 : i32
      %add3A_385 = arith.addi %add3A_384, %mul3A_362 : i32
      %get3A_386 = arith.index_cast %add3A_385 : i32 to index
      %get3A_387 = tpu.vector_load %arg10[%get3A_386] {strides = array<i32>} : memref<20736xf32, #tpu.memory_space<vmem>>, vector<16xf32>,
      %add3A_388 = arith.addf %add3A_383, %get3A_387 : vector<16xf32>
      %add3A_389 = arith.constant 7776 : i32
      %add3A_390 = arith.addi %add3A_389, %mul3A_362 : i32
      %get3A_391 = arith.index_cast %add3A_390 : i32 to index
      %get3A_392 = tpu.vector_load %arg10[%get3A_391] {strides = array<i32>} : memref<20736xf32, #tpu.memory_space<vmem>>, vector<16xf32>,
      %add3A_393 = arith.addf %add3A_388, %get3A_392 : vector<16xf32>
      %add3A_394 = arith.constant 9072 : i32
      %add3A_395 = arith.addi %add3A_394, %mul3A_362 : i32
      %get3A_396 = arith.index_cast %add3A_395 : i32 to index
      %get3A_397 = tpu.vector_load %arg10[%get3A_396] {strides = array<i32>} : memref<20736xf32, #tpu.memory_space<vmem>>, vector<16xf32>,
      %add3A_398 = arith.addf %add3A_393, %get3A_397 : vector<16xf32>
      %add3A_399 = arith.constant 10368 : i32
      %add3A_400 = arith.addi %add3A_399, %mul3A_362 : i32
      %get3A_401 = arith.index_cast %add3A_400 : i32 to index
      %get3A_402 = tpu.vector_load %arg10[%get3A_401] {strides = array<i32>} : memref<20736xf32, #tpu.memory_space<vmem>>, vector<16xf32>,
      %add3A_403 = arith.addf %add3A_398, %get3A_402 : vector<16xf32>
      %add3A_404 = arith.constant 11664 : i32
      %add3A_405 = arith.addi %add3A_404, %mul3A_362 : i32
      %get3A_406 = arith.index_cast %add3A_405 : i32 to index
      %get3A_407 = tpu.vector_load %arg10[%get3A_406] {strides = array<i32>} : memref<20736xf32, #tpu.memory_space<vmem>>, vector<16xf32>,
      %add3A_408 = arith.addf %add3A_403, %get3A_407 : vector<16xf32>
      %add3A_409 = arith.constant 12960 : i32
      %add3A_410 = arith.addi %add3A_409, %mul3A_362 : i32
      %get3A_411 = arith.index_cast %add3A_410 : i32 to index
      %get3A_412 = tpu.vector_load %arg10[%get3A_411] {strides = array<i32>} : memref<20736xf32, #tpu.memory_space<vmem>>, vector<16xf32>,
      %add3A_413 = arith.addf %add3A_408, %get3A_412 : vector<16xf32>
      %add3A_414 = arith.constant 14256 : i32
      %add3A_415 = arith.addi %add3A_414, %mul3A_362 : i32
      %get3A_416 = arith.index_cast %add3A_415 : i32 to index
      %get3A_417 = tpu.vector_load %arg10[%get3A_416] {strides = array<i32>} : memref<20736xf32, #tpu.memory_space<vmem>>, vector<16xf32>,
      %add3A_418 = arith.addf %add3A_413, %get3A_417 : vector<16xf32>
      %add3A_419 = arith.constant 15552 : i32
      %add3A_420 = arith.addi %add3A_419, %mul3A_362 : i32
      %get3A_421 = arith.index_cast %add3A_420 : i32 to index
      %get3A_422 = tpu.vector_load %arg10[%get3A_421] {strides = array<i32>} : memref<20736xf32, #tpu.memory_space<vmem>>, vector<16xf32>,
      %add3A_423 = arith.addf %add3A_418, %get3A_422 : vector<16xf32>
      %add3A_424 = arith.constant 16848 : i32
      %add3A_425 = arith.addi %add3A_424, %mul3A_362 : i32
      %get3A_426 = arith.index_cast %add3A_425 : i32 to index
      %get3A_427 = tpu.vector_load %arg10[%get3A_426] {strides = array<i32>} : memref<20736xf32, #tpu.memory_space<vmem>>, vector<16xf32>,
      %add3A_428 = arith.addf %add3A_423, %get3A_427 : vector<16xf32>
      %add3A_429 = arith.constant 18144 : i32
      %add3A_430 = arith.addi %add3A_429, %mul3A_362 : i32
      %get3A_431 = arith.index_cast %add3A_430 : i32 to index
      %get3A_432 = tpu.vector_load %arg10[%get3A_431] {strides = array<i32>} : memref<20736xf32, #tpu.memory_space<vmem>>, vector<16xf32>,
      %add3A_433 = arith.addf %add3A_428, %get3A_432 : vector<16xf32>
      %add3A_434 = arith.constant 19440 : i32
      %add3A_435 = arith.addi %add3A_434, %mul3A_362 : i32
      %get3A_436 = arith.index_cast %add3A_435 : i32 to index
      %get3A_437 = tpu.vector_load %arg10[%get3A_436] {strides = array<i32>} : memref<20736xf32, #tpu.memory_space<vmem>>, vector<16xf32>,
      %add3A_438 = arith.addf %add3A_433, %get3A_437 : vector<16xf32>
      %swap3A = arith.index_cast %mul3A_362 : i32 to index
      %swap3A_439 = tpu.vector_load %arg11[%swap3A] {strides = array<i32>} : memref<1296xf32, #tpu.memory_space<vmem>>, vector<16xf32>,
      tpu.vector_store %arg11[%swap3A], %add3A_438 {strides = array<i32>} : memref<1296xf32, #tpu.memory_space<vmem>>, vector<16xf32>,
      %scan3A_440 = arith.constant 0 : i32
      scf.yield %scan3A_440 : i32
    }
    %scan3A_353 = arith.constant 81 : i32
    %mul3A_354 = arith.constant 20736 : i32
    %mul3A_355 = arith.muli %arg0, %mul3A_354 : i32
    %mul3A_356 = arith.constant 1296 : i32
    %mul3A_357 = arith.muli %arg1, %mul3A_356 : i32
    %add3A_358 = arith.addi %mul3A_355, %mul3A_357 : i32
    "tpu.region"() ({
      %run_scoped3A = tpu.sem_alloc : memref<!tpu.dma_semaphore, #tpu.memory_space<semaphore_mem>>
      %dma_start3A_359 = tpu.memref_slice %arg4[%add3A_358] : memref<41472xf32, #tpu.memory_space<hbm>> -> memref<1296xf32, #tpu.memory_space<hbm>>
      %dma_start3A_360 = tpu.memref_slice %arg4[%add3A_358] : memref<41472xf32, #tpu.memory_space<hbm>> -> memref<1296xf32, #tpu.memory_space<hbm>>
      tpu.enqueue_dma source(%arg11 : memref<1296xf32, #tpu.memory_space<vmem>>) target(%dma_start3A_360 : memref<1296xf32, #tpu.memory_space<hbm>>) target_semaphore(%run_scoped3A : memref<!tpu.dma_semaphore, #tpu.memory_space<semaphore_mem>>)
      %dma_wait3A_361 = tpu.memref_slice %arg4[%add3A_358] : memref<41472xf32, #tpu.memory_space<hbm>> -> memref<1296xf32, #tpu.memory_space<hbm>>
      %dma_wait3A_362 = tpu.memref_slice %arg4[%add3A_358] : memref<41472xf32, #tpu.memory_space<hbm>> -> memref<1296xf32, #tpu.memory_space<hbm>>
      tpu.wait_dma2 semaphore(%run_scoped3A : memref<!tpu.dma_semaphore, #tpu.memory_space<semaphore_mem>>) src(%arg11 : memref<1296xf32, #tpu.memory_space<vmem>>) dst(%dma_wait3A_362 : memref<1296xf32, #tpu.memory_space<hbm>>)
      tpu.yield
    }) : () -> ()
    return
  }
}

module attributes {stable_mosaic.version = 14 : i64} {
  func.func @_tc_body(%arg0: i32, %arg1: memref<12288x256xf32, #tpu.memory_space<vmem>>, %arg2: memref<1x1x12288xi32, #tpu.memory_space<vmem>>, %arg3: memref<128x256xf32, #tpu.memory_space<vmem>>, %arg4: memref<128x128xf32, #tpu.memory_space<vmem>>, %arg5: memref<128x256xf32, #tpu.memory_space<vmem>>, %arg6: memref<128x128xf32, #tpu.memory_space<vmem>>) attributes {dimension_semantics = [#tpu.dimension_semantics<arbitrary>], iteration_bounds = array<i64: 5>, scalar_prefetch = 0 : i64, scratch_operands = 2 : i64, tpu.core_type = #tpu.core_type<tc>, window_params = [{transform_indices = @transform_0, window_bounds = array<i64: 12288, 256>}, {transform_indices = @transform_1, window_bounds = array<i64: 1, 1, 12288>}, {pipeline_mode = #tpu.pipeline_mode<synchronous>, transform_indices = @transform_2, window_bounds = array<i64: 128, 256>}, {pipeline_mode = #tpu.pipeline_mode<synchronous>, transform_indices = @transform_3, window_bounds = array<i64: 128, 128>}]} {
    %eq3A = arith.constant 0 : i32
    %eq3A_0 = arith.cmpi eq, %arg0, %eq3A : i32
    %convert_element_type3A = arith.extui %eq3A_0 : i1 to i32
    %cond3A = arith.constant 0 : i32
    %cond3A_1 = arith.cmpi ne, %convert_element_type3A, %cond3A : i32
    scf.if %cond3A_1 {
      %broadcast_in_dim3A_40 = arith.constant 0.000000e+00 : f32
      %broadcast_in_dim3A_41 = vector.broadcast %broadcast_in_dim3A_40 : f32 to vector<128x256xf32>
      %swap3A_42 = arith.constant 0 : index
      %swap3A_43 = arith.constant 0 : index
      %swap3A_44 = vector.load %arg5[%swap3A_42, %swap3A_43] : memref<128x256xf32, #tpu.memory_space<vmem>>, vector<128x256xf32>
      tpu.vector_store %arg5[%swap3A_42, %swap3A_43], %broadcast_in_dim3A_41 {strides = array<i32>} : memref<128x256xf32, #tpu.memory_space<vmem>>, vector<128x256xf32>,
      %broadcast_in_dim3A_45 = arith.constant 0.000000e+00 : f32
      %broadcast_in_dim3A_46 = vector.broadcast %broadcast_in_dim3A_45 : f32 to vector<128x128xf32>
      %swap3A_47 = arith.constant 0 : index
      %swap3A_48 = arith.constant 0 : index
      %swap3A_49 = vector.load %arg6[%swap3A_47, %swap3A_48] : memref<128x128xf32, #tpu.memory_space<vmem>>, vector<128x128xf32>
      tpu.vector_store %arg6[%swap3A_47, %swap3A_48], %broadcast_in_dim3A_46 {strides = array<i32>} : memref<128x128xf32, #tpu.memory_space<vmem>>, vector<128x128xf32>,
    } else {
    }
    %get3A = arith.constant 0 : index
    %get3A_2 = arith.constant 0 : index
    %get3A_3 = vector.load %arg1[%get3A, %get3A_2] : memref<12288x256xf32, #tpu.memory_space<vmem>>, vector<12288x256xf32>
    %mul3A = arith.mulf %get3A_3, %get3A_3 : vector<12288x256xf32>
    %reduce_sum3A = arith.constant dense<0.000000e+00> : vector<12288xf32>
    %reduce_sum3A_4 = vector.multi_reduction <add>, %mul3A, %reduce_sum3A [1] : vector<12288x256xf32> to vector<12288xf32>
    %rsqrt3A = math.rsqrt %reduce_sum3A_4 : vector<12288xf32>
    %get3A_5 = arith.constant 0 : index
    %get3A_6 = arith.constant 0 : index
    %get3A_7 = arith.constant 0 : index
    %get3A_8 = vector.load %arg2[%get3A_5, %get3A_6, %get3A_7] : memref<1x1x12288xi32, #tpu.memory_space<vmem>>, vector<1x1x12288xi32>
    %get3A_9 = vector.shape_cast %get3A_8 : vector<1x1x12288xi32> to vector<1x12288xi32>
    %iota3A = tpu.iota {dimensions = array<i32: 0>} : vector<128x12288xi32>
    %eq3A_10 = vector.broadcast %get3A_9 : vector<1x12288xi32> to vector<128x12288xi32>
    %eq3A_11 = arith.cmpi eq, %iota3A, %eq3A_10 : vector<128x12288xi32>
    %broadcast_in_dim3A = vector.shape_cast %rsqrt3A : vector<12288xf32> to vector<1x12288xf32>
    %jit3A = arith.constant 0.000000e+00 : f32
    %broadcast_in_dim3A_12 = vector.shape_cast %broadcast_in_dim3A : vector<1x12288xf32> to vector<1x12288xf32>
    %broadcast_in_dim3A_13 = vector.broadcast %broadcast_in_dim3A_12 : vector<1x12288xf32> to vector<128x12288xf32>
    %broadcast_in_dim3A_14 = vector.broadcast %jit3A : f32 to vector<128x12288xf32>
    %select_n3A = arith.select %eq3A_11, %broadcast_in_dim3A_13, %broadcast_in_dim3A_14 : vector<128x12288xi1>, vector<128x12288xf32>
    %get3A_15 = arith.constant 0 : index
    %get3A_16 = arith.constant 0 : index
    %get3A_17 = vector.load %arg5[%get3A_15, %get3A_16] : memref<128x256xf32, #tpu.memory_space<vmem>>, vector<128x256xf32>
    %dot_general3A = arith.constant dense<0.000000e+00> : vector<128x256xf32>
    %dot_general3A_18 = tpu.matmul %select_n3A, %get3A_3, %dot_general3A {dimension_numbers = #tpu.dot_dimension_numbers<[1], [0], [0], [1], [0, 0, 1, 1], [], []>, transpose_lhs_hint = false} : vector<128x12288xf32>, vector<12288x256xf32>, vector<128x256xf32> -> vector<128x256xf32>
    %add3A = arith.addf %get3A_17, %dot_general3A_18 : vector<128x256xf32>
    %swap3A = arith.constant 0 : index
    %swap3A_19 = arith.constant 0 : index
    %swap3A_20 = vector.load %arg5[%swap3A, %swap3A_19] : memref<128x256xf32, #tpu.memory_space<vmem>>, vector<128x256xf32>
    tpu.vector_store %arg5[%swap3A, %swap3A_19], %add3A {strides = array<i32>} : memref<128x256xf32, #tpu.memory_space<vmem>>, vector<128x256xf32>,
    %get3A_21 = arith.constant 0 : index
    %get3A_22 = arith.constant 0 : index
    %get3A_23 = vector.load %arg6[%get3A_21, %get3A_22] : memref<128x128xf32, #tpu.memory_space<vmem>>, vector<128x128xf32>
    %convert_element_type3A_24 = arith.extui %eq3A_11 : vector<128x12288xi1> to vector<128x12288xi32>
    %convert_element_type3A_25 = arith.sitofp %convert_element_type3A_24 : vector<128x12288xi32> to vector<128x12288xf32>
    %reduce_sum3A_26 = arith.constant dense<0.000000e+00> : vector<128xf32>
    %reduce_sum3A_27 = vector.multi_reduction <add>, %convert_element_type3A_25, %reduce_sum3A_26 [1] : vector<128x12288xf32> to vector<128xf32>
    %broadcast_in_dim3A_28 = vector.shape_cast %reduce_sum3A_27 : vector<128xf32> to vector<128x1xf32>
    %broadcast_in_dim3A_29 = vector.shape_cast %broadcast_in_dim3A_28 : vector<128x1xf32> to vector<128x1xf32>
    %broadcast_in_dim3A_30 = vector.broadcast %broadcast_in_dim3A_29 : vector<128x1xf32> to vector<128x128xf32>
    %add3A_31 = arith.addf %get3A_23, %broadcast_in_dim3A_30 : vector<128x128xf32>
    %swap3A_32 = arith.constant 0 : index
    %swap3A_33 = arith.constant 0 : index
    %swap3A_34 = vector.load %arg6[%swap3A_32, %swap3A_33] : memref<128x128xf32, #tpu.memory_space<vmem>>, vector<128x128xf32>
    tpu.vector_store %arg6[%swap3A_32, %swap3A_33], %add3A_31 {strides = array<i32>} : memref<128x128xf32, #tpu.memory_space<vmem>>, vector<128x128xf32>,
    %eq3A_35 = arith.constant 4 : i32
    %eq3A_36 = arith.cmpi eq, %arg0, %eq3A_35 : i32
    %convert_element_type3A_37 = arith.extui %eq3A_36 : i1 to i32
    %cond3A_38 = arith.constant 0 : i32
    %cond3A_39 = arith.cmpi ne, %convert_element_type3A_37, %cond3A_38 : i32
    scf.if %cond3A_39 {
      %get3A_40 = arith.constant 0 : index
      %get3A_41 = arith.constant 0 : index
      %get3A_42 = vector.load %arg5[%get3A_40, %get3A_41] : memref<128x256xf32, #tpu.memory_space<vmem>>, vector<128x256xf32>
      %swap3A_43 = arith.constant 0 : index
      %swap3A_44 = arith.constant 0 : index
      %swap3A_45 = vector.load %arg3[%swap3A_43, %swap3A_44] : memref<128x256xf32, #tpu.memory_space<vmem>>, vector<128x256xf32>
      tpu.vector_store %arg3[%swap3A_43, %swap3A_44], %get3A_42 {strides = array<i32>} : memref<128x256xf32, #tpu.memory_space<vmem>>, vector<128x256xf32>,
      %get3A_46 = arith.constant 0 : index
      %get3A_47 = arith.constant 0 : index
      %get3A_48 = vector.load %arg6[%get3A_46, %get3A_47] : memref<128x128xf32, #tpu.memory_space<vmem>>, vector<128x128xf32>
      %swap3A_49 = arith.constant 0 : index
      %swap3A_50 = arith.constant 0 : index
      %swap3A_51 = vector.load %arg4[%swap3A_49, %swap3A_50] : memref<128x128xf32, #tpu.memory_space<vmem>>, vector<128x128xf32>
      tpu.vector_store %arg4[%swap3A_49, %swap3A_50], %get3A_48 {strides = array<i32>} : memref<128x128xf32, #tpu.memory_space<vmem>>, vector<128x128xf32>,
    } else {
    }
    return
  }
  func.func @transform_0(%arg0: i32) -> (i32, i32) {
    %c0_i32 = arith.constant 0 : i32
    %c0_i32_0 = arith.constant 0 : i32
    return %arg0, %c0_i32 : i32, i32
  }
  func.func @transform_1(%arg0: i32) -> (i32, i32, i32) {
    %c0_i32 = arith.constant 0 : i32
    %c0_i32_0 = arith.constant 0 : i32
    %c0_i32_1 = arith.constant 0 : i32
    return %arg0, %c0_i32, %c0_i32_0 : i32, i32, i32
  }
  func.func @transform_2(%arg0: i32) -> (i32, i32) {
    %c0_i32 = arith.constant 0 : i32
    %c0_i32_0 = arith.constant 0 : i32
    %c0_i32_1 = arith.constant 0 : i32
    return %c0_i32, %c0_i32_0 : i32, i32
  }
  func.func @transform_3(%arg0: i32) -> (i32, i32) {
    %c0_i32 = arith.constant 0 : i32
    %c0_i32_0 = arith.constant 0 : i32
    %c0_i32_1 = arith.constant 0 : i32
    return %c0_i32, %c0_i32_0 : i32, i32
  }
}

module attributes {stable_mosaic.version = 14 : i64} {
  func.func @_fin_body(%arg0: memref<128x256xf32, #tpu.memory_space<vmem>>, %arg1: memref<128x128xf32, #tpu.memory_space<vmem>>, %arg2: memref<2x128x256xf32, #tpu.memory_space<vmem>>, %arg3: memref<1x1xf32, #tpu.memory_space<vmem>>) attributes {dimension_semantics = [], scalar_prefetch = 0 : i64, scratch_operands = 0 : i64, tpu.core_type = #tpu.core_type<tc>} {
    %get3A = arith.constant 0 : index
    %get3A_0 = arith.constant 0 : index
    %get3A_1 = vector.load %arg0[%get3A, %get3A_0] : memref<128x256xf32, #tpu.memory_space<vmem>>, vector<128x256xf32>
    %get3A_2 = arith.constant 0 : index
    %get3A_3 = arith.constant 0 : index
    %get3A_4 = arith.constant 0 : index
    %get3A_5 = vector.load %arg2[%get3A_2, %get3A_3, %get3A_4] : memref<2x128x256xf32, #tpu.memory_space<vmem>>, vector<1x128x256xf32>
    %get3A_6 = vector.shape_cast %get3A_5 : vector<1x128x256xf32> to vector<128x256xf32>
    %add3A = arith.addf %get3A_1, %get3A_6 : vector<128x256xf32>
    %get3A_7 = arith.constant 1 : index
    %get3A_8 = arith.constant 0 : index
    %get3A_9 = arith.constant 0 : index
    %get3A_10 = vector.load %arg2[%get3A_7, %get3A_8, %get3A_9] : memref<2x128x256xf32, #tpu.memory_space<vmem>>, vector<1x128x256xf32>
    %get3A_11 = vector.shape_cast %get3A_10 : vector<1x128x256xf32> to vector<128x256xf32>
    %add3A_12 = arith.addf %add3A, %get3A_11 : vector<128x256xf32>
    %get3A_13 = arith.constant 0 : index
    %get3A_14 = arith.constant 0 : index
    %get3A_15 = vector.load %arg1[%get3A_13, %get3A_14] : memref<128x128xf32, #tpu.memory_space<vmem>>, vector<128x1xf32>
    %max3A = arith.constant 1.000000e+00 : f32
    %max3A_16 = vector.broadcast %max3A : f32 to vector<128x1xf32>
    %max3A_17 = arith.maximumf %get3A_15, %max3A_16 : vector<128x1xf32>
    %div3A = vector.broadcast %max3A_17 : vector<128x1xf32> to vector<128x256xf32>
    %div3A_18 = arith.divf %add3A_12, %div3A : vector<128x256xf32>
    %mul3A = arith.mulf %div3A_18, %div3A_18 : vector<128x256xf32>
    %reduce_sum3A = arith.constant dense<0.000000e+00> : vector<128xf32>
    %reduce_sum3A_19 = vector.multi_reduction <add>, %mul3A, %reduce_sum3A [1] : vector<128x256xf32> to vector<128xf32>
    %broadcast_in_dim3A = vector.shape_cast %reduce_sum3A_19 : vector<128xf32> to vector<128x1xf32>
    %sqrt3A = math.sqrt %broadcast_in_dim3A : vector<128x1xf32>
    %max3A_20 = arith.constant 9.99999996E-13 : f32
    %max3A_21 = vector.broadcast %max3A_20 : f32 to vector<128x1xf32>
    %max3A_22 = arith.maximumf %sqrt3A, %max3A_21 : vector<128x1xf32>
    %div3A_23 = vector.broadcast %max3A_22 : vector<128x1xf32> to vector<128x256xf32>
    %div3A_24 = arith.divf %div3A_18, %div3A_23 : vector<128x256xf32>
    %reduce_sum3A_25 = vector.shape_cast %div3A_24 : vector<128x256xf32> to vector<1x128x256xf32>
    %reduce_sum3A_26 = arith.constant dense<0.000000e+00> : vector<1xf32>
    %reduce_sum3A_27 = vector.multi_reduction <add>, %reduce_sum3A_25, %reduce_sum3A_26 [1, 2] : vector<1x128x256xf32> to vector<1xf32>
    %reduce_sum3A_28 = vector.shape_cast %reduce_sum3A_27 : vector<1xf32> to vector<1x1x1xf32>
    %reduce_sum3A_29 = vector.extract %reduce_sum3A_28[0, 0, 0] : f32 from vector<1x1x1xf32>
    %mul3A_30 = arith.constant 0.000000e+00 : f32
    %mul3A_31 = arith.mulf %mul3A_30, %reduce_sum3A_29 : f32
    %reshape3A = vector.broadcast %mul3A_31 : f32 to vector<1x1xf32>
    %swap3A = arith.constant 0 : index
    %swap3A_32 = arith.constant 0 : index
    %swap3A_33 = vector.load %arg3[%swap3A, %swap3A_32] : memref<1x1xf32, #tpu.memory_space<vmem>>, vector<1x1xf32>
    tpu.vector_store %arg3[%swap3A, %swap3A_32], %reshape3A {strides = array<i32>} : memref<1x1xf32, #tpu.memory_space<vmem>>, vector<1x1xf32>,
    return
  }
}

</mosaic_0001>

<sc_bundles>
// kernel: kernel.5.cloned.1.call-start
scs
__scs_entry_jumppad:
0x0: {  	(pc) =	sbr.rel $0x88, $3  }
0x1: {  	(tag) =	ssettag $0x0;
	lr =	simm.s32 $0x1  }
0x2: {  	[smem:$0x3F9F] =	sst lr;
	_ =	strace $0xD0000000  }
0x3: {  	_ = 	snop  }
0x4: {  	_ = 	snop  }
0x5: {  	_ = 	snop  }
0x6: {  	_ = 	snop  }
0x7: {  	_ = 	snop  }
__scs_overlays_trampoline_lowered:
0x8: {  	[smem:$0x3FAE] =	sst s0  }
0x9: {  	[smem:$0x3FAF] =	sst s1  }
0xa: {  	[smem:$0x3FB0] =	sst s2  }
0xb: {  	[smem:$0x3FB1] =	sst s3  }
0xc: {  	[smem:$0x3FB2] =	sst s4  }
0xd: {  	[smem:$0x3FB3] =	sst s5  }
0xe: {  	[smem:$0x3FB4] =	sst s6  }
0xf: {  	[smem:$0x3FB5] =	sst s7  }
0x10: {  	[smem:$0x3FB6] =	sst s8  }
0x11: {  	[smem:$0x3FB7] =	sst s9;
	s0 =	simm.s32 @!p0 $0x0  }
0x12: {  	s1 =	sld [smem:$0x3F9D];
	s0 =	simm.s32 @p0 $0x1  }
0x13: {  	[smem:$0x3FB8] =	sst s0;
	s0 =	simm.s32 @!p1 $0x0  }
0x14: {  	s2 =	sld [smem:$0x3F9C];
	s0 =	simm.s32 @p1 $0x1  }
0x15: {  	[smem:$0x3FB9] =	sst s0;
	s0 =	simm.s32 @!p2 $0x0  }
0x16: {  	s3 =	sld [smem:$0x3FDB];
	s0 =	simm.s32 @p2 $0x1  }
0x17: {  	s4 =	simm.s32 $0x1BF5;
	[smem:$0x3FBB] =	sst s0  }
0x18: {  	s0 =	sld [smem:$0x3F9E];
	_ =	swait.ge [sflag:s4], $0x0  }
0x19: {  	s7 =	sld [smem:$0x3F9F]  }
0x1a: {  	s8 =	sadd.s32 $0xFFFFE003, lr  }
0x1b: {  	s9 =	sadd.s32 $0xFFFFFEF7, lr;
	s5 =	simm.s32 $0xFFFFFFFF;
	p2 =	slt.u32 s8, $0xFFFFF086  }
0x1c: {  	p1 =	slt.u32 s9, $0xF7A;
	s5 =	simm.s32 @!p2 $0x0  }
0x1d: {  	s5 =	simm.s32 @p1 $0x1;
	p0 =	seq.s32 s7, s2  }
0x1e: {  	s7 =	smul.u32 @!p0 $0xF7A, s2;
	p2 =	seq.s32 @!p0 s5, $0x0  }
0x1f: {  	s9 =	smul.u32 $0xF7A, s1;
	s8 =	simm.s32 @!p0 $0x1BF5;
	p2 =	por !p2, p0  }
0x20: {  	[sflag:s8] =	ssyncset.s32 @!p0 $0xFFFFF086;
	s6 =	sadd.s32 @!p0 s3, s7;
	s7 =	simm.s32 @!p0 $0x108  }
0x21: {  	s3 =	sadd.s32 s3, s9;
	s6 =	sadd.s32 @!p0 $0x88, s6;
	s7 =	simm.s32 @p2 $0x1082  }
0x22: {  	[simem:s7], [sflag:s8] =	dma.local @!p0 [hbm:s6], $0xF7A  }
0x23: {  	s9 =	sor.u32 $0xD0000000, s2;
	s6 =	simm.s32 $0x108;
	_ =	swait.ge @!p0 [sflag:s8], $0x0  }
0x24: {  	s3 =	sadd.s32 $0x88, s3;
	s6 =	simm.s32 @!p1 $0x1082;
	[sflag:s4] =	ssyncset.s32 $0xFFFFF086  }
0x25: {  	[simem:s6], [sflag:s4] =	dma.local [hbm:s3], $0xF7A  }
0x26: {  	[smem:$0x3F9F] =	sst s1;
	(tag) =	ssettag s2;
	_ =	strace s9  }
0x27: {  	s1 =	sld [smem:$0x3FAF]  }
0x28: {  	s2 =	sld [smem:$0x3FB0]  }
0x29: {  	s4 =	sld [smem:$0x3FB2]  }
0x2a: {  	p0 =	seq.s32 s5, $0x0;
	s5 =	sld [smem:$0x3FB3]  }
0x2b: {  	s6 =	sld [smem:$0x3FB4]  }
0x2c: {  	s7 =	sld [smem:$0x3FB5]  }
0x2d: {  	s3 =	simm.s32 $0x108;
	s8 =	sld [smem:$0x3FB6]  }
0x2e: {  	s3 =	simm.s32 @!p0 $0x1082;
	s9 =	sld [smem:$0x3FB7]  }
0x2f: {  	lr =	sadd.s32 s0, s3;
	s0 =	sld [smem:$0x3FAE]  }
0x30: {  	s3 =	sld [smem:$0x3FB1]  }
0x31: {  	[smem:$0x3FBA] =	sst s10  }
0x32: {  	s10 =	sld [smem:$0x3FB8];
	_ =	sdelay $0x3  }
0x33: {  	p0 =	seq.s32 s10, $0x1;
	s10 =	sld [smem:$0x3FBA];
	_ =	sdelay $0x3  }
0x34: {  	[smem:$0x3FBA] =	sst s10  }
0x35: {  	s10 =	sld [smem:$0x3FB9];
	_ =	sdelay $0x3  }
0x36: {  	p1 =	seq.s32 s10, $0x1;
	s10 =	sld [smem:$0x3FBA];
	_ =	sdelay $0x3  }
0x37: {  	[smem:$0x3FBA] =	sst s10  }
0x38: {  	s10 =	sld [smem:$0x3FBB]  }
0x39: {  	_ = 	snop;
	(pc) =	sbr.ind lr, $3  }
0x3a: {  	_ = 	snop  }
0x3b: {  	_ = 	snop  }
0x3c: {  	p2 =	seq.s32 s10, $0x1;
	s10 =	sld [smem:$0x3FBA]  }
0x3d: {  	_ =	shalt  }
0x3e: {  	_ =	shalt  }
0x3f: {  	_ =	shalt  }
0x40: {  	_ =	shalt  }
0x41: {  	_ =	shalt  }
0x42: {  	_ =	shalt  }
0x43: {  	_ =	shalt  }
0x44: {  	_ =	shalt  }
0x45: {  	_ =	shalt  }
0x46: {  	_ =	shalt  }
0x47: {  	_ =	shalt  }
0x48: {  	_ =	shalt  }
0x49: {  	_ =	shalt  }
0x4a: {  	_ =	shalt  }
0x4b: {  	_ =	shalt  }
0x4c: {  	_ =	shalt  }
0x4d: {  	_ =	shalt  }
0x4e: {  	_ =	shalt  }
0x4f: {  	_ =	shalt  }
0x50: {  	_ =	shalt  }
0x51: {  	_ =	shalt  }
0x52: {  	_ =	shalt  }
0x53: {  	_ =	shalt  }
0x54: {  	_ =	shalt  }
0x55: {  	_ =	shalt  }
0x56: {  	_ =	shalt  }
0x57: {  	_ =	shalt  }
0x58: {  	_ =	shalt  }
0x59: {  	_ =	shalt  }
0x5a: {  	_ =	shalt  }
0x5b: {  	_ =	shalt  }
0x5c: {  	_ =	shalt  }
0x5d: {  	_ =	shalt  }
0x5e: {  	_ =	shalt  }
0x5f: {  	_ =	shalt  }
0x60: {  	_ =	shalt  }
0x61: {  	_ =	shalt  }
0x62: {  	_ =	shalt  }
0x63: {  	_ =	shalt  }
0x64: {  	_ =	shalt  }
0x65: {  	_ =	shalt  }
0x66: {  	_ =	shalt  }
0x67: {  	_ =	shalt  }
0x68: {  	_ =	shalt  }
0x69: {  	_ =	shalt  }
0x6a: {  	_ =	shalt  }
0x6b: {  	_ =	shalt  }
0x6c: {  	_ =	shalt  }
0x6d: {  	_ =	shalt  }
0x6e: {  	_ =	shalt  }
0x6f: {  	_ =	shalt  }
0x70: {  	_ =	shalt  }
0x71: {  	_ =	shalt  }
0x72: {  	_ =	shalt  }
0x73: {  	_ =	shalt  }
0x74: {  	_ =	shalt  }
0x75: {  	_ =	shalt  }
0x76: {  	_ =	shalt  }
0x77: {  	_ =	shalt  }
0x78: {  	_ =	shalt  }
0x79: {  	_ =	shalt  }
0x7a: {  	_ =	shalt  }
0x7b: {  	_ =	shalt  }
0x7c: {  	_ =	shalt  }
0x7d: {  	_ =	shalt  }
0x7e: {  	_ =	shalt  }
0x7f: {  	_ =	shalt  }
0x80: {  	_ =	shalt  }
0x81: {  	_ =	shalt  }
0x82: {  	_ =	shalt  }
0x83: {  	_ =	shalt  }
0x84: {  	_ =	shalt  }
0x85: {  	_ =	shalt  }
0x86: {  	_ =	shalt  }
0x87: {  	_ =	shalt  }
.Lfunc_end0:
.L_simem_size_0:
called_computation_lowered:
.L_overlay_start_0:
0x88: {  	s2 =	sld [smem:$0x3FD9]  }
0x89: {  	s3 =	sld [smem:$0x3FFE];
	_ =	sdelay $0x1  }
0x8a: {  	s1 =	srdreg.scid  }
0x8b: {  	s0 =	sand.u32 $0x1, s1  }
0x8c: {  	s17 =	sshll.u32 s0, $0xA;
	s2 =	sadd.s32 s3, s2  }
0x8d: {  	s2 =	sadd.s32 s2, s17  }
0x8e: {  	[smem:$0x3FC6] =	sst s2  }
0x8f: {  	_ = 	snop  }
0x90: {  	s2 =	sld [smem:$0x3FC9]  }
0x91: {  	s18 =	sld [smem:$0x3FC8];
	(tm) =	ssettm $0x1  }
0x92: {  	s4 =	sld [smem:$0x3FFB];
	_ =	sdelay $0x3  }
0x93: {  	_ =	strace s4  }
0x94: {  	s4 =	sld [smem:$0x3FFC];
	_ =	sdelay $0x3  }
0x95: {  	_ =	strace s4  }
0x96: {  	s4 =	sld [smem:$0x3FFD];
	_ =	sdelay $0x3  }
0x97: {  	_ =	strace s4  }
0x98: {  	_ =	strace $0x8FFFFFFF  }
0x99: {  	s19 =	sld [smem:$0x3FDB];
	_ =	sdelay $0x1  }
0x9a: {  	s5 =	simm.s32 $_scs_section_size  }
0x9b: {  	s6 =	simm.s32 $_size__tile_overlayer_lowered;
	s7 =	simm.s32 $_tile_overlayer_lowered  }
0x9c: {  	s22 =	simm.s32 $0x1BFF;
	s21 =	sshll.u32 s7, $0x1;
	s4 =	sadd.s32 s5, s19  }
0x9d: {  	s8 =	simm.s32 $0x0;
	s20 =	sshll.u32 s6, $0x1;
	s6 =	sadd.s32 s21, s4  }
0x9e: {  	[timem:s8], [sflag:s22] =	dma.local [hbm:s6], s20  }
0x9f: {  	_ =	swait.ge [sflag:s22], s20  }
0xa0: {  	s5 =	ssub.s32 $0x0, s20;
	[sflag:s22] =	ssyncset.done $0x0  }
0xa1: {  	[sflag:s22] =	ssyncadd.s32 s5;
	_ =	sdelay $0x1  }
0xa2: {  	s23 =	simm.s32 $0x1B8B  }
0xa3: {  	_ =	swait.ge [sflag:s23], $0x1  }
0xa4: {  	[sflag:s23] =	ssyncset.done $0x0  }
0xa5: {  	s25 =	simm.s32 $0x1B8E;
	s24 =	sld [smem:$0x3FFE];
	[sflag:s23] =	ssyncadd.s32 $0xFFFFFFFF  }
0xa6: {  	s26 =	simm.s32 $execute0_lowered;
	[smem:$0x3FD2] =	sst s25  }
0xa7: {  	s6 =	sshll.u32 s26, $0x1;
	_ =	strace $0x80000046;
	[dreg:$0x1] =	wrdreg $0xFFFFFFFF  }
0xa8: {  	s28 =	simm.s32 $_size_execute0_lowered;
	s4 =	sadd.s32 s4, s6;
	[dreg:$0x0] =	wrdreg $0x0  }
0xa9: {  	s6 =	sshll.u32 s28, $0x1;
	[dreg:$0x2] =	wrdreg s4  }
0xaa: {  	[dreg:$0x3] =	wrdreg s6  }
0xab: {  	[dreg:$0x4] =	wrdreg $0xC0  }
0xac: {  	_ =	task [dreg:s8], $0x5FFFF  }
0xad: {  	[dreg:$0x1] =	wrdreg $0xFFFFFFFF  }
0xae: {  	[dreg:$0x0] =	wrdreg $0x60  }
0xaf: {  	[dreg:$0x2] =	wrdreg s2  }
0xb0: {  	[dreg:$0x3] =	wrdreg s18  }
0xb1: {  	[dreg:$0x4] =	wrdreg s24  }
0xb2: {  	[dreg:$0x5] =	wrdreg $0x128800  }
0xb3: {  	[dreg:$0x6] =	wrdreg $0x9  }
0xb4: {  	_ =	task.clear_ibuf [dreg:s8], $0x7FFFF;
	_ =	strace $0x90000046  }
0xb5: {  	s29 =	simm.s32 $0x9;
	_ =	strace $0x80000048  }
0xb6: {  	_ =	swait.ge [sflag:s29], $0x1  }
0xb7: {  	[sflag:s29] =	ssyncadd.s32 $0xFFFFFFFF  }
0xb8: {  	_ =	strace $0x90000048  }
0xb9: {  	_ =	sfence  }
0xba: {  	s30 =	sld [smem:$0x0];
	_ =	sdelay $0x2  }
0xbb: {  	s31 =	sshll.u32 s1, $0xD;
	s1 =	sshrl.u32 s1, $0x2  }
0xbc: {  	s3 =	sand.u32 $0x4000, s31;
	s1 =	sadd.s32 s1, s30  }
0xbd: {  	s0 =	sor.u32 s3, s0;
	s1 =	sshll.u32 s1, $0x11  }
0xbe: {  	s0 =	sor.u32 s1, s0  }
0xbf: {  	s0 =	sadd.s32 $0x8F2B, s0  }
0xc0: {  	[sflag:s0] =	ssyncadd.remote.s32 $0x1  }
0xc1: {  	_ =	sfence.sel $0xFFFF  }
0xc2: {  	[dreg:$0x0] =	wrdreg $0xFFFFFFFF;
	(pc) =	sbr.abs _section_cstart, $3  }
0xc3: {  	[dreg:$0x1] =	wrdreg $0xFFFFFFFF  }
0xc4: {  	_ =	task.clear_ibuf [dreg:s8], $0x2FFFF;
	_ =	strace $0x9FFFFFFF  }
0xc5: {  	(tm) =	ssettm $0x7FFFFFFF  }
tec
execute0_lowered:
.L_overlay_start_1:
0x0: {  	(tag) =	ssettag $0x1  }
0x1: {  	s0 =	rddreg [dreg:$0x0]  }
0x2: {  	s1 =	rddreg [dreg:$0x1]  }
0x3: {  	s2 =	rddreg [dreg:$0x2];
	s3 =	srdreg.scid  }
0x4: {  	s10 =	stileid.u32;
	s4 =	rddreg [dreg:$0x3];
	s7 =	simm.s32 $0x0  }
0x5: {  	s30 =	simm.s32 $0x3;
	s31 =	simm.s32 $0x2;
	s5 =	smul.u32 $0x510, s10  }
0x6: {  	s29 =	simm.s32 $0x0;
	s3 =	sand.u32 $0x1, s3;
	s25 =	smul.u32 $0x14400, s10  }
0x7: {  	[smem:$0x7FF] =	sst s7;
	s20 =	sshll.u32 s10, $0x8;
	s6 =	smul.u32 $0x5100, s3  }
0x8: {  	s8 =	sshll.u32 s3, $0x7;
	_ =	strace $0x80000047;
	s3 =	ssub.s32 $0x2, s3  }
0x9: {  	s7 =	sor.u32 s8, s20;
	s21 =	sshrl.u32 s3, $0x1;
	s28 =	sshrl.u32 s25, $0x2  }
0xa: {  	s6 =	sadd.s32 s5, s6;
	s8 =	sor.u32 $0xF000, s7;
	s3 =	ssub.s32 s3, s21  }
0xb: {  	v0 =	vimm.s32 $0xFEDCBA98;
	v1 =	vimm.s32 $0x76543210;
	s7 =	sor.u32 $0xF040, s7;
	s6 =	sshrl.u32 s6, $0x3;
	s9 =	sshll.u32 s8, $0x5  }
0xc: {  	v2 =	vimm.s32 $0xBA98FEDC;
	v3 =	vimm.s32 $0x32107654;
	v4 =	vimm.s32 $0xDCFE98BA;
	s23 =	sshrl.u32 s8, $0x3;
	s24 =	sshll.u32 s7, $0x5;
	s26 =	sshrl.u32 s7, $0x3  }
0xd: {  	v5 =	vimm.s32 $0x54761032;
	v6 =	vimm.s32 $0xEFCDAB89;
	v7 =	vimm.s32 $0x67452301;
	s25 =	smax.u32 s3, $0x1;
	s2 =	sadd.s32 s6, s2;
	s22 =	sadd.s32 s0, s9  }
0xe: {  	v0 =	vunpack.c.l.s4.s8 v0;
	v1 =	vunpack.c.l.s4.s8 v1;
	v2 =	vunpack.c.l.s4.s8 v2;
	s6 =	sadd.s32 s1, s23;
	s0 =	sadd.s32 s0, s24;
	[dreg:$0x5] =	wrdreg s22  }
0xf: {  	v3 =	vunpack.c.l.s4.s8 v3;
	v4 =	vunpack.c.l.s4.s8 v4;
	v5 =	vunpack.c.l.s4.s8 v5;
	s23 =	sadd.s32 s1, s26;
	s24 =	sadd.s32 s28, s4;
	[dreg:$0x6] =	wrdreg s6  }
0x10: {  	v6 =	vunpack.c.l.s4.s8 v6;
	v7 =	vunpack.c.l.s4.s8 v7;
	v0 =	vunpack.c.0.s8.s32 v0;
	s1 =	simm.s32 $0x4;
	s26 =	simm.s32 $0x1;
	[dreg:$0x7] =	wrdreg s0  }
0x11: {  	v2 =	vunpack.c.0.s8.s32 v2;
	v3 =	vunpack.c.0.s8.s32 v3;
	v4 =	vunpack.c.0.s8.s32 v4;
	s6 =	sadd.s32 s5, s4;
	s20 =	sadd.s32 $0x800, s2;
	s2 =	simm.s32 $0x5  }
0x12: {  	v5 =	vunpack.c.0.s8.s32 v5;
	v6 =	vunpack.c.0.s8.s32 v6;
	v7 =	vunpack.c.0.s8.s32 v7;
	s7 =	sadd.s32 $0x5100, s6;
	s8 =	sadd.s32 $0xA200, s6;
	s9 =	sadd.s32 $0xF300, s6  }
0x13: {  	v1 =	vunpack.c.0.s8.s32 v1;
	v2 =	vcombine.low v3, v2;
	s10 =	sadd.s32 $0x14400, s6;
	s11 =	sadd.s32 $0x19500, s6;
	s12 =	sadd.s32 $0x1E600, s6  }
0x14: {  	v3 =	vcombine.low v5, v4;
	v4 =	vand.u32 $0xF, v0;
	v5 =	vcombine.low v7, v6;
	s13 =	sadd.s32 $0x23700, s6;
	s14 =	sadd.s32 $0x28800, s6;
	s15 =	sadd.s32 $0x2D900, s6  }
0x15: {  	v0 =	vimm.f32 $0.0e+00;
	v1 =	vcombine.low v4, v1;
	s16 =	sadd.s32 $0x32A00, s6;
	s17 =	sadd.s32 $0x37B00, s6;
	s18 =	sadd.s32 $0x3CC00, s6  }
0x16: {  	v2 =	vand.u32 $0xF, v2;
	v3 =	vand.u32 $0xF, v3;
	v4 =	vand.u32 $0xF, v5;
	s19 =	sadd.s32 $0x41D00, s6;
	s21 =	sadd.s32 $0x46E00, s6;
	s22 =	sadd.s32 $0x4BF00, s6  }
.LBB2_1:
0x17: {  	s0 =	simm.s32 $0x0;
	s3 =	simm.s32 $0x200  }
.LBB2_2:
0x18: {  	p0 =	sne.s32 s3, $0x14200;
	[tilespmem:s0+$0x8170] =	vst v0  }
0x19: {  	[tilespmem:s0+$0x8100] =	vst v0  }
0x1a: {  	[tilespmem:s0+$0x8110] =	vst v0  }
.Ltmp0:
0x1b: {  	[tilespmem:s0+$0x8120] =	vst v0;
	(pc) =	sbr.rel @p0 .LBB2_2-.Ltmp0, $4  }
0x1c: {  	[tilespmem:s0+$0x8130] =	vst v0  }
0x1d: {  	[tilespmem:s0+$0x8140] =	vst v0  }
0x1e: {  	[tilespmem:s0+$0x8150] =	vst v0  }
0x1f: {  	[tilespmem:s0+$0x8160] =	vst v0;
	s0 =	sshra.s32 s3, $0x2;
	s3 =	sadd.s32 $0x200, s3  }
0x20: {  	[tilespmem:s0+$0x8170] =	vst v0  }
0x21: {  	[tilespmem:s0+$0x8100] =	vst v0  }
0x22: {  	[tilespmem:s0+$0x8110] =	vst v0  }
0x23: {  	[tilespmem:s0+$0x8120] =	vst v0  }
0x24: {  	[tilespmem:s0+$0x8130] =	vst v0  }
0x25: {  	[tilespmem:s0+$0x8140] =	vst v0  }
0x26: {  	[tilespmem:s0+$0x8150] =	vst v0  }
0x27: {  	[tilespmem:s0+$0x8160] =	vst v0;
	s0 =	simm.s32 $0x0;
	s3 =	rddreg [dreg:$0x5];
	s4 =	simm.s32 $0x100  }
0x28: {  	[tilespmem:s4], [sflag:$0x1] =	stream.linear.gather [hbm4b:s3+s0], $0x4000, $0x38;
	[tilespmem:$0x17980] =	vst v63  }
0x29: {  	s5 =	rddreg [dreg:$0x6]  }
0x2a: {  	[tilespmem:s0], [sflag:$0x3] =	stream.linear.gather [hbm4b:s5+s0], $0x40, $0x38;
	[tilespmem:$0x17980] =	vst v63  }
0x2b: {  	s4 =	rddreg [dreg:$0x7];
	s5 =	simm.s32 $0x4100  }
0x2c: {  	[tilespmem:s5], [sflag:$0x2] =	stream.linear.gather [hbm4b:s4+s0], $0x4000, $0x38;
	[tilespmem:$0x17980] =	vst v63  }
0x2d: {  	s28 =	simm.s32 $0x1;
	s5 =	simm.s32 $0x80  }
0x2e: {  	[tilespmem:s5], [sflag:$0x4] =	stream.linear.gather [hbm4b:s23+s0], $0x40, $0x38;
	[tilespmem:$0x17980] =	vst v63  }
0x2f: {  	_ =	swait.ge [sflag:s28], $0x4000  }
0x30: {  	[sflag:s28] =	ssyncset.done $0x0  }
0x31: {  	[sflag:s28] =	ssyncadd.s32 $0xFFFFC000  }
0x32: {  	_ =	swait.ge [sflag:s30], $0x40  }
0x33: {  	[sflag:s30] =	ssyncset.done $0x0  }
0x34: {  	s3 =	simm.s32 $0x0;
	[sflag:s30] =	ssyncadd.s32 $0xFFFFFFC0  }
.LBB2_4:
0x35: {  	s4 =	sand.u32 $0x3800, s3;
	s5 =	sand.u32 $0x300, s0  }
0x36: {  	s4 =	sor.u32 s5, s4  }
0x37: {  	v5 =	vld [tilespmem:s4+$0x100]  }
0x38: {  	v6 =	vld [tilespmem:s4+$0x110];
	_ =	sdelay $0x1  }
0x39: {  	v7 =	vld [tilespmem:s4+$0x120];
	_ =	sdelay $0x1  }
0x3a: {  	v8 =	vld [tilespmem:s4+$0x130]  }
0x3b: {  	v9 =	vmul.f32 v5, v5;
	v10 =	vmul.f32 v6, v6  }
0x3c: {  	v11 =	vld [tilespmem:s4+$0x140]  }
0x3d: {  	v48 =	vmul.f32 v7, v7;
	v9 =	vadd.f32 v10, v9  }
0x3e: {  	v12 =	vld [tilespmem:s4+$0x150]  }
0x3f: {  	v49 =	vmul.f32 v8, v8;
	v9 =	vadd.f32 v48, v9  }
0x40: {  	v13 =	vld [tilespmem:s4+$0x160]  }
0x41: {  	v50 =	vmul.f32 v11, v11;
	v9 =	vadd.f32 v49, v9  }
0x42: {  	v14 =	vld [tilespmem:s4+$0x170]  }
0x43: {  	v51 =	vmul.f32 v12, v12;
	v9 =	vadd.f32 v50, v9  }
0x44: {  	v15 =	vld [tilespmem:s4+$0x500]  }
0x45: {  	v52 =	vmul.f32 v13, v13;
	v9 =	vadd.f32 v51, v9  }
0x46: {  	v16 =	vld [tilespmem:s4+$0x510]  }
0x47: {  	v53 =	vmul.f32 v14, v14;
	v9 =	vadd.f32 v52, v9  }
0x48: {  	v17 =	vld [tilespmem:s4+$0x520]  }
0x49: {  	v54 =	vmul.f32 v15, v15;
	v9 =	vadd.f32 v53, v9  }
0x4a: {  	v18 =	vld [tilespmem:s4+$0x530]  }
0x4b: {  	v55 =	vmul.f32 v16, v16;
	v9 =	vadd.f32 v54, v9  }
0x4c: {  	v19 =	vld [tilespmem:s4+$0x540]  }
0x4d: {  	v56 =	vmul.f32 v17, v17;
	v9 =	vadd.f32 v55, v9  }
0x4e: {  	v20 =	vld [tilespmem:s4+$0x550]  }
0x4f: {  	v57 =	vmul.f32 v18, v18;
	v9 =	vadd.f32 v56, v9  }
0x50: {  	v21 =	vld [tilespmem:s4+$0x560]  }
0x51: {  	v58 =	vmul.f32 v19, v19;
	v9 =	vadd.f32 v57, v9  }
0x52: {  	v22 =	vld [tilespmem:s4+$0x570]  }
0x53: {  	v59 =	vmul.f32 v20, v20;
	v9 =	vadd.f32 v58, v9;
	_ =	sdelay $0x1  }
0x54: {  	v60 =	vmul.f32 v21, v21;
	v9 =	vadd.f32 v59, v9;
	_ =	sdelay $0x1  }
0x55: {  	v61 =	vmul.f32 v22, v22;
	v9 =	vadd.f32 v60, v9;
	_ =	sdelay $0x1  }
0x56: {  	v9 =	vadd.f32 v61, v9;
	_ =	sdelay $0x1  }
0x57: {  	v10 =	vperm.xlane v9, v1;
	_ =	sdelay $0x1  }
0x58: {  	v9 =	vadd.f32 v9, v10;
	_ =	sdelay $0x1  }
0x59: {  	v10 =	vperm.xlane v9, v2;
	_ =	sdelay $0x1  }
0x5a: {  	v9 =	vadd.f32 v9, v10;
	_ =	sdelay $0x1  }
0x5b: {  	v10 =	vperm.xlane v9, v3;
	_ =	sdelay $0x1  }
0x5c: {  	v9 =	vadd.f32 v9, v10;
	_ =	sdelay $0x1  }
0x5d: {  	v10 =	vperm.xlane v9, v4;
	_ =	sdelay $0x1  }
0x5e: {  	v9 =	vadd.f32 v9, v10;
	_ =	sdelay $0x1  }
0x5f: {  	v23 =	vld [tilespmem:s28+$0xFFFFFFFF];
	v10 =	vshrl.u32 v9, $0x1;
	v9 =	vmul.f32 $5.000000000e-01, v9  }
0x60: {  	v10 =	vsub.s32 $0x5F3759DF, v10  }
0x61: {  	v24 =	vmul.f32 v10, v9;
	_ =	sdelay $0x1  }
0x62: {  	v24 =	vmul.f32 v10, v24  }
0x63: {  	(v2sf) =	vpush v23, $0x0  }
0x64: {  	v62 =	vsub.f32 $1.500000000e+00, v24;
	_ =	sdelay $0x1  }
0x65: {  	v10 =	vmul.f32 v10, v62;
	_ =	sdelay $0x1  }
0x66: {  	v23 =	vmul.f32 v10, v9;
	_ =	sdelay $0x1  }
0x67: {  	v23 =	vmul.f32 v23, v10;
	_ =	sdelay $0x1  }
0x68: {  	v23 =	vsub.f32 $1.500000000e+00, v23;
	_ =	sdelay $0x1  }
0x69: {  	v10 =	vmul.f32 v23, v10;
	_ =	sdelay $0x1  }
0x6a: {  	v9 =	vmul.f32 v10, v9;
	_ =	sdelay $0x1  }
0x6b: {  	s5 =	spop (v2sf);
	v9 =	vmul.f32 v9, v10  }
0x6c: {  	s5 =	sshll.u32 s5, $0xA  }
0x6d: {  	s5 =	sshra.s32 s5, $0x2;
	v9 =	vsub.f32 $1.500000000e+00, v9  }
0x6e: {  	v63 =	vld [tilespmem:s5+$0x8100]  }
0x6f: {  	v28 =	vld [tilespmem:s5+$0x8110];
	v9 =	vmul.f32 v9, v10  }
0x70: {  	v29 =	vld [tilespmem:s5+$0x8120]  }
0x71: {  	v25 =	vld [tilespmem:s5+$0x8130];
	v5 =	vmul.f32 v9, v5  }
0x72: {  	v26 =	vld [tilespmem:s5+$0x8140];
	v6 =	vmul.f32 v9, v6  }
0x73: {  	v30 =	vld [tilespmem:s5+$0x8150];
	v7 =	vmul.f32 v9, v7;
	v5 =	vadd.f32 v5, v63  }
0x74: {  	v31 =	vld [tilespmem:s5+$0x8160];
	v8 =	vmul.f32 v9, v8;
	v6 =	vadd.f32 v6, v28  }
0x75: {  	v32 =	vld [tilespmem:s5+$0x8170];
	[tilespmem:s5+$0x8100] =	vst v5;
	v5 =	vadd.f32 v7, v29;
	v7 =	vmul.f32 v9, v11  }
0x76: {  	v34 =	vld [tilespmem:s5+$0x8180];
	v33 =	vmul.f32 v9, v12;
	[tilespmem:s5+$0x8110] =	vst v6;
	v6 =	vadd.f32 v8, v25  }
0x77: {  	v35 =	vld [tilespmem:s5+$0x8190];
	[tilespmem:s5+$0x8120] =	vst v5;
	v5 =	vadd.f32 v7, v26;
	v7 =	vmul.f32 v9, v13  }
0x78: {  	v37 =	vld [tilespmem:s5+$0x81A0];
	v36 =	vmul.f32 v9, v14;
	[tilespmem:s5+$0x8130] =	vst v6;
	v6 =	vadd.f32 v33, v30  }
0x79: {  	v38 =	vld [tilespmem:s5+$0x81B0];
	[tilespmem:s5+$0x8140] =	vst v5;
	v5 =	vadd.f32 v7, v31;
	v7 =	vmul.f32 v9, v15  }
0x7a: {  	v40 =	vld [tilespmem:s5+$0x81C0];
	v39 =	vmul.f32 v9, v16;
	[tilespmem:s5+$0x8150] =	vst v6;
	v6 =	vadd.f32 v36, v32  }
0x7b: {  	v41 =	vld [tilespmem:s5+$0x81D0];
	[tilespmem:s5+$0x8160] =	vst v5;
	v5 =	vadd.f32 v7, v34;
	v7 =	vmul.f32 v9, v17  }
0x7c: {  	v43 =	vld [tilespmem:s5+$0x81E0];
	v42 =	vmul.f32 v9, v18;
	[tilespmem:s5+$0x8170] =	vst v6;
	v6 =	vadd.f32 v35, v39  }
0x7d: {  	v44 =	vld [tilespmem:s5+$0x81F0];
	[tilespmem:s5+$0x8180] =	vst v5;
	v5 =	vadd.f32 v37, v7;
	v7 =	vmul.f32 v9, v19  }
0x7e: {  	v45 =	vmul.f32 v9, v20;
	[tilespmem:s5+$0x8190] =	vst v6;
	v6 =	vadd.f32 v38, v42  }
0x7f: {  	[tilespmem:s5+$0x81A0] =	vst v5;
	v5 =	vadd.f32 v40, v7;
	v7 =	vmul.f32 v9, v21  }
0x80: {  	v46 =	vmul.f32 v9, v22;
	[tilespmem:s5+$0x81B0] =	vst v6;
	v6 =	vadd.f32 v41, v45  }
0x81: {  	[tilespmem:s5+$0x81C0] =	vst v5;
	v5 =	vadd.f32 v43, v7  }
0x82: {  	[tilespmem:s5+$0x81D0] =	vst v6;
	v6 =	vadd.f32 v44, v46  }
0x83: {  	[tilespmem:s5+$0x81E0] =	vst v5  }
0x84: {  	[tilespmem:s5+$0x81F0] =	vst v6  }
0x85: {  	v5 =	vld [tilespmem:s4+$0x180]  }
0x86: {  	v6 =	vld [tilespmem:s4+$0x190];
	_ =	sdelay $0x1  }
0x87: {  	v7 =	vld [tilespmem:s4+$0x1A0];
	_ =	sdelay $0x1  }
0x88: {  	v8 =	vld [tilespmem:s4+$0x1B0]  }
0x89: {  	v47 =	vmul.f32 v5, v5;
	v48 =	vmul.f32 v6, v6  }
0x8a: {  	v49 =	vld [tilespmem:s4+$0x1C0]  }
0x8b: {  	v50 =	vmul.f32 v7, v7;
	v9 =	vadd.f32 v48, v47  }
0x8c: {  	v51 =	vld [tilespmem:s4+$0x1D0]  }
0x8d: {  	v52 =	vmul.f32 v8, v8;
	v9 =	vadd.f32 v50, v9  }
0x8e: {  	v53 =	vld [tilespmem:s4+$0x1E0]  }
0x8f: {  	v54 =	vmul.f32 v49, v49;
	v9 =	vadd.f32 v52, v9  }
0x90: {  	v55 =	vld [tilespmem:s4+$0x1F0]  }
0x91: {  	v56 =	vmul.f32 v51, v51;
	v9 =	vadd.f32 v54, v9  }
0x92: {  	v57 =	vld [tilespmem:s4+$0x580]  }
0x93: {  	v58 =	vmul.f32 v53, v53;
	v9 =	vadd.f32 v56, v9  }
0x94: {  	v59 =	vld [tilespmem:s4+$0x590]  }
0x95: {  	v60 =	vmul.f32 v55, v55;
	v9 =	vadd.f32 v58, v9  }
0x96: {  	v61 =	vld [tilespmem:s4+$0x5A0]  }
0x97: {  	v62 =	vmul.f32 v57, v57;
	v9 =	vadd.f32 v60, v9  }
0x98: {  	v63 =	vld [tilespmem:s4+$0x5B0]  }
0x99: {  	v28 =	vmul.f32 v59, v59;
	v9 =	vadd.f32 v62, v9  }
0x9a: {  	v29 =	vld [tilespmem:s4+$0x5C0]  }
0x9b: {  	v30 =	vmul.f32 v61, v61;
	v9 =	vadd.f32 v28, v9  }
0x9c: {  	v31 =	vld [tilespmem:s4+$0x5D0]  }
0x9d: {  	v32 =	vmul.f32 v63, v63;
	v9 =	vadd.f32 v30, v9  }
0x9e: {  	v33 =	vld [tilespmem:s4+$0x5E0]  }
0x9f: {  	v34 =	vmul.f32 v29, v29;
	v9 =	vadd.f32 v32, v9  }
0xa0: {  	v35 =	vld [tilespmem:s4+$0x5F0]  }
0xa1: {  	v36 =	vmul.f32 v31, v31;
	v9 =	vadd.f32 v34, v9;
	_ =	sdelay $0x1  }
0xa2: {  	v37 =	vmul.f32 v33, v33;
	v9 =	vadd.f32 v36, v9;
	_ =	sdelay $0x1  }
0xa3: {  	v38 =	vmul.f32 v35, v35;
	v9 =	vadd.f32 v37, v9;
	_ =	sdelay $0x1  }
0xa4: {  	v9 =	vadd.f32 v38, v9;
	_ =	sdelay $0x1  }
0xa5: {  	v10 =	vperm.xlane v9, v1;
	_ =	sdelay $0x1  }
0xa6: {  	v9 =	vadd.f32 v9, v10;
	_ =	sdelay $0x1  }
0xa7: {  	v10 =	vperm.xlane v9, v2;
	_ =	sdelay $0x1  }
0xa8: {  	v9 =	vadd.f32 v9, v10;
	_ =	sdelay $0x1  }
0xa9: {  	v10 =	vperm.xlane v9, v3;
	_ =	sdelay $0x1  }
0xaa: {  	v9 =	vadd.f32 v9, v10;
	_ =	sdelay $0x1  }
0xab: {  	v10 =	vperm.xlane v9, v4;
	_ =	sdelay $0x1  }
0xac: {  	v9 =	vadd.f32 v9, v10;
	_ =	sdelay $0x1  }
0xad: {  	v39 =	vld [tilespmem:s28+$0x0];
	v10 =	vshrl.u32 v9, $0x1;
	v9 =	vmul.f32 $5.000000000e-01, v9  }
0xae: {  	v10 =	vsub.s32 $0x5F3759DF, v10  }
0xaf: {  	v40 =	vmul.f32 v10, v9;
	_ =	sdelay $0x1  }
0xb0: {  	v24 =	vmul.f32 v10, v40  }
0xb1: {  	(v2sf) =	vpush v39, $0x0  }
0xb2: {  	v41 =	vsub.f32 $1.500000000e+00, v24;
	_ =	sdelay $0x1  }
0xb3: {  	v10 =	vmul.f32 v10, v41;
	_ =	sdelay $0x1  }
0xb4: {  	v23 =	vmul.f32 v10, v9;
	_ =	sdelay $0x1  }
0xb5: {  	v23 =	vmul.f32 v23, v10;
	_ =	sdelay $0x1  }
0xb6: {  	v23 =	vsub.f32 $1.500000000e+00, v23;
	_ =	sdelay $0x1  }
0xb7: {  	v10 =	vmul.f32 v23, v10;
	_ =	sdelay $0x1  }
0xb8: {  	v9 =	vmul.f32 v10, v9;
	_ =	sdelay $0x1  }
0xb9: {  	s5 =	spop (v2sf);
	v9 =	vmul.f32 v9, v10  }
0xba: {  	s4 =	sshll.u32 s5, $0xA  }
0xbb: {  	s4 =	sshra.s32 s4, $0x2;
	v9 =	vsub.f32 $1.500000000e+00, v9  }
0xbc: {  	v42 =	vld [tilespmem:s4+$0x8100]  }
0xbd: {  	v43 =	vld [tilespmem:s4+$0x8110];
	v9 =	vmul.f32 v9, v10  }
0xbe: {  	v44 =	vld [tilespmem:s4+$0x8120]  }
0xbf: {  	v45 =	vld [tilespmem:s4+$0x8130];
	v5 =	vmul.f32 v9, v5  }
0xc0: {  	v46 =	vld [tilespmem:s4+$0x8140];
	v6 =	vmul.f32 v9, v6  }
0xc1: {  	v47 =	vld [tilespmem:s4+$0x8150];
	v7 =	vmul.f32 v9, v7;
	v5 =	vadd.f32 v5, v42  }
0xc2: {  	v48 =	vld [tilespmem:s4+$0x8160];
	v8 =	vmul.f32 v9, v8;
	v6 =	vadd.f32 v6, v43  }
0xc3: {  	[tilespmem:s4+$0x8100] =	vst v5;
	v5 =	vadd.f32 v7, v44;
	v7 =	vmul.f32 v9, v49;
	v49 =	vld [tilespmem:s4+$0x8170]  }
0xc4: {  	v50 =	vmul.f32 v9, v51;
	v51 =	vld [tilespmem:s4+$0x8180];
	[tilespmem:s4+$0x8110] =	vst v6;
	v6 =	vadd.f32 v8, v45  }
0xc5: {  	v52 =	vld [tilespmem:s4+$0x8190];
	[tilespmem:s4+$0x8120] =	vst v5;
	v5 =	vadd.f32 v7, v46;
	v7 =	vmul.f32 v9, v53  }
0xc6: {  	v54 =	vld [tilespmem:s4+$0x81A0];
	[tilespmem:s4+$0x8130] =	vst v6;
	v6 =	vadd.f32 v50, v47;
	v53 =	vmul.f32 v9, v55  }
0xc7: {  	v55 =	vld [tilespmem:s4+$0x81B0];
	[tilespmem:s4+$0x8140] =	vst v5;
	v5 =	vadd.f32 v7, v48;
	v7 =	vmul.f32 v9, v57  }
0xc8: {  	v56 =	vmul.f32 v9, v59;
	[tilespmem:s4+$0x8150] =	vst v6;
	v57 =	vld [tilespmem:s4+$0x81C0];
	v6 =	vadd.f32 v53, v49  }
0xc9: {  	v58 =	vld [tilespmem:s4+$0x81D0];
	[tilespmem:s4+$0x8160] =	vst v5;
	v5 =	vadd.f32 v7, v51;
	v7 =	vmul.f32 v9, v61  }
0xca: {  	v60 =	vld [tilespmem:s4+$0x81E0];
	v59 =	vmul.f32 v9, v63;
	[tilespmem:s4+$0x8170] =	vst v6;
	v6 =	vadd.f32 v52, v56  }
0xcb: {  	v61 =	vld [tilespmem:s4+$0x81F0];
	[tilespmem:s4+$0x8180] =	vst v5;
	v5 =	vadd.f32 v54, v7;
	v7 =	vmul.f32 v9, v29  }
0xcc: {  	v62 =	vmul.f32 v9, v31;
	[tilespmem:s4+$0x8190] =	vst v6;
	v6 =	vadd.f32 v55, v59  }
0xcd: {  	p0 =	sne.s32 s3, $0x3E00;
	[tilespmem:s4+$0x81A0] =	vst v5;
	v5 =	vadd.f32 v57, v7;
	v7 =	vmul.f32 v9, v33  }
.Ltmp1:
0xce: {  	v63 =	vmul.f32 v9, v35;
	[tilespmem:s4+$0x81B0] =	vst v6;
	v6 =	vadd.f32 v58, v62;
	(pc) =	sbr.rel @p0 .LBB2_4-.Ltmp1, $4  }
0xcf: {  	[tilespmem:s4+$0x81C0] =	vst v5;
	v5 =	vadd.f32 v60, v7  }
0xd0: {  	[tilespmem:s4+$0x81D0] =	vst v6;
	v6 =	vadd.f32 v61, v63  }
0xd1: {  	[tilespmem:s4+$0x81E0] =	vst v5  }
0xd2: {  	s0 =	sadd.s32 $0x100, s0;
	s3 =	sadd.s32 $0x200, s3;
	s28 =	sadd.s32 $0x2, s28;
	[tilespmem:s4+$0x81F0] =	vst v6  }
0xd3: {  	_ =	swait.ge [sflag:s31], $0x4000  }
0xd4: {  	[sflag:s31] =	ssyncset.done $0x0  }
0xd5: {  	[sflag:s31] =	ssyncadd.s32 $0xFFFFC000  }
0xd6: {  	_ =	swait.ge [sflag:s1], $0x40  }
0xd7: {  	s0 =	simm.s32 $0x0;
	[sflag:s1] =	ssyncset.done $0x0  }
0xd8: {  	s28 =	simm.s32 $0x81;
	s3 =	simm.s32 $0x0;
	[sflag:s1] =	ssyncadd.s32 $0xFFFFFFC0  }
.LBB2_6:
0xd9: {  	s4 =	sand.u32 $0x3800, s3;
	s5 =	sand.u32 $0x300, s0  }
0xda: {  	s4 =	sor.u32 s5, s4  }
0xdb: {  	v5 =	vld [tilespmem:s4+$0x4100]  }
0xdc: {  	v6 =	vld [tilespmem:s4+$0x4110];
	_ =	sdelay $0x1  }
0xdd: {  	v7 =	vld [tilespmem:s4+$0x4120];
	_ =	sdelay $0x1  }
0xde: {  	v8 =	vld [tilespmem:s4+$0x4130]  }
0xdf: {  	v9 =	vmul.f32 v5, v5;
	v10 =	vmul.f32 v6, v6  }
0xe0: {  	v11 =	vld [tilespmem:s4+$0x4140]  }
0xe1: {  	v48 =	vmul.f32 v7, v7;
	v9 =	vadd.f32 v10, v9  }
0xe2: {  	v12 =	vld [tilespmem:s4+$0x4150]  }
0xe3: {  	v49 =	vmul.f32 v8, v8;
	v9 =	vadd.f32 v48, v9  }
0xe4: {  	v13 =	vld [tilespmem:s4+$0x4160]  }
0xe5: {  	v50 =	vmul.f32 v11, v11;
	v9 =	vadd.f32 v49, v9  }
0xe6: {  	v14 =	vld [tilespmem:s4+$0x4170]  }
0xe7: {  	v51 =	vmul.f32 v12, v12;
	v9 =	vadd.f32 v50, v9  }
0xe8: {  	v15 =	vld [tilespmem:s4+$0x4500]  }
0xe9: {  	v52 =	vmul.f32 v13, v13;
	v9 =	vadd.f32 v51, v9  }
0xea: {  	v16 =	vld [tilespmem:s4+$0x4510]  }
0xeb: {  	v53 =	vmul.f32 v14, v14;
	v9 =	vadd.f32 v52, v9  }
0xec: {  	v17 =	vld [tilespmem:s4+$0x4520]  }
0xed: {  	v54 =	vmul.f32 v15, v15;
	v9 =	vadd.f32 v53, v9  }
0xee: {  	v18 =	vld [tilespmem:s4+$0x4530]  }
0xef: {  	v55 =	vmul.f32 v16, v16;
	v9 =	vadd.f32 v54, v9  }
0xf0: {  	v19 =	vld [tilespmem:s4+$0x4540]  }
0xf1: {  	v56 =	vmul.f32 v17, v17;
	v9 =	vadd.f32 v55, v9  }
0xf2: {  	v20 =	vld [tilespmem:s4+$0x4550]  }
0xf3: {  	v57 =	vmul.f32 v18, v18;
	v9 =	vadd.f32 v56, v9  }
0xf4: {  	v21 =	vld [tilespmem:s4+$0x4560]  }
0xf5: {  	v58 =	vmul.f32 v19, v19;
	v9 =	vadd.f32 v57, v9  }
0xf6: {  	v22 =	vld [tilespmem:s4+$0x4570]  }
0xf7: {  	v59 =	vmul.f32 v20, v20;
	v9 =	vadd.f32 v58, v9;
	_ =	sdelay $0x1  }
0xf8: {  	v60 =	vmul.f32 v21, v21;
	v9 =	vadd.f32 v59, v9;
	_ =	sdelay $0x1  }
0xf9: {  	v61 =	vmul.f32 v22, v22;
	v9 =	vadd.f32 v60, v9;
	_ =	sdelay $0x1  }
0xfa: {  	v9 =	vadd.f32 v61, v9;
	_ =	sdelay $0x1  }
0xfb: {  	v10 =	vperm.xlane v9, v1;
	_ =	sdelay $0x1  }
0xfc: {  	v9 =	vadd.f32 v9, v10;
	_ =	sdelay $0x1  }
0xfd: {  	v10 =	vperm.xlane v9, v2;
	_ =	sdelay $0x1  }
0xfe: {  	v9 =	vadd.f32 v9, v10;
	_ =	sdelay $0x1  }
0xff: {  	v10 =	vperm.xlane v9, v3;
	_ =	sdelay $0x1  }
0x100: {  	v9 =	vadd.f32 v9, v10;
	_ =	sdelay $0x1  }
0x101: {  	v10 =	vperm.xlane v9, v4;
	_ =	sdelay $0x1  }
0x102: {  	v9 =	vadd.f32 v9, v10;
	_ =	sdelay $0x1  }
0x103: {  	v23 =	vld [tilespmem:s28+$0xFFFFFFFF];
	v10 =	vshrl.u32 v9, $0x1;
	v9 =	vmul.f32 $5.000000000e-01, v9  }
0x104: {  	v10 =	vsub.s32 $0x5F3759DF, v10  }
0x105: {  	v24 =	vmul.f32 v10, v9;
	_ =	sdelay $0x1  }
0x106: {  	v24 =	vmul.f32 v10, v24  }
0x107: {  	(v2sf) =	vpush v23, $0x0  }
0x108: {  	v62 =	vsub.f32 $1.500000000e+00, v24;
	_ =	sdelay $0x1  }
0x109: {  	v10 =	vmul.f32 v10, v62;
	_ =	sdelay $0x1  }
0x10a: {  	v23 =	vmul.f32 v10, v9;
	_ =	sdelay $0x1  }
0x10b: {  	v23 =	vmul.f32 v23, v10;
	_ =	sdelay $0x1  }
0x10c: {  	v23 =	vsub.f32 $1.500000000e+00, v23;
	_ =	sdelay $0x1  }
0x10d: {  	v10 =	vmul.f32 v23, v10;
	_ =	sdelay $0x1  }
0x10e: {  	v9 =	vmul.f32 v10, v9;
	_ =	sdelay $0x1  }
0x10f: {  	s5 =	spop (v2sf);
	v9 =	vmul.f32 v9, v10  }
0x110: {  	s5 =	sshll.u32 s5, $0xA  }
0x111: {  	s5 =	sshra.s32 s5, $0x2;
	v9 =	vsub.f32 $1.500000000e+00, v9  }
0x112: {  	v63 =	vld [tilespmem:s5+$0x8100]  }
0x113: {  	v28 =	vld [tilespmem:s5+$0x8110];
	v9 =	vmul.f32 v9, v10  }
0x114: {  	v29 =	vld [tilespmem:s5+$0x8120]  }
0x115: {  	v25 =	vld [tilespmem:s5+$0x8130];
	v5 =	vmul.f32 v9, v5  }
0x116: {  	v26 =	vld [tilespmem:s5+$0x8140];
	v6 =	vmul.f32 v9, v6  }
0x117: {  	v30 =	vld [tilespmem:s5+$0x8150];
	v7 =	vmul.f32 v9, v7;
	v5 =	vadd.f32 v5, v63  }
0x118: {  	v31 =	vld [tilespmem:s5+$0x8160];
	v8 =	vmul.f32 v9, v8;
	v6 =	vadd.f32 v6, v28  }
0x119: {  	v32 =	vld [tilespmem:s5+$0x8170];
	[tilespmem:s5+$0x8100] =	vst v5;
	v5 =	vadd.f32 v7, v29;
	v7 =	vmul.f32 v9, v11  }
0x11a: {  	v34 =	vld [tilespmem:s5+$0x8180];
	v33 =	vmul.f32 v9, v12;
	[tilespmem:s5+$0x8110] =	vst v6;
	v6 =	vadd.f32 v8, v25  }
0x11b: {  	v35 =	vld [tilespmem:s5+$0x8190];
	[tilespmem:s5+$0x8120] =	vst v5;
	v5 =	vadd.f32 v7, v26;
	v7 =	vmul.f32 v9, v13  }
0x11c: {  	v37 =	vld [tilespmem:s5+$0x81A0];
	v36 =	vmul.f32 v9, v14;
	[tilespmem:s5+$0x8130] =	vst v6;
	v6 =	vadd.f32 v33, v30  }
0x11d: {  	v38 =	vld [tilespmem:s5+$0x81B0];
	[tilespmem:s5+$0x8140] =	vst v5;
	v5 =	vadd.f32 v7, v31;
	v7 =	vmul.f32 v9, v15  }
0x11e: {  	v40 =	vld [tilespmem:s5+$0x81C0];
	v39 =	vmul.f32 v9, v16;
	[tilespmem:s5+$0x8150] =	vst v6;
	v6 =	vadd.f32 v36, v32  }
0x11f: {  	v41 =	vld [tilespmem:s5+$0x81D0];
	[tilespmem:s5+$0x8160] =	vst v5;
	v5 =	vadd.f32 v7, v34;
	v7 =	vmul.f32 v9, v17  }
0x120: {  	v43 =	vld [tilespmem:s5+$0x81E0];
	v42 =	vmul.f32 v9, v18;
	[tilespmem:s5+$0x8170] =	vst v6;
	v6 =	vadd.f32 v35, v39  }
0x121: {  	v44 =	vld [tilespmem:s5+$0x81F0];
	[tilespmem:s5+$0x8180] =	vst v5;
	v5 =	vadd.f32 v37, v7;
	v7 =	vmul.f32 v9, v19  }
0x122: {  	v45 =	vmul.f32 v9, v20;
	[tilespmem:s5+$0x8190] =	vst v6;
	v6 =	vadd.f32 v38, v42  }
0x123: {  	[tilespmem:s5+$0x81A0] =	vst v5;
	v5 =	vadd.f32 v40, v7;
	v7 =	vmul.f32 v9, v21  }
0x124: {  	v46 =	vmul.f32 v9, v22;
	[tilespmem:s5+$0x81B0] =	vst v6;
	v6 =	vadd.f32 v41, v45  }
0x125: {  	[tilespmem:s5+$0x81C0] =	vst v5;
	v5 =	vadd.f32 v43, v7  }
0x126: {  	[tilespmem:s5+$0x81D0] =	vst v6;
	v6 =	vadd.f32 v44, v46  }
0x127: {  	[tilespmem:s5+$0x81E0] =	vst v5  }
0x128: {  	[tilespmem:s5+$0x81F0] =	vst v6  }
0x129: {  	v5 =	vld [tilespmem:s4+$0x4180]  }
0x12a: {  	v6 =	vld [tilespmem:s4+$0x4190];
	_ =	sdelay $0x1  }
0x12b: {  	v7 =	vld [tilespmem:s4+$0x41A0];
	_ =	sdelay $0x1  }
0x12c: {  	v8 =	vld [tilespmem:s4+$0x41B0]  }
0x12d: {  	v47 =	vmul.f32 v5, v5;
	v48 =	vmul.f32 v6, v6  }
0x12e: {  	v49 =	vld [tilespmem:s4+$0x41C0]  }
0x12f: {  	v50 =	vmul.f32 v7, v7;
	v9 =	vadd.f32 v48, v47  }
0x130: {  	v51 =	vld [tilespmem:s4+$0x41D0]  }
0x131: {  	v52 =	vmul.f32 v8, v8;
	v9 =	vadd.f32 v50, v9  }
0x132: {  	v53 =	vld [tilespmem:s4+$0x41E0]  }
0x133: {  	v54 =	vmul.f32 v49, v49;
	v9 =	vadd.f32 v52, v9  }
0x134: {  	v55 =	vld [tilespmem:s4+$0x41F0]  }
0x135: {  	v56 =	vmul.f32 v51, v51;
	v9 =	vadd.f32 v54, v9  }
0x136: {  	v57 =	vld [tilespmem:s4+$0x4580]  }
0x137: {  	v58 =	vmul.f32 v53, v53;
	v9 =	vadd.f32 v56, v9  }
0x138: {  	v59 =	vld [tilespmem:s4+$0x4590]  }
0x139: {  	v60 =	vmul.f32 v55, v55;
	v9 =	vadd.f32 v58, v9  }
0x13a: {  	v61 =	vld [tilespmem:s4+$0x45A0]  }
0x13b: {  	v62 =	vmul.f32 v57, v57;
	v9 =	vadd.f32 v60, v9  }
0x13c: {  	v63 =	vld [tilespmem:s4+$0x45B0]  }
0x13d: {  	v28 =	vmul.f32 v59, v59;
	v9 =	vadd.f32 v62, v9  }
0x13e: {  	v29 =	vld [tilespmem:s4+$0x45C0]  }
0x13f: {  	v30 =	vmul.f32 v61, v61;
	v9 =	vadd.f32 v28, v9  }
0x140: {  	v31 =	vld [tilespmem:s4+$0x45D0]  }
0x141: {  	v32 =	vmul.f32 v63, v63;
	v9 =	vadd.f32 v30, v9  }
0x142: {  	v33 =	vld [tilespmem:s4+$0x45E0]  }
0x143: {  	v34 =	vmul.f32 v29, v29;
	v9 =	vadd.f32 v32, v9  }
0x144: {  	v35 =	vld [tilespmem:s4+$0x45F0]  }
0x145: {  	v36 =	vmul.f32 v31, v31;
	v9 =	vadd.f32 v34, v9;
	_ =	sdelay $0x1  }
0x146: {  	v37 =	vmul.f32 v33, v33;
	v9 =	vadd.f32 v36, v9;
	_ =	sdelay $0x1  }
0x147: {  	v38 =	vmul.f32 v35, v35;
	v9 =	vadd.f32 v37, v9;
	_ =	sdelay $0x1  }
0x148: {  	v9 =	vadd.f32 v38, v9;
	_ =	sdelay $0x1  }
0x149: {  	v10 =	vperm.xlane v9, v1;
	_ =	sdelay $0x1  }
0x14a: {  	v9 =	vadd.f32 v9, v10;
	_ =	sdelay $0x1  }
0x14b: {  	v10 =	vperm.xlane v9, v2;
	_ =	sdelay $0x1  }
0x14c: {  	v9 =	vadd.f32 v9, v10;
	_ =	sdelay $0x1  }
0x14d: {  	v10 =	vperm.xlane v9, v3;
	_ =	sdelay $0x1  }
0x14e: {  	v9 =	vadd.f32 v9, v10;
	_ =	sdelay $0x1  }
0x14f: {  	v10 =	vperm.xlane v9, v4;
	_ =	sdelay $0x1  }
0x150: {  	v9 =	vadd.f32 v9, v10;
	_ =	sdelay $0x1  }
0x151: {  	v39 =	vld [tilespmem:s28+$0x0];
	v10 =	vshrl.u32 v9, $0x1;
	v9 =	vmul.f32 $5.000000000e-01, v9  }
0x152: {  	v10 =	vsub.s32 $0x5F3759DF, v10  }
0x153: {  	v40 =	vmul.f32 v10, v9;
	_ =	sdelay $0x1  }
0x154: {  	v24 =	vmul.f32 v10, v40  }
0x155: {  	(v2sf) =	vpush v39, $0x0  }
0x156: {  	v41 =	vsub.f32 $1.500000000e+00, v24;
	_ =	sdelay $0x1  }
0x157: {  	v10 =	vmul.f32 v10, v41;
	_ =	sdelay $0x1  }
0x158: {  	v23 =	vmul.f32 v10, v9;
	_ =	sdelay $0x1  }
0x159: {  	v23 =	vmul.f32 v23, v10;
	_ =	sdelay $0x1  }
0x15a: {  	v23 =	vsub.f32 $1.500000000e+00, v23;
	_ =	sdelay $0x1  }
0x15b: {  	v10 =	vmul.f32 v23, v10;
	_ =	sdelay $0x1  }
0x15c: {  	v9 =	vmul.f32 v10, v9;
	_ =	sdelay $0x1  }
0x15d: {  	s5 =	spop (v2sf);
	v9 =	vmul.f32 v9, v10  }
0x15e: {  	s4 =	sshll.u32 s5, $0xA  }
0x15f: {  	s4 =	sshra.s32 s4, $0x2;
	v9 =	vsub.f32 $1.500000000e+00, v9  }
0x160: {  	v42 =	vld [tilespmem:s4+$0x8100]  }
0x161: {  	v43 =	vld [tilespmem:s4+$0x8110];
	v9 =	vmul.f32 v9, v10  }
0x162: {  	v44 =	vld [tilespmem:s4+$0x8120]  }
0x163: {  	v45 =	vld [tilespmem:s4+$0x8130];
	v5 =	vmul.f32 v9, v5  }
0x164: {  	v46 =	vld [tilespmem:s4+$0x8140];
	v6 =	vmul.f32 v9, v6  }
0x165: {  	v47 =	vld [tilespmem:s4+$0x8150];
	v7 =	vmul.f32 v9, v7;
	v5 =	vadd.f32 v5, v42  }
0x166: {  	v48 =	vld [tilespmem:s4+$0x8160];
	v8 =	vmul.f32 v9, v8;
	v6 =	vadd.f32 v6, v43  }
0x167: {  	[tilespmem:s4+$0x8100] =	vst v5;
	v5 =	vadd.f32 v7, v44;
	v7 =	vmul.f32 v9, v49;
	v49 =	vld [tilespmem:s4+$0x8170]  }
0x168: {  	v50 =	vmul.f32 v9, v51;
	v51 =	vld [tilespmem:s4+$0x8180];
	[tilespmem:s4+$0x8110] =	vst v6;
	v6 =	vadd.f32 v8, v45  }
0x169: {  	v52 =	vld [tilespmem:s4+$0x8190];
	[tilespmem:s4+$0x8120] =	vst v5;
	v5 =	vadd.f32 v7, v46;
	v7 =	vmul.f32 v9, v53  }
0x16a: {  	v54 =	vld [tilespmem:s4+$0x81A0];
	[tilespmem:s4+$0x8130] =	vst v6;
	v6 =	vadd.f32 v50, v47;
	v53 =	vmul.f32 v9, v55  }
0x16b: {  	v55 =	vld [tilespmem:s4+$0x81B0];
	[tilespmem:s4+$0x8140] =	vst v5;
	v5 =	vadd.f32 v7, v48;
	v7 =	vmul.f32 v9, v57  }
0x16c: {  	v56 =	vmul.f32 v9, v59;
	[tilespmem:s4+$0x8150] =	vst v6;
	v57 =	vld [tilespmem:s4+$0x81C0];
	v6 =	vadd.f32 v53, v49  }
0x16d: {  	v58 =	vld [tilespmem:s4+$0x81D0];
	[tilespmem:s4+$0x8160] =	vst v5;
	v5 =	vadd.f32 v7, v51;
	v7 =	vmul.f32 v9, v61  }
0x16e: {  	v60 =	vld [tilespmem:s4+$0x81E0];
	v59 =	vmul.f32 v9, v63;
	[tilespmem:s4+$0x8170] =	vst v6;
	v6 =	vadd.f32 v52, v56  }
0x16f: {  	v61 =	vld [tilespmem:s4+$0x81F0];
	[tilespmem:s4+$0x8180] =	vst v5;
	v5 =	vadd.f32 v54, v7;
	v7 =	vmul.f32 v9, v29  }
0x170: {  	v62 =	vmul.f32 v9, v31;
	[tilespmem:s4+$0x8190] =	vst v6;
	v6 =	vadd.f32 v55, v59  }
0x171: {  	p0 =	sne.s32 s3, $0x3E00;
	[tilespmem:s4+$0x81A0] =	vst v5;
	v5 =	vadd.f32 v57, v7;
	v7 =	vmul.f32 v9, v33  }
.Ltmp2:
0x172: {  	v63 =	vmul.f32 v9, v35;
	[tilespmem:s4+$0x81B0] =	vst v6;
	v6 =	vadd.f32 v58, v62;
	(pc) =	sbr.rel @p0 .LBB2_6-.Ltmp2, $4  }
0x173: {  	[tilespmem:s4+$0x81C0] =	vst v5;
	v5 =	vadd.f32 v60, v7  }
0x174: {  	[tilespmem:s4+$0x81D0] =	vst v6;
	v6 =	vadd.f32 v61, v63  }
0x175: {  	[tilespmem:s4+$0x81E0] =	vst v5  }
0x176: {  	s0 =	sadd.s32 $0x100, s0;
	s3 =	sadd.s32 $0x200, s3;
	s28 =	sadd.s32 $0x2, s28;
	[tilespmem:s4+$0x81F0] =	vst v6  }
0x177: {  	s0 =	simm.s32 $0x8100  }
0x178: {  	[spmem:s24] =	stream.linear.scatter [tilespmem:s0], [sflag:$0x5], $0x5100, $0x38;
	[tilespmem:$0x17980] =	vst v63  }
0x179: {  	_ =	swait.ge [sflag:s2], $0x5100  }
0x17a: {  	[sflag:s2] =	ssyncset.done $0x0  }
0x17b: {  	[sflag:s2] =	ssyncadd.s32 $0xFFFFAF00  }
0x17c: {  	s3 =	simm.s32 $0xD200;
	[bflag:$0x0] =	sbarrier.arrive $0xFFFF  }
0x17d: {  	[tilespmem:s3], [sflag:$0x1] =	stream.linear.gather [spmem:s6], $0x510, $0x38;
	[tilespmem:$0x17980] =	vst v63  }
0x17e: {  	s4 =	simm.s32 $0xD710  }
0x17f: {  	[tilespmem:s4], [sflag:$0x1] =	stream.linear.gather [spmem:s7], $0x510, $0x38;
	[tilespmem:$0x17980] =	vst v63  }
0x180: {  	s5 =	simm.s32 $0xDC20  }
0x181: {  	[tilespmem:s5], [sflag:$0x1] =	stream.linear.gather [spmem:s8], $0x510, $0x38;
	[tilespmem:$0x17980] =	vst v63  }
0x182: {  	s28 =	simm.s32 $0xE130  }
0x183: {  	[tilespmem:s28], [sflag:$0x1] =	stream.linear.gather [spmem:s9], $0x510, $0x38;
	[tilespmem:$0x17980] =	vst v63  }
0x184: {  	s3 =	simm.s32 $0xE640  }
0x185: {  	[tilespmem:s3], [sflag:$0x1] =	stream.linear.gather [spmem:s10], $0x510, $0x38;
	[tilespmem:$0x17980] =	vst v63  }
0x186: {  	s4 =	simm.s32 $0xEB50  }
0x187: {  	[tilespmem:s4], [sflag:$0x1] =	stream.linear.gather [spmem:s11], $0x510, $0x38;
	[tilespmem:$0x17980] =	vst v63  }
0x188: {  	s5 =	simm.s32 $0xF060  }
0x189: {  	[tilespmem:s5], [sflag:$0x1] =	stream.linear.gather [spmem:s12], $0x510, $0x38;
	[tilespmem:$0x17980] =	vst v63  }
0x18a: {  	s28 =	simm.s32 $0xF570  }
0x18b: {  	[tilespmem:s28], [sflag:$0x1] =	stream.linear.gather [spmem:s13], $0x510, $0x38;
	[tilespmem:$0x17980] =	vst v63  }
0x18c: {  	s3 =	simm.s32 $0xFA80  }
0x18d: {  	[tilespmem:s3], [sflag:$0x1] =	stream.linear.gather [spmem:s14], $0x510, $0x38;
	[tilespmem:$0x17980] =	vst v63  }
0x18e: {  	s4 =	simm.s32 $0xFF90  }
0x18f: {  	[tilespmem:s4], [sflag:$0x1] =	stream.linear.gather [spmem:s15], $0x510, $0x38;
	[tilespmem:$0x17980] =	vst v63  }
0x190: {  	s5 =	simm.s32 $0x104A0  }
0x191: {  	[tilespmem:s5], [sflag:$0x1] =	stream.linear.gather [spmem:s16], $0x510, $0x38;
	[tilespmem:$0x17980] =	vst v63  }
0x192: {  	s28 =	simm.s32 $0x109B0  }
0x193: {  	[tilespmem:s28], [sflag:$0x1] =	stream.linear.gather [spmem:s17], $0x510, $0x38;
	[tilespmem:$0x17980] =	vst v63  }
0x194: {  	s3 =	simm.s32 $0x10EC0  }
0x195: {  	[tilespmem:s3], [sflag:$0x1] =	stream.linear.gather [spmem:s18], $0x510, $0x38;
	[tilespmem:$0x17980] =	vst v63  }
0x196: {  	s4 =	simm.s32 $0x113D0  }
0x197: {  	[tilespmem:s4], [sflag:$0x1] =	stream.linear.gather [spmem:s19], $0x510, $0x38;
	[tilespmem:$0x17980] =	vst v63  }
0x198: {  	s5 =	simm.s32 $0x118E0  }
0x199: {  	[tilespmem:s5], [sflag:$0x1] =	stream.linear.gather [spmem:s21], $0x510, $0x38;
	[tilespmem:$0x17980] =	vst v63  }
0x19a: {  	s28 =	simm.s32 $0x11DF0  }
0x19b: {  	[tilespmem:s28], [sflag:$0x1] =	stream.linear.gather [spmem:s22], $0x510, $0x38;
	[tilespmem:$0x17980] =	vst v63  }
0x19c: {  	_ =	swait.ge [sflag:s26], $0x510  }
0x19d: {  	[sflag:s26] =	ssyncset.done $0x0  }
0x19e: {  	[sflag:s26] =	ssyncadd.s32 $0xFFFFFAF0  }
0x19f: {  	_ =	swait.ge [sflag:s26], $0x510  }
0x1a0: {  	[sflag:s26] =	ssyncset.done $0x0  }
0x1a1: {  	[sflag:s26] =	ssyncadd.s32 $0xFFFFFAF0  }
0x1a2: {  	_ =	swait.ge [sflag:s26], $0x510  }
0x1a3: {  	[sflag:s26] =	ssyncset.done $0x0  }
0x1a4: {  	[sflag:s26] =	ssyncadd.s32 $0xFFFFFAF0  }
0x1a5: {  	_ =	swait.ge [sflag:s26], $0x510  }
0x1a6: {  	[sflag:s26] =	ssyncset.done $0x0  }
0x1a7: {  	[sflag:s26] =	ssyncadd.s32 $0xFFFFFAF0  }
0x1a8: {  	_ =	swait.ge [sflag:s26], $0x510  }
0x1a9: {  	[sflag:s26] =	ssyncset.done $0x0  }
0x1aa: {  	[sflag:s26] =	ssyncadd.s32 $0xFFFFFAF0  }
0x1ab: {  	_ =	swait.ge [sflag:s26], $0x510  }
0x1ac: {  	[sflag:s26] =	ssyncset.done $0x0  }
0x1ad: {  	[sflag:s26] =	ssyncadd.s32 $0xFFFFFAF0  }
0x1ae: {  	_ =	swait.ge [sflag:s26], $0x510  }
0x1af: {  	[sflag:s26] =	ssyncset.done $0x0  }
0x1b0: {  	[sflag:s26] =	ssyncadd.s32 $0xFFFFFAF0  }
0x1b1: {  	_ =	swait.ge [sflag:s26], $0x510  }
0x1b2: {  	[sflag:s26] =	ssyncset.done $0x0  }
0x1b3: {  	[sflag:s26] =	ssyncadd.s32 $0xFFFFFAF0  }
0x1b4: {  	_ =	swait.ge [sflag:s26], $0x510  }
0x1b5: {  	[sflag:s26] =	ssyncset.done $0x0  }
0x1b6: {  	[sflag:s26] =	ssyncadd.s32 $0xFFFFFAF0  }
0x1b7: {  	_ =	swait.ge [sflag:s26], $0x510  }
0x1b8: {  	[sflag:s26] =	ssyncset.done $0x0  }
0x1b9: {  	[sflag:s26] =	ssyncadd.s32 $0xFFFFFAF0  }
0x1ba: {  	_ =	swait.ge [sflag:s26], $0x510  }
0x1bb: {  	[sflag:s26] =	ssyncset.done $0x0  }
0x1bc: {  	[sflag:s26] =	ssyncadd.s32 $0xFFFFFAF0  }
0x1bd: {  	_ =	swait.ge [sflag:s26], $0x510  }
0x1be: {  	[sflag:s26] =	ssyncset.done $0x0  }
0x1bf: {  	[sflag:s26] =	ssyncadd.s32 $0xFFFFFAF0  }
0x1c0: {  	_ =	swait.ge [sflag:s26], $0x510  }
0x1c1: {  	[sflag:s26] =	ssyncset.done $0x0  }
0x1c2: {  	[sflag:s26] =	ssyncadd.s32 $0xFFFFFAF0  }
0x1c3: {  	_ =	swait.ge [sflag:s26], $0x510  }
0x1c4: {  	[sflag:s26] =	ssyncset.done $0x0  }
0x1c5: {  	[sflag:s26] =	ssyncadd.s32 $0xFFFFFAF0  }
0x1c6: {  	_ =	swait.ge [sflag:s26], $0x510  }
0x1c7: {  	[sflag:s26] =	ssyncset.done $0x0  }
0x1c8: {  	[sflag:s26] =	ssyncadd.s32 $0xFFFFFAF0  }
0x1c9: {  	_ =	swait.ge [sflag:s26], $0x510  }
0x1ca: {  	[sflag:s26] =	ssyncset.done $0x0  }
0x1cb: {  	s0 =	simm.s32 $0x0;
	[sflag:s26] =	ssyncadd.s32 $0xFFFFFAF0  }
0x1cc: {  	v5 =	vld [tilespmem:s0+$0xD200]  }
0x1cd: {  	v6 =	vld [tilespmem:s0+$0xD710];
	_ =	sdelay $0x1  }
0x1ce: {  	v7 =	vld [tilespmem:s0+$0xDC20];
	_ =	sdelay $0x1  }
0x1cf: {  	v8 =	vld [tilespmem:s0+$0xE130]  }
0x1d0: {  	v5 =	vadd.f32 v6, v5  }
0x1d1: {  	v6 =	vld [tilespmem:s0+$0xE640]  }
0x1d2: {  	v5 =	vadd.f32 v7, v5  }
0x1d3: {  	v7 =	vld [tilespmem:s0+$0xEB50]  }
0x1d4: {  	v5 =	vadd.f32 v8, v5  }
0x1d5: {  	v8 =	vld [tilespmem:s0+$0xF060]  }
0x1d6: {  	v5 =	vadd.f32 v6, v5  }
0x1d7: {  	s3 =	simm.s32 $0x0;
	v6 =	vld [tilespmem:s0+$0xF570]  }
0x1d8: {  	s4 =	sand.u32 $0x7F0, s3;
	v5 =	vadd.f32 v7, v5  }
0x1d9: {  	v9 =	vld [tilespmem:s4+$0xFA80]  }
0x1da: {  	v5 =	vadd.f32 v8, v5  }
0x1db: {  	v10 =	vld [tilespmem:s0+$0xFF90]  }
0x1dc: {  	v5 =	vadd.f32 v6, v5  }
0x1dd: {  	v7 =	vld [tilespmem:s0+$0x104A0]  }
0x1de: {  	s4 =	simm.s32 $0x10;
	v8 =	vld [tilespmem:s0+$0x109B0];
	v9 =	vadd.f32 v9, v5  }
0x1df: {  	v6 =	vld [tilespmem:s4+$0xD200]  }
0x1e0: {  	s5 =	simm.s32 $0x80;
	v5 =	vld [tilespmem:s0+$0x10EC0];
	v9 =	vadd.f32 v10, v9  }
.LBB2_8:
0x1e1: {  	p0 =	sne.s32 s5, $0x1400;
	v10 =	vld [tilespmem:s4+$0xD710]  }
0x1e2: {  	v7 =	vadd.f32 v7, v9;
	v9 =	vld [tilespmem:s0+$0x113D0]  }
0x1e3: {  	v11 =	vld [tilespmem:s4+$0xDC20]  }
0x1e4: {  	v7 =	vadd.f32 v8, v7;
	v8 =	vld [tilespmem:s0+$0x118E0]  }
0x1e5: {  	v12 =	vld [tilespmem:s4+$0xE130]  }
0x1e6: {  	v6 =	vadd.f32 v10, v6;
	v5 =	vadd.f32 v5, v7;
	v7 =	vld [tilespmem:s0+$0x11DF0]  }
0x1e7: {  	v10 =	vld [tilespmem:s4+$0xE640]  }
0x1e8: {  	v6 =	vadd.f32 v11, v6;
	v5 =	vadd.f32 v9, v5  }
0x1e9: {  	v9 =	vld [tilespmem:s4+$0xEB50]  }
0x1ea: {  	v6 =	vadd.f32 v12, v6;
	v5 =	vadd.f32 v8, v5  }
0x1eb: {  	v8 =	vld [tilespmem:s4+$0xF060]  }
0x1ec: {  	v6 =	vadd.f32 v10, v6;
	v5 =	vadd.f32 v7, v5  }
0x1ed: {  	s3 =	sadd.s32 $0x10, s3;
	v7 =	vld [tilespmem:s4+$0xF570]  }
0x1ee: {  	s28 =	sand.u32 $0x7F0, s3;
	v6 =	vadd.f32 v9, v6;
	[tilespmem:s0+$0x12300] =	vst v5;
	s0 =	smov.u32 s4  }
0x1ef: {  	v5 =	vld [tilespmem:s28+$0xFA80]  }
0x1f0: {  	v6 =	vadd.f32 v8, v6  }
0x1f1: {  	v9 =	vld [tilespmem:s0+$0xFF90]  }
.Ltmp3:
0x1f2: {  	v6 =	vadd.f32 v7, v6;
	(pc) =	sbr.rel @p0 .LBB2_8-.Ltmp3, $4  }
0x1f3: {  	v7 =	vld [tilespmem:s0+$0x104A0]  }
0x1f4: {  	v10 =	vadd.f32 v5, v6;
	v5 =	vld [tilespmem:s0+$0x10EC0]  }
0x1f5: {  	s4 =	sshra.s32 s5, $0x2;
	v8 =	vld [tilespmem:s0+$0x109B0]  }
0x1f6: {  	s5 =	sadd.s32 $0x40, s5;
	v6 =	vld [tilespmem:s4+$0xD200];
	v9 =	vadd.f32 v9, v10  }
0x1f7: {  	v10 =	vld [tilespmem:s4+$0xD710]  }
0x1f8: {  	v56 =	vld [tilespmem:s0+$0x113D0];
	v7 =	vadd.f32 v7, v9  }
0x1f9: {  	v11 =	vld [tilespmem:s4+$0xDC20]  }
0x1fa: {  	v57 =	vld [tilespmem:s0+$0x118E0];
	v7 =	vadd.f32 v8, v7  }
0x1fb: {  	v12 =	vld [tilespmem:s4+$0xE130]  }
0x1fc: {  	v58 =	vld [tilespmem:s4+$0xE640];
	v6 =	vadd.f32 v10, v6;
	v5 =	vadd.f32 v5, v7  }
0x1fd: {  	v7 =	vld [tilespmem:s0+$0x11DF0]  }
0x1fe: {  	v6 =	vadd.f32 v11, v6;
	v5 =	vadd.f32 v56, v5  }
0x1ff: {  	v59 =	vld [tilespmem:s4+$0xEB50]  }
0x200: {  	v6 =	vadd.f32 v12, v6;
	v5 =	vadd.f32 v57, v5  }
0x201: {  	v60 =	vld [tilespmem:s4+$0xF060]  }
0x202: {  	v6 =	vadd.f32 v58, v6;
	v5 =	vadd.f32 v7, v5  }
0x203: {  	s3 =	sadd.s32 $0x10, s3;
	v7 =	vld [tilespmem:s4+$0xF570]  }
0x204: {  	s3 =	sand.u32 $0x7F0, s3;
	v6 =	vadd.f32 v59, v6;
	[tilespmem:s0+$0x12300] =	vst v5  }
0x205: {  	v5 =	vld [tilespmem:s3+$0xFA80]  }
0x206: {  	v6 =	vadd.f32 v60, v6  }
0x207: {  	v61 =	vld [tilespmem:s4+$0xFF90]  }
0x208: {  	v6 =	vadd.f32 v7, v6  }
0x209: {  	v7 =	vld [tilespmem:s4+$0x104A0]  }
0x20a: {  	v5 =	vadd.f32 v5, v6  }
0x20b: {  	v6 =	vld [tilespmem:s4+$0x109B0]  }
0x20c: {  	v5 =	vadd.f32 v61, v5  }
0x20d: {  	v62 =	vld [tilespmem:s4+$0x10EC0]  }
0x20e: {  	v5 =	vadd.f32 v7, v5  }
0x20f: {  	v7 =	vld [tilespmem:s4+$0x113D0]  }
0x210: {  	v5 =	vadd.f32 v6, v5  }
0x211: {  	v6 =	vld [tilespmem:s4+$0x118E0]  }
0x212: {  	v5 =	vadd.f32 v62, v5  }
0x213: {  	v63 =	vld [tilespmem:s4+$0x11DF0]  }
0x214: {  	v5 =	vadd.f32 v7, v5;
	_ =	sdelay $0x1  }
0x215: {  	v5 =	vadd.f32 v6, v5;
	_ =	sdelay $0x1  }
0x216: {  	s29 =	sadd.s32 $0x1, s29;
	v5 =	vadd.f32 v63, v5  }
0x217: {  	p0 =	sne.s32 s29, s25  }
.Ltmp4:
0x218: {  	s5 =	simm.s32 $0x0;
	s28 =	simm.s32 $0x12300;
	[tilespmem:s4+$0x12300] =	vst v5;
	(pc) =	sbr.rel @p0 .LBB2_1-.Ltmp4, $4  }
0x219: {  	[hbm4b:s20+s5] =	stream.linear.scatter [tilespmem:s28], [sflag:$0x5], $0x510, $0x38;
	[tilespmem:$0x17980] =	vst v63  }
0x21a: {  	_ =	swait.ge [sflag:s2], $0x510  }
0x21b: {  	[sflag:s2] =	ssyncset.done $0x0  }
0x21c: {  	[sflag:s2] =	ssyncadd.s32 $0xFFFFFAF0  }
0x21d: {  	_ =	sfence.sel $0x180000  }
0x21e: {  	[bflag:$0x0] =	sbarrier.arrive $0xFFFF  }
0x21f: {  	_ =	strace $0x90000047  }
0x220: {  	s0 =	stileid.u32;
	[bflag:$0x2] =	sbarrier.arrive $0xFFFF  }
0x221: {  	p0 =	sne.s32 s0, $0x0;
	s0 =	rddreg [dreg:$0x4]  }
0x222: {  	s0 =	sadd.s32 @!p0 $0x100000, s0  }
0x223: {  	[sflag:s0] =	ssyncadd.tile.s32 @!p0 $0x1;
	_ =	shalt  }
.Lfunc_end2:
_tile_overlayer_lowered:
.L_overlay_start_2:
0x224: {  	(tag) =	ssettag $0x2  }
0x225: {  	s0 =	rddreg [dreg:$0x0];
	s2 =	stileid.u32  }
0x226: {  	s1 =	rddreg [dreg:$0x1];
	p0 =	sne.s32 s2, $0x0  }
0x227: {  	s3 =	rddreg [dreg:$0x2];
	[bflag:$0x3] =	sbarrier.arrive $0xFFFF;
	s2 =	simm.s32 @!p0 $0x1C05  }
0x228: {  	[timem:s3], [sflag:s2] =	dma.local @!p0 [hbm:s0], s1  }
0x229: {  	s0 =	simm.s32 @!p0 $0x5  }
0x22a: {  	_ =	swait.ge @!p0 [sflag:s0], s1  }
0x22b: {  	s1 =	ssub.s32 @!p0 $0x0, s1;
	[sflag:s0] =	ssyncset.done @!p0 $0x0  }
0x22c: {  	[sflag:s0] =	ssyncadd.s32 @!p0 s1  }
0x22d: {  	[bflag:$0x3] =	sbarrier.arrive $0xFFFF  }
0x22e: {  	_ =	shalt  }

</sc_bundles>
